<compile_context>
chip_gen: v7x
topology: tpu7x:2x2x1
jax: 0.10.2.dev20260603
libtpu: 0.0.44.dev20260713+nightly
codegen_flags: <defaults>
</compile_context>

<pallas_src>
import dataclasses
import functools

import jax
import jax.numpy as jnp
import numpy as np
from jax import lax
from jax.experimental import pallas as pl
from jax.experimental.pallas import tpu as pltpu
from jax.experimental.pallas import tpu_sc as plsc

F32 = jnp.float32
I32 = jnp.int32

_NC = 2
_NS = 16
_NW = _NC * _NS
_L = 16
_CH = 128
_CC = 80

def _hi_dot(a, b):
    return jnp.dot(a, b, preferred_element_type=F32)


def _exact_dot(a, b):
    return jnp.dot(a, b, preferred_element_type=F32,
                   precision=lax.Precision.HIGHEST)


def _tc1_body(x_ref, w1_ref, as_ref, ad_ref, s1_ref, t1r_ref, *, hc1, h1n):
    h = _hi_dot(x_ref[...], w1_ref[...])
    a_s = _hi_dot(h, as_ref[...])
    a_d = _hi_dot(h, ad_ref[...])
    s1_ref[:, 0:hc1] = h
    s1_ref[:, hc1:hc1 + h1n] = a_s
    s1_ref[:, hc1 + h1n:hc1 + 2 * h1n] = a_d
    t1r_ref[:, 0:h1n] = a_d
    t1r_ref[:, h1n:2 * h1n] = a_s


def _tc2_body(p_ref, s1_ref, b1_ref, w2_ref, vs2_ref, vd2_ref, erep_ref,
              s2_ref, d2_ref, *, hc1, h1n, c2, bn):
    h1 = s1_ref[:, 0:hc1]
    as1 = s1_ref[:, hc1:hc1 + h1n]
    ad1 = s1_ref[:, hc1 + h1n:hc1 + 2 * h1n]
    aself = as1 + ad1
    aself = jnp.maximum(aself, 0.2 * aself)
    wself = jnp.exp(aself)
    erep = erep_ref[...]
    num = p_ref[0, :, 0:hc1] + p_ref[1, :, 0:hc1] + _exact_dot(wself, erep) * h1
    den = p_ref[0, :, hc1:hc1 + h1n] + p_ref[1, :, hc1:hc1 + h1n] + wself
    o1 = num / (_exact_dot(den, erep) + 1e-16) + b1_ref[...]
    o1 = jnp.where(o1 > 0, o1, jnp.exp(jnp.minimum(o1, 0.0)) - 1.0)
    h2 = _hi_dot(o1, w2_ref[...])
    as2 = jnp.sum(h2 * vs2_ref[...], axis=1, keepdims=True)
    ad2 = jnp.sum(h2 * vd2_ref[...], axis=1, keepdims=True)
    s2_ref[:, 0:c2] = h2
    s2_ref[:, c2:2 * c2] = jnp.broadcast_to(as2, (bn, c2))
    d2_ref[...] = jnp.broadcast_to(ad2, (bn, c2))


def _tc3_body(p_ref, s2_ref, d2_ref, b2_ref, out_ref, *, c2):
    h2 = s2_ref[:, 0:c2]
    a = s2_ref[:, c2:2 * c2] + d2_ref[...]
    a = jnp.maximum(a, 0.2 * a)
    w = jnp.exp(a)
    num = p_ref[0, :, 0:c2] + p_ref[1, :, 0:c2] + w * h2
    den = p_ref[0, :, c2:2 * c2] + p_ref[1, :, c2:2 * c2] + w
    o = num / (den + 1e-16) + b2_ref[...]
    m = jnp.max(o, axis=1, keepdims=True)
    lse = jnp.log(jnp.sum(jnp.exp(o - m), axis=1, keepdims=True))
    out_ref[...] = o - m - lse


def _zero_vec():
    return (lax.iota(I32, _L) * 0).astype(F32)


def _lane_gather(vec, idx):
    dnums = lax.GatherDimensionNumbers(
        offset_dims=(), collapsed_slice_dims=(0,), start_index_map=(0,))
    return lax.gather(vec, idx[:, None], dnums, (1,),
                      mode=lax.GatherScatterMode.PROMISE_IN_BOUNDS)


def _sc_edge_kernel(s_hbm, t_hbm, src_hbm, dst_hbm, out_hbm,
                    src_l, dst_l, gsrc, gdst, stage, wbuf, acc, gsem, ssem,
                    *, nch_total, nch_max, n_pad, width, hwidth, nheadpair):
    cid = lax.axis_index("c")
    sid = lax.axis_index("s")
    wid = cid * _NS + sid
    rps = n_pad // _NS

    q, r = divmod(nch_total, _NW)
    cnt = q + (wid >= (_NW - r)).astype(I32) if r else q
    start = wid * q + jnp.maximum(wid - (_NW - r), 0)
    pltpu.sync_copy(src_hbm.at[pl.ds(start, nch_max)], src_l)
    pltpu.sync_copy(dst_hbm.at[pl.ds(start, nch_max)], dst_l)

    zero = _zero_vec()
    nvec = width // _L

    @pl.loop(0, _CC)
    def _zero_stage(r):
        for q in range(nvec):
            stage[0, r, pl.ds(q * _L, _L)] = zero

    base = sid * rps
    nfull = rps // _CC

    @pl.loop(0, nfull)
    def _zero_acc(k):
        pltpu.sync_copy(stage.at[0, pl.ds(0, _CC)],
                        acc.at[pl.ds(base + k * _CC, _CC)])

    plsc.subcore_barrier()

    lanes = lax.iota(I32, _L)
    upper = (lanes >= (_L // 2)).astype(I32)
    patterns = [2 * p + upper for p in range(nheadpair)]

    def gather_start(b, j):
        pltpu.async_copy(s_hbm.at[src_l.at[j]], gsrc.at[b], gsem.at[b])
        pltpu.async_copy(t_hbm.at[dst_l.at[j]], gdst.at[b], gsem.at[b])

    def gather_wait(b, j):
        pltpu.make_async_copy(s_hbm.at[src_l.at[j]], gsrc.at[b],
                              gsem.at[b]).wait()
        pltpu.make_async_copy(t_hbm.at[dst_l.at[j]], gdst.at[b],
                              gsem.at[b]).wait()

    def scatter_wait(b, j):
        pltpu.make_async_copy(stage.at[b], acc.at[dst_l.at[j]],
                              ssem.at[b]).wait()

    gather_start(0, 0)
    gather_start(1, 1)

    @pl.loop(0, cnt, step=2)
    def _chunk(j):
        for b in (0, 1):
            jj = j + b

            def _work(b=b, jj=jj):
                gather_wait(b, jj)

                @pl.when(jj >= 2)
                def _():
                    scatter_wait(b, jj - 2)

                @plsc.parallel_loop(0, _CH)
                def _edge(e):
                    a16 = gsrc[b, e, pl.ds(hwidth, _L)]
                    d16 = gdst[b, e, pl.ds(0, _L)]
                    al = a16 + d16
                    al = jnp.maximum(al, 0.2 * al)
                    w = jnp.exp(al)
                    stage[b, e, pl.ds(hwidth, _L)] = w
                    if nheadpair == 1:
                        stage[b, e, pl.ds(0, _L)] = (
                            gsrc[b, e, pl.ds(0, _L)] * w)
                    else:
                        for p in range(nheadpair):
                            wv = _lane_gather(w, patterns[p])
                            stage[b, e, pl.ds(p * _L, _L)] = (
                                gsrc[b, e, pl.ds(p * _L, _L)] * wv)

                pltpu.async_copy(stage.at[b], acc.at[dst_l.at[jj]],
                                 ssem.at[b], add=True)

                @pl.when(jj + 2 < cnt)
                def _():
                    gather_start(b, jj + 2)

            if b == 0:
                _work()
            else:
                pl.when(jj < cnt)(_work)

    scatter_wait(0, 0)
    scatter_wait(1, 1)

    plsc.subcore_barrier()

    @pl.loop(0, nfull)
    def _copyout(k):
        pltpu.sync_copy(acc.at[pl.ds(base + k * _CC, _CC)],
                        out_hbm.at[cid, pl.ds(base + k * _CC, _CC)])


def _sc_layer(s_tab, t_tab, src2d, dst2d, *, n_pad, n_edges, width, hwidth,
              nheadpair):
    nch_total = n_edges // _CH
    nch_max = -(-nch_total // _NW)
    mesh = plsc.VectorSubcoreMesh(core_axis_name="c", subcore_axis_name="s")
    body = functools.partial(
        _sc_edge_kernel, nch_total=nch_total, nch_max=nch_max, n_pad=n_pad,
        width=width, hwidth=hwidth, nheadpair=nheadpair)
    cp = pltpu.CompilerParams()
    if "needs_layout_passes" in pltpu.CompilerParams.__dataclass_fields__:
        cp = dataclasses.replace(cp, needs_layout_passes=False)
    if "use_tc_tiling_on_sc" in pltpu.CompilerParams.__dataclass_fields__:
        cp = dataclasses.replace(cp, use_tc_tiling_on_sc=False)
    kern = pl.kernel(
        body,
        out_type=jax.ShapeDtypeStruct((_NC, n_pad, width), F32),
        mesh=mesh,
        compiler_params=cp,
        scratch_types=[
            pltpu.VMEM((nch_max, _CH), I32),
            pltpu.VMEM((nch_max, _CH), I32),
            pltpu.VMEM((2, _CH, width), F32),
            pltpu.VMEM((2, _CH, _L), F32),
            pltpu.VMEM((2, _CH, width), F32),
            pltpu.VMEM((_L,), F32),
            pltpu.VMEM_SHARED((n_pad, width), F32),
            pltpu.SemaphoreType.DMA((2,)),
            pltpu.SemaphoreType.DMA((2,)),
        ],
    )
    return kern(s_tab, t_tab, src2d, dst2d)


def kernel(x, edge_index, W1, att_src1, att_dst1, b1, W2, att_src2, att_dst2,
           b2):
    with jax.enable_x64(False):
        out = _kernel_impl(x, edge_index, W1, att_src1, att_dst1, b1, W2,
                           att_src2, att_dst2, b2)
    return out.astype(jnp.float64)


def _kernel_impl(x, edge_index, W1, att_src1, att_dst1, b1, W2, att_src2,
                 att_dst2, b2):
    x = x.astype(F32)
    n, d = x.shape
    h1n, c1 = att_src1.shape
    hc1 = h1n * c1
    c2 = att_src2.shape[1]
    e = edge_index.shape[1]

    ei = edge_index.astype(I32)
    src2d = ei[0].reshape(e // _CH, _CH)
    dst2d = ei[1].reshape(e // _CH, _CH)
    n_pad = -(-n // (_NS * _CC)) * (_NS * _CC)

    mask = np.zeros((hc1, h1n), np.float32)
    mask[np.arange(hc1), np.repeat(np.arange(h1n), c1)] = 1.0
    maskc = jnp.asarray(mask)
    As = maskc * att_src1.astype(F32).reshape(hc1, 1)
    Ad = maskc * att_dst1.astype(F32).reshape(hc1, 1)
    erep = jnp.asarray(np.kron(np.eye(h1n), np.ones((1, c1))), F32)

    bn = 2000
    grid = (n // bn,)
    w1 = W1.astype(F32)

    s1, t1r = pl.pallas_call(
        functools.partial(_tc1_body, hc1=hc1, h1n=h1n),
        grid=grid,
        in_specs=[
            pl.BlockSpec((bn, d), lambda i: (i, 0)),
            pl.BlockSpec((d, hc1), lambda i: (0, 0)),
            pl.BlockSpec((hc1, h1n), lambda i: (0, 0)),
            pl.BlockSpec((hc1, h1n), lambda i: (0, 0)),
        ],
        out_specs=[
            pl.BlockSpec((bn, hc1 + 2 * h1n), lambda i: (i, 0)),
            pl.BlockSpec((bn, 2 * h1n), lambda i: (i, 0)),
        ],
        out_shape=[
            jax.ShapeDtypeStruct((n, hc1 + 2 * h1n), F32),
            jax.ShapeDtypeStruct((n, 2 * h1n), F32),
        ],
    )(x, w1, As, Ad)

    p1 = _sc_layer(s1, t1r, src2d, dst2d, n_pad=n_pad, n_edges=e,
                   width=hc1 + 2 * h1n, hwidth=hc1, nheadpair=h1n // 2)

    s2, d2 = pl.pallas_call(
        functools.partial(_tc2_body, hc1=hc1, h1n=h1n, c2=c2, bn=bn),
        grid=grid,
        in_specs=[
            pl.BlockSpec((_NC, bn, hc1 + 2 * h1n), lambda i: (0, i, 0)),
            pl.BlockSpec((bn, hc1 + 2 * h1n), lambda i: (i, 0)),
            pl.BlockSpec((1, hc1), lambda i: (0, 0)),
            pl.BlockSpec((hc1, c2), lambda i: (0, 0)),
            pl.BlockSpec((1, c2), lambda i: (0, 0)),
            pl.BlockSpec((1, c2), lambda i: (0, 0)),
            pl.BlockSpec((h1n, hc1), lambda i: (0, 0)),
        ],
        out_specs=[
            pl.BlockSpec((bn, 2 * c2), lambda i: (i, 0)),
            pl.BlockSpec((bn, c2), lambda i: (i, 0)),
        ],
        out_shape=[
            jax.ShapeDtypeStruct((n, 2 * c2), F32),
            jax.ShapeDtypeStruct((n, c2), F32),
        ],
    )(p1, s1, b1.astype(F32).reshape(1, hc1), W2.astype(F32),
      att_src2.astype(F32).reshape(1, c2), att_dst2.astype(F32).reshape(1, c2),
      erep)

    p2 = _sc_layer(s2, d2, src2d, dst2d, n_pad=n_pad, n_edges=e,
                   width=2 * c2, hwidth=c2, nheadpair=1)

    out = pl.pallas_call(
        functools.partial(_tc3_body, c2=c2),
        grid=grid,
        in_specs=[
            pl.BlockSpec((_NC, bn, 2 * c2), lambda i: (0, i, 0)),
            pl.BlockSpec((bn, 2 * c2), lambda i: (i, 0)),
            pl.BlockSpec((bn, c2), lambda i: (i, 0)),
            pl.BlockSpec((1, c2), lambda i: (0, 0)),
        ],
        out_specs=pl.BlockSpec((bn, c2), lambda i: (i, 0)),
        out_shape=jax.ShapeDtypeStruct((n, c2), F32),
    )(p2, s2, d2, b2.astype(F32).reshape(1, c2))

    return out

# --- scband reference (transcript-rebuilt; emitter-appended) ---
"""Pipeline reference for scband-gat-69277822484766 (READ-ONLY COPY).

The authoritative reference and input builder live on the scoring server;
editing this copy changes nothing except your own understanding.
"""

import jax, jax.numpy as jnp
import numpy as np
jax.config.update("jax_enable_x64", True)

N = 10000
D = 128
E = 320000
NHID = 8
HEADS1 = 8
NCLASS = 16


def _gat_conv(x, edge_index, W, att_src, att_dst, bias, heads, out_ch, concat):
    n = x.shape[0]
    h = (x @ W).reshape(n, heads, out_ch)
    # PyG GATConv default add_self_loops=True
    loop = jnp.arange(n, dtype=edge_index.dtype)
    src = jnp.concatenate([edge_index[0], loop])
    dst = jnp.concatenate([edge_index[1], loop])
    a_src = jnp.sum(h * att_src[None, :, :], axis=-1)  # [N, H]
    a_dst = jnp.sum(h * att_dst[None, :, :], axis=-1)  # [N, H]
    alpha = a_src[src] + a_dst[dst]                    # [E+N, H]
    alpha = jax.nn.leaky_relu(alpha, negative_slope=0.2)
    amax = jax.ops.segment_max(alpha, dst, num_segments=n)
    alpha = jnp.exp(alpha - amax[dst])
    denom = jax.ops.segment_sum(alpha, dst, num_segments=n)
    alpha = alpha / (denom[dst] + 1e-16)
    out = jax.ops.segment_sum(h[src] * alpha[..., None], dst, num_segments=n)
    if concat:
        out = out.reshape(n, heads * out_ch)
    else:
        out = jnp.mean(out, axis=1)
    return out + bias


def setup_inputs(seed: int = 0) -> dict:
    key = jax.random.key(seed)
    ks = jax.random.split(key, 10)
    x = jax.random.normal(ks[0], (N, D), dtype=jnp.float32)
    edge_index = jax.random.randint(ks[1], (2, E), 0, N, dtype=jnp.int64)
    W1 = jax.random.normal(ks[2], (D, HEADS1 * NHID), dtype=jnp.float32) * (1.0 / np.sqrt(D))
    att_src1 = jax.random.normal(ks[3], (HEADS1, NHID), dtype=jnp.float32) * 0.1
    att_dst1 = jax.random.normal(ks[4], (HEADS1, NHID), dtype=jnp.float32) * 0.1
    b1 = jnp.zeros((HEADS1 * NHID,), dtype=jnp.float32)
    W2 = jax.random.normal(ks[5], (HEADS1 * NHID, 1 * NCLASS), dtype=jnp.float32) * (1.0 / np.sqrt(HEADS1 * NHID))
    att_src2 = jax.random.normal(ks[6], (1, NCLASS), dtype=jnp.float32) * 0.1
    att_dst2 = jax.random.normal(ks[7], (1, NCLASS), dtype=jnp.float32) * 0.1
    b2 = jnp.zeros((NCLASS,), dtype=jnp.float32)
    return {"x": x, "edge_index": edge_index, "W1": W1, "att_src1": att_src1,
            "att_dst1": att_dst1, "b1": b1, "W2": W2, "att_src2": att_src2,
            "att_dst2": att_dst2, "b2": b2}


def reference(x, edge_index, W1, att_src1, att_dst1, b1, W2, att_src2, att_dst2, b2):
    # eval mode: F.dropout and GATConv internal dropout are identity
    h = _gat_conv(x, edge_index, W1, att_src1, att_dst1, b1, HEADS1, NHID, True)
    h = jax.nn.elu(h)
    h = _gat_conv(h, edge_index, W2, att_src2, att_dst2, b2, 1, NCLASS, False)
    return jax.nn.log_softmax(h, axis=1)

if __name__ == "__main__":
    import jax
    _d = setup_inputs()
    print(jax.jit(kernel)(*tuple(_d.values())))

</pallas_src>

<mosaic_0001>
#map = affine_map<(d0, d1) -> (0, 0)>
#map1 = affine_map<(d0, d1) -> (0, 0, 0)>
module attributes {stable_mosaic.version = 14 : i64} {
  func.func @_sc_edge_kernel(%arg0: i32, %arg1: i32, %arg2: memref<10000x80xf32, #tpu.memory_space<hbm>>, %arg3: memref<10000x16xf32, #tpu.memory_space<hbm>>, %arg4: memref<2500x128xi32, #tpu.memory_space<hbm>>, %arg5: memref<2500x128xi32, #tpu.memory_space<hbm>>, %arg6: memref<2x10240x80xf32, #tpu.memory_space<hbm>>, %arg7: memref<79x128xi32, #tpu.memory_space<vmem>>, %arg8: memref<79x128xi32, #tpu.memory_space<vmem>>, %arg9: memref<2x128x80xf32, #tpu.memory_space<vmem>>, %arg10: memref<2x128x16xf32, #tpu.memory_space<vmem>>, %arg11: memref<2x128x80xf32, #tpu.memory_space<vmem>>, %arg12: memref<16xf32, #tpu.memory_space<vmem>>, %arg13: memref<10240x80xf32, #tpu.memory_space<vmem_shared>>, %arg14: memref<2x!tpu.dma_semaphore, #tpu.memory_space<semaphore_mem>>, %arg15: memref<2x!tpu.dma_semaphore, #tpu.memory_space<semaphore_mem>>) attributes {dimension_semantics = [#tpu.dimension_semantics<core_parallel>, #tpu.dimension_semantics<subcore_parallel>], iteration_bounds = array<i64: 2, 16>, scalar_prefetch = 0 : i64, scratch_operands = 9 : i64, tpu.core_type = #tpu.core_type<sc_vector_subcore>, window_params = [{transform_indices = #map}, {transform_indices = #map}, {transform_indices = #map}, {transform_indices = #map}, {transform_indices = #map1}]} {
    %mul3A = arith.constant 16 : i32
    %mul3A_0 = arith.muli %arg0, %mul3A : i32
    %add3A = arith.addi %mul3A_0, %arg1 : i32
    %ge3A = arith.constant 28 : i32
    %ge3A_1 = arith.cmpi sge, %add3A, %ge3A : i32
    %convert_element_type3A = arith.extui %ge3A_1 : i1 to i32
    %add3A_2 = arith.constant 78 : i32
    %add3A_3 = arith.addi %add3A_2, %convert_element_type3A : i32
    %mul3A_4 = arith.constant 78 : i32
    %mul3A_5 = arith.muli %add3A, %mul3A_4 : i32
    %sub3A = arith.constant 28 : i32
    %sub3A_6 = arith.subi %add3A, %sub3A : i32
    %max3A = arith.constant 0 : i32
    %max3A_7 = arith.maxsi %sub3A_6, %max3A : i32
    %add3A_8 = arith.addi %mul3A_5, %max3A_7 : i32
    "tpu.region"() ({
      %run_scoped3A = tpu.sem_alloc : memref<!tpu.dma_semaphore, #tpu.memory_space<semaphore_mem>>
      %dma_start3A_152 = arith.constant 0 : i32
      %dma_start3A_153 = tpu.memref_slice %arg4[%add3A_8, %dma_start3A_152] : memref<2500x128xi32, #tpu.memory_space<hbm>> -> memref<79x128xi32, #tpu.memory_space<hbm>>
      %dma_start3A_154 = arith.constant 0 : i32
      %dma_start3A_155 = tpu.memref_slice %arg4[%add3A_8, %dma_start3A_154] : memref<2500x128xi32, #tpu.memory_space<hbm>> -> memref<79x128xi32, #tpu.memory_space<hbm>>
      tpu.enqueue_dma source(%dma_start3A_155 : memref<79x128xi32, #tpu.memory_space<hbm>>) target(%arg7 : memref<79x128xi32, #tpu.memory_space<vmem>>) target_semaphore(%run_scoped3A : memref<!tpu.dma_semaphore, #tpu.memory_space<semaphore_mem>>)
      %dma_wait3A_156 = arith.constant 0 : i32
      %dma_wait3A_157 = tpu.memref_slice %arg4[%add3A_8, %dma_wait3A_156] : memref<2500x128xi32, #tpu.memory_space<hbm>> -> memref<79x128xi32, #tpu.memory_space<hbm>>
      %dma_wait3A_158 = arith.constant 0 : i32
      %dma_wait3A_159 = tpu.memref_slice %arg4[%add3A_8, %dma_wait3A_158] : memref<2500x128xi32, #tpu.memory_space<hbm>> -> memref<79x128xi32, #tpu.memory_space<hbm>>
      tpu.wait_dma2 semaphore(%run_scoped3A : memref<!tpu.dma_semaphore, #tpu.memory_space<semaphore_mem>>) src(%dma_wait3A_159 : memref<79x128xi32, #tpu.memory_space<hbm>>) dst(%arg7 : memref<79x128xi32, #tpu.memory_space<vmem>>)
      tpu.yield
    }) : () -> ()
    "tpu.region"() ({
      %run_scoped3A = tpu.sem_alloc : memref<!tpu.dma_semaphore, #tpu.memory_space<semaphore_mem>>
      %dma_start3A_152 = arith.constant 0 : i32
      %dma_start3A_153 = tpu.memref_slice %arg5[%add3A_8, %dma_start3A_152] : memref<2500x128xi32, #tpu.memory_space<hbm>> -> memref<79x128xi32, #tpu.memory_space<hbm>>
      %dma_start3A_154 = arith.constant 0 : i32
      %dma_start3A_155 = tpu.memref_slice %arg5[%add3A_8, %dma_start3A_154] : memref<2500x128xi32, #tpu.memory_space<hbm>> -> memref<79x128xi32, #tpu.memory_space<hbm>>
      tpu.enqueue_dma source(%dma_start3A_155 : memref<79x128xi32, #tpu.memory_space<hbm>>) target(%arg8 : memref<79x128xi32, #tpu.memory_space<vmem>>) target_semaphore(%run_scoped3A : memref<!tpu.dma_semaphore, #tpu.memory_space<semaphore_mem>>)
      %dma_wait3A_156 = arith.constant 0 : i32
      %dma_wait3A_157 = tpu.memref_slice %arg5[%add3A_8, %dma_wait3A_156] : memref<2500x128xi32, #tpu.memory_space<hbm>> -> memref<79x128xi32, #tpu.memory_space<hbm>>
      %dma_wait3A_158 = arith.constant 0 : i32
      %dma_wait3A_159 = tpu.memref_slice %arg5[%add3A_8, %dma_wait3A_158] : memref<2500x128xi32, #tpu.memory_space<hbm>> -> memref<79x128xi32, #tpu.memory_space<hbm>>
      tpu.wait_dma2 semaphore(%run_scoped3A : memref<!tpu.dma_semaphore, #tpu.memory_space<semaphore_mem>>) src(%dma_wait3A_159 : memref<79x128xi32, #tpu.memory_space<hbm>>) dst(%arg8 : memref<79x128xi32, #tpu.memory_space<vmem>>)
      tpu.yield
    }) : () -> ()
    %iota3A = tpu.iota {dimensions = array<i32: 0>} : vector<16xi32>
    %mul3A_9 = arith.constant 0 : i32
    %mul3A_10 = vector.broadcast %mul3A_9 : i32 to vector<16xi32>
    %mul3A_11 = arith.muli %iota3A, %mul3A_10 : vector<16xi32>
    %convert_element_type3A_12 = arith.sitofp %mul3A_11 : vector<16xi32> to vector<16xf32>
    %scan3A = arith.constant 0 : i32
    %scan3A_13 = arith.constant 80 : i32
    %scan3A_14 = arith.addi %scan3A, %scan3A_13 : i32
    %scan3A_15 = arith.constant 1 : i32
    scf.for %scan3A_152 = %scan3A to %scan3A_14 step %scan3A_15  : i32 {
      %mul3A_153 = arith.constant 1 : i32
      %mul3A_154 = arith.muli %scan3A_152, %mul3A_153 : i32
      %add3A_155 = arith.constant 0 : i32
      %add3A_156 = arith.addi %add3A_155, %mul3A_154 : i32
      %swap3A = arith.constant 0 : i32
      %swap3A_157 = arith.index_cast %swap3A : i32 to index
      %swap3A_158 = arith.index_cast %add3A_156 : i32 to index
      %swap3A_159 = arith.constant 0 : index
      %swap3A_160 = tpu.vector_load %arg11[%swap3A_157, %swap3A_158, %swap3A_159] {strides = array<i32>} : memref<2x128x80xf32, #tpu.memory_space<vmem>>, vector<16xf32>,
      tpu.vector_store %arg11[%swap3A_157, %swap3A_158, %swap3A_159], %convert_element_type3A_12 {strides = array<i32>} : memref<2x128x80xf32, #tpu.memory_space<vmem>>, vector<16xf32>,
      %swap3A_161 = arith.constant 0 : i32
      %swap3A_162 = arith.index_cast %swap3A_161 : i32 to index
      %swap3A_163 = arith.index_cast %add3A_156 : i32 to index
      %swap3A_164 = arith.constant 16 : index
      %swap3A_165 = tpu.vector_load %arg11[%swap3A_162, %swap3A_163, %swap3A_164] {strides = array<i32>} : memref<2x128x80xf32, #tpu.memory_space<vmem>>, vector<16xf32>,
      tpu.vector_store %arg11[%swap3A_162, %swap3A_163, %swap3A_164], %convert_element_type3A_12 {strides = array<i32>} : memref<2x128x80xf32, #tpu.memory_space<vmem>>, vector<16xf32>,
      %swap3A_166 = arith.constant 0 : i32
      %swap3A_167 = arith.index_cast %swap3A_166 : i32 to index
      %swap3A_168 = arith.index_cast %add3A_156 : i32 to index
      %swap3A_169 = arith.constant 32 : index
      %swap3A_170 = tpu.vector_load %arg11[%swap3A_167, %swap3A_168, %swap3A_169] {strides = array<i32>} : memref<2x128x80xf32, #tpu.memory_space<vmem>>, vector<16xf32>,
      tpu.vector_store %arg11[%swap3A_167, %swap3A_168, %swap3A_169], %convert_element_type3A_12 {strides = array<i32>} : memref<2x128x80xf32, #tpu.memory_space<vmem>>, vector<16xf32>,
      %swap3A_171 = arith.constant 0 : i32
      %swap3A_172 = arith.index_cast %swap3A_171 : i32 to index
      %swap3A_173 = arith.index_cast %add3A_156 : i32 to index
      %swap3A_174 = arith.constant 48 : index
      %swap3A_175 = tpu.vector_load %arg11[%swap3A_172, %swap3A_173, %swap3A_174] {strides = array<i32>} : memref<2x128x80xf32, #tpu.memory_space<vmem>>, vector<16xf32>,
      tpu.vector_store %arg11[%swap3A_172, %swap3A_173, %swap3A_174], %convert_element_type3A_12 {strides = array<i32>} : memref<2x128x80xf32, #tpu.memory_space<vmem>>, vector<16xf32>,
      %swap3A_176 = arith.constant 0 : i32
      %swap3A_177 = arith.index_cast %swap3A_176 : i32 to index
      %swap3A_178 = arith.index_cast %add3A_156 : i32 to index
      %swap3A_179 = arith.constant 64 : index
      %swap3A_180 = tpu.vector_load %arg11[%swap3A_177, %swap3A_178, %swap3A_179] {strides = array<i32>} : memref<2x128x80xf32, #tpu.memory_space<vmem>>, vector<16xf32>,
      tpu.vector_store %arg11[%swap3A_177, %swap3A_178, %swap3A_179], %convert_element_type3A_12 {strides = array<i32>} : memref<2x128x80xf32, #tpu.memory_space<vmem>>, vector<16xf32>,
    }
    %scan3A_16 = arith.constant 80 : i32
    %mul3A_17 = arith.constant 640 : i32
    %mul3A_18 = arith.muli %arg1, %mul3A_17 : i32
    %scan3A_19 = arith.constant 0 : i32
    %scan3A_20 = arith.constant 8 : i32
    %scan3A_21 = arith.addi %scan3A_19, %scan3A_20 : i32
    %scan3A_22 = arith.constant 1 : i32
    scf.for %scan3A_152 = %scan3A_19 to %scan3A_21 step %scan3A_22  : i32 {
      %mul3A_153 = arith.constant 1 : i32
      %mul3A_154 = arith.muli %scan3A_152, %mul3A_153 : i32
      %add3A_155 = arith.constant 0 : i32
      %add3A_156 = arith.addi %add3A_155, %mul3A_154 : i32
      %mul3A_157 = arith.constant 80 : i32
      %mul3A_158 = arith.muli %add3A_156, %mul3A_157 : i32
      %add3A_159 = arith.addi %mul3A_18, %mul3A_158 : i32
      %run_scoped3A = arith.constant 0 : i32
      "tpu.region"() ({
        %run_scoped3A_160 = tpu.sem_alloc : memref<!tpu.dma_semaphore, #tpu.memory_space<semaphore_mem>>
        %dma_start3A_161 = arith.constant 0 : i32
        %dma_start3A_162 = arith.constant 0 : i32
        %dma_start3A_163 = tpu.memref_slice %arg11[%run_scoped3A, %dma_start3A_161, %dma_start3A_162] : memref<2x128x80xf32, #tpu.memory_space<vmem>> -> memref<1x80x80xf32, #tpu.memory_space<vmem>>
        %dma_start3A_164 = tpu.memref_squeeze %dma_start3A_163 : memref<1x80x80xf32, #tpu.memory_space<vmem>> -> memref<80x80xf32, #tpu.memory_space<vmem>>
        %dma_start3A_165 = arith.constant 0 : i32
        %dma_start3A_166 = tpu.memref_slice %arg13[%add3A_159, %dma_start3A_165] : memref<10240x80xf32, #tpu.memory_space<vmem_shared>> -> memref<80x80xf32, #tpu.memory_space<vmem_shared>>
        %dma_start3A_167 = arith.constant 0 : i32
        %dma_start3A_168 = tpu.memref_slice %arg13[%add3A_159, %dma_start3A_167] : memref<10240x80xf32, #tpu.memory_space<vmem_shared>> -> memref<80x80xf32, #tpu.memory_space<vmem_shared>>
        %dma_start3A_169 = arith.constant 0 : i32
        %dma_start3A_170 = arith.constant 0 : i32
        %dma_start3A_171 = tpu.memref_slice %arg11[%run_scoped3A, %dma_start3A_169, %dma_start3A_170] : memref<2x128x80xf32, #tpu.memory_space<vmem>> -> memref<1x80x80xf32, #tpu.memory_space<vmem>>
        %dma_start3A_172 = tpu.memref_squeeze %dma_start3A_171 : memref<1x80x80xf32, #tpu.memory_space<vmem>> -> memref<80x80xf32, #tpu.memory_space<vmem>>
        tpu.enqueue_dma source(%dma_start3A_172 : memref<80x80xf32, #tpu.memory_space<vmem>>) target(%dma_start3A_168 : memref<80x80xf32, #tpu.memory_space<vmem_shared>>) target_semaphore(%run_scoped3A_160 : memref<!tpu.dma_semaphore, #tpu.memory_space<semaphore_mem>>)
        %dma_wait3A_173 = arith.constant 0 : i32
        %dma_wait3A_174 = arith.constant 0 : i32
        %dma_wait3A_175 = tpu.memref_slice %arg11[%run_scoped3A, %dma_wait3A_173, %dma_wait3A_174] : memref<2x128x80xf32, #tpu.memory_space<vmem>> -> memref<1x80x80xf32, #tpu.memory_space<vmem>>
        %dma_wait3A_176 = tpu.memref_squeeze %dma_wait3A_175 : memref<1x80x80xf32, #tpu.memory_space<vmem>> -> memref<80x80xf32, #tpu.memory_space<vmem>>
        %dma_wait3A_177 = arith.constant 0 : i32
        %dma_wait3A_178 = tpu.memref_slice %arg13[%add3A_159, %dma_wait3A_177] : memref<10240x80xf32, #tpu.memory_space<vmem_shared>> -> memref<80x80xf32, #tpu.memory_space<vmem_shared>>
        %dma_wait3A_179 = arith.constant 0 : i32
        %dma_wait3A_180 = tpu.memref_slice %arg13[%add3A_159, %dma_wait3A_179] : memref<10240x80xf32, #tpu.memory_space<vmem_shared>> -> memref<80x80xf32, #tpu.memory_space<vmem_shared>>
        %dma_wait3A_181 = arith.constant 0 : i32
        %dma_wait3A_182 = arith.constant 0 : i32
        %dma_wait3A_183 = tpu.memref_slice %arg11[%run_scoped3A, %dma_wait3A_181, %dma_wait3A_182] : memref<2x128x80xf32, #tpu.memory_space<vmem>> -> memref<1x80x80xf32, #tpu.memory_space<vmem>>
        %dma_wait3A_184 = tpu.memref_squeeze %dma_wait3A_183 : memref<1x80x80xf32, #tpu.memory_space<vmem>> -> memref<80x80xf32, #tpu.memory_space<vmem>>
        tpu.wait_dma2 semaphore(%run_scoped3A_160 : memref<!tpu.dma_semaphore, #tpu.memory_space<semaphore_mem>>) src(%dma_wait3A_184 : memref<80x80xf32, #tpu.memory_space<vmem>>) dst(%dma_wait3A_180 : memref<80x80xf32, #tpu.memory_space<vmem_shared>>)
        tpu.yield
      }) : () -> ()
    }
    %scan3A_23 = arith.constant 8 : i32
    %barrier3A = arith.constant 0 : index
    tpu.barrier barrier_id(%barrier3A)
    %iota3A_24 = tpu.iota {dimensions = array<i32: 0>} : vector<16xi32>
    %ge3A_25 = arith.constant 8 : i32
    %ge3A_26 = vector.broadcast %ge3A_25 : i32 to vector<16xi32>
    %ge3A_27 = arith.cmpi sge, %iota3A_24, %ge3A_26 : vector<16xi32>
    %convert_element_type3A_28 = arith.extui %ge3A_27 : vector<16xi1> to vector<16xi32>
    %add3A_29 = arith.constant 0 : i32
    %add3A_30 = vector.broadcast %add3A_29 : i32 to vector<16xi32>
    %add3A_31 = arith.addi %add3A_30, %convert_element_type3A_28 : vector<16xi32>
    %add3A_32 = arith.constant 2 : i32
    %add3A_33 = vector.broadcast %add3A_32 : i32 to vector<16xi32>
    %add3A_34 = arith.addi %add3A_33, %convert_element_type3A_28 : vector<16xi32>
    %add3A_35 = arith.constant 4 : i32
    %add3A_36 = vector.broadcast %add3A_35 : i32 to vector<16xi32>
    %add3A_37 = arith.addi %add3A_36, %convert_element_type3A_28 : vector<16xi32>
    %add3A_38 = arith.constant 6 : i32
    %add3A_39 = vector.broadcast %add3A_38 : i32 to vector<16xi32>
    %add3A_40 = arith.addi %add3A_39, %convert_element_type3A_28 : vector<16xi32>
    %dma_start3A = arith.constant 0 : i32
    %dma_start3A_41 = arith.constant 0 : i32
    %dma_start3A_42 = arith.constant 0 : i32
    %dma_start3A_43 = arith.constant 0 : i32
    %dma_start3A_44 = arith.constant 0 : i32
    %dma_start3A_45 = tpu.memref_slice %arg9[%dma_start3A_41, %dma_start3A_43, %dma_start3A_44] : memref<2x128x80xf32, #tpu.memory_space<vmem>> -> memref<1x128x80xf32, #tpu.memory_space<vmem>>
    %dma_start3A_46 = tpu.memref_squeeze %dma_start3A_45 : memref<1x128x80xf32, #tpu.memory_space<vmem>> -> memref<128x80xf32, #tpu.memory_space<vmem>>
    %dma_start3A_47 = arith.constant 0 : i32
    %dma_start3A_48 = tpu.memref_slice %arg7[%dma_start3A, %dma_start3A_47] : memref<79x128xi32, #tpu.memory_space<vmem>> -> memref<1x128xi32, #tpu.memory_space<vmem>>
    %dma_start3A_49 = tpu.memref_squeeze %dma_start3A_48 : memref<1x128xi32, #tpu.memory_space<vmem>> -> memref<128xi32, #tpu.memory_space<vmem>>
    %dma_start3A_50 = arith.constant 0 : i32
    %dma_start3A_51 = arith.constant 0 : i32
    %dma_start3A_52 = tpu.memref_slice %arg2[%dma_start3A_50, %dma_start3A_51] : memref<10000x80xf32, #tpu.memory_space<hbm>> -> memref<10000x80xf32, #tpu.memory_space<hbm>>
    %dma_start3A_53 = tpu.memref_slice %arg14[%dma_start3A_42] : memref<2x!tpu.dma_semaphore, #tpu.memory_space<semaphore_mem>> -> memref<1x!tpu.dma_semaphore, #tpu.memory_space<semaphore_mem>>
    %dma_start3A_54 = tpu.memref_squeeze %dma_start3A_53 : memref<1x!tpu.dma_semaphore, #tpu.memory_space<semaphore_mem>> -> memref<!tpu.dma_semaphore, #tpu.memory_space<semaphore_mem>>
    tpu.enqueue_indirect_dma source(%dma_start3A_52 : memref<10000x80xf32, #tpu.memory_space<hbm>>) target(%dma_start3A_46 : memref<128x80xf32, #tpu.memory_space<vmem>>) offsets(%dma_start3A_49 : memref<128xi32, #tpu.memory_space<vmem>>) semaphore(%dma_start3A_54 : memref<!tpu.dma_semaphore, #tpu.memory_space<semaphore_mem>>)
    %dma_start3A_55 = arith.constant 0 : i32
    %dma_start3A_56 = arith.constant 0 : i32
    %dma_start3A_57 = arith.constant 0 : i32
    %dma_start3A_58 = arith.constant 0 : i32
    %dma_start3A_59 = arith.constant 0 : i32
    %dma_start3A_60 = tpu.memref_slice %arg10[%dma_start3A_56, %dma_start3A_58, %dma_start3A_59] : memref<2x128x16xf32, #tpu.memory_space<vmem>> -> memref<1x128x16xf32, #tpu.memory_space<vmem>>
    %dma_start3A_61 = tpu.memref_squeeze %dma_start3A_60 : memref<1x128x16xf32, #tpu.memory_space<vmem>> -> memref<128x16xf32, #tpu.memory_space<vmem>>
    %dma_start3A_62 = arith.constant 0 : i32
    %dma_start3A_63 = tpu.memref_slice %arg8[%dma_start3A_55, %dma_start3A_62] : memref<79x128xi32, #tpu.memory_space<vmem>> -> memref<1x128xi32, #tpu.memory_space<vmem>>
    %dma_start3A_64 = tpu.memref_squeeze %dma_start3A_63 : memref<1x128xi32, #tpu.memory_space<vmem>> -> memref<128xi32, #tpu.memory_space<vmem>>
    %dma_start3A_65 = arith.constant 0 : i32
    %dma_start3A_66 = arith.constant 0 : i32
    %dma_start3A_67 = tpu.memref_slice %arg3[%dma_start3A_65, %dma_start3A_66] : memref<10000x16xf32, #tpu.memory_space<hbm>> -> memref<10000x16xf32, #tpu.memory_space<hbm>>
    %dma_start3A_68 = tpu.memref_slice %arg14[%dma_start3A_57] : memref<2x!tpu.dma_semaphore, #tpu.memory_space<semaphore_mem>> -> memref<1x!tpu.dma_semaphore, #tpu.memory_space<semaphore_mem>>
    %dma_start3A_69 = tpu.memref_squeeze %dma_start3A_68 : memref<1x!tpu.dma_semaphore, #tpu.memory_space<semaphore_mem>> -> memref<!tpu.dma_semaphore, #tpu.memory_space<semaphore_mem>>
    tpu.enqueue_indirect_dma source(%dma_start3A_67 : memref<10000x16xf32, #tpu.memory_space<hbm>>) target(%dma_start3A_61 : memref<128x16xf32, #tpu.memory_space<vmem>>) offsets(%dma_start3A_64 : memref<128xi32, #tpu.memory_space<vmem>>) semaphore(%dma_start3A_69 : memref<!tpu.dma_semaphore, #tpu.memory_space<semaphore_mem>>)
    %dma_start3A_70 = arith.constant 1 : i32
    %dma_start3A_71 = arith.constant 1 : i32
    %dma_start3A_72 = arith.constant 1 : i32
    %dma_start3A_73 = arith.constant 0 : i32
    %dma_start3A_74 = arith.constant 0 : i32
    %dma_start3A_75 = tpu.memref_slice %arg9[%dma_start3A_71, %dma_start3A_73, %dma_start3A_74] : memref<2x128x80xf32, #tpu.memory_space<vmem>> -> memref<1x128x80xf32, #tpu.memory_space<vmem>>
    %dma_start3A_76 = tpu.memref_squeeze %dma_start3A_75 : memref<1x128x80xf32, #tpu.memory_space<vmem>> -> memref<128x80xf32, #tpu.memory_space<vmem>>
    %dma_start3A_77 = arith.constant 0 : i32
    %dma_start3A_78 = tpu.memref_slice %arg7[%dma_start3A_70, %dma_start3A_77] : memref<79x128xi32, #tpu.memory_space<vmem>> -> memref<1x128xi32, #tpu.memory_space<vmem>>
    %dma_start3A_79 = tpu.memref_squeeze %dma_start3A_78 : memref<1x128xi32, #tpu.memory_space<vmem>> -> memref<128xi32, #tpu.memory_space<vmem>>
    %dma_start3A_80 = arith.constant 0 : i32
    %dma_start3A_81 = arith.constant 0 : i32
    %dma_start3A_82 = tpu.memref_slice %arg2[%dma_start3A_80, %dma_start3A_81] : memref<10000x80xf32, #tpu.memory_space<hbm>> -> memref<10000x80xf32, #tpu.memory_space<hbm>>
    %dma_start3A_83 = tpu.memref_slice %arg14[%dma_start3A_72] : memref<2x!tpu.dma_semaphore, #tpu.memory_space<semaphore_mem>> -> memref<1x!tpu.dma_semaphore, #tpu.memory_space<semaphore_mem>>
    %dma_start3A_84 = tpu.memref_squeeze %dma_start3A_83 : memref<1x!tpu.dma_semaphore, #tpu.memory_space<semaphore_mem>> -> memref<!tpu.dma_semaphore, #tpu.memory_space<semaphore_mem>>
    tpu.enqueue_indirect_dma source(%dma_start3A_82 : memref<10000x80xf32, #tpu.memory_space<hbm>>) target(%dma_start3A_76 : memref<128x80xf32, #tpu.memory_space<vmem>>) offsets(%dma_start3A_79 : memref<128xi32, #tpu.memory_space<vmem>>) semaphore(%dma_start3A_84 : memref<!tpu.dma_semaphore, #tpu.memory_space<semaphore_mem>>)
    %dma_start3A_85 = arith.constant 1 : i32
    %dma_start3A_86 = arith.constant 1 : i32
    %dma_start3A_87 = arith.constant 1 : i32
    %dma_start3A_88 = arith.constant 0 : i32
    %dma_start3A_89 = arith.constant 0 : i32
    %dma_start3A_90 = tpu.memref_slice %arg10[%dma_start3A_86, %dma_start3A_88, %dma_start3A_89] : memref<2x128x16xf32, #tpu.memory_space<vmem>> -> memref<1x128x16xf32, #tpu.memory_space<vmem>>
    %dma_start3A_91 = tpu.memref_squeeze %dma_start3A_90 : memref<1x128x16xf32, #tpu.memory_space<vmem>> -> memref<128x16xf32, #tpu.memory_space<vmem>>
    %dma_start3A_92 = arith.constant 0 : i32
    %dma_start3A_93 = tpu.memref_slice %arg8[%dma_start3A_85, %dma_start3A_92] : memref<79x128xi32, #tpu.memory_space<vmem>> -> memref<1x128xi32, #tpu.memory_space<vmem>>
    %dma_start3A_94 = tpu.memref_squeeze %dma_start3A_93 : memref<1x128xi32, #tpu.memory_space<vmem>> -> memref<128xi32, #tpu.memory_space<vmem>>
    %dma_start3A_95 = arith.constant 0 : i32
    %dma_start3A_96 = arith.constant 0 : i32
    %dma_start3A_97 = tpu.memref_slice %arg3[%dma_start3A_95, %dma_start3A_96] : memref<10000x16xf32, #tpu.memory_space<hbm>> -> memref<10000x16xf32, #tpu.memory_space<hbm>>
    %dma_start3A_98 = tpu.memref_slice %arg14[%dma_start3A_87] : memref<2x!tpu.dma_semaphore, #tpu.memory_space<semaphore_mem>> -> memref<1x!tpu.dma_semaphore, #tpu.memory_space<semaphore_mem>>
    %dma_start3A_99 = tpu.memref_squeeze %dma_start3A_98 : memref<1x!tpu.dma_semaphore, #tpu.memory_space<semaphore_mem>> -> memref<!tpu.dma_semaphore, #tpu.memory_space<semaphore_mem>>
    tpu.enqueue_indirect_dma source(%dma_start3A_97 : memref<10000x16xf32, #tpu.memory_space<hbm>>) target(%dma_start3A_91 : memref<128x16xf32, #tpu.memory_space<vmem>>) offsets(%dma_start3A_94 : memref<128xi32, #tpu.memory_space<vmem>>) semaphore(%dma_start3A_99 : memref<!tpu.dma_semaphore, #tpu.memory_space<semaphore_mem>>)
    %sub3A_100 = arith.constant 0 : i32
    %sub3A_101 = arith.subi %add3A_3, %sub3A_100 : i32
    %sub3A_102 = arith.constant 2 : i32
    %sub3A_103 = arith.constant 1 : i32
    %sub3A_104 = arith.subi %sub3A_102, %sub3A_103 : i32
    %add3A_105 = arith.addi %sub3A_101, %sub3A_104 : i32
    %div3A = arith.constant 2 : i32
    %div3A_106 = arith.divsi %add3A_105, %div3A : i32
    %while3A = arith.constant 2 : i32
    %while3A_107 = arith.constant 0 : i32
    %while3A_108 = arith.constant 0 : i32
    %while3A_109 = arith.subi %div3A_106, %while3A_108 : i32
    %while3A_110 = arith.addi %while3A_108, %while3A_109 : i32
    %while3A_111 = arith.constant 1 : i32
    %while3A_112 = arith.divsi %while3A_109, %while3A_111 : i32
    %while3A_113 = arith.muli %while3A_112, %while3A_111 : i32
    %while3A_114 = arith.addi %while3A_108, %while3A_113 : i32
    %while3A_115 = arith.constant 1 : i32
    scf.for %while3A_152 = %while3A_108 to %while3A_114 step %while3A_115  : i32 {
      %mul3A_153 = arith.muli %while3A_152, %while3A : i32
      %add3A_154 = arith.addi %while3A_107, %mul3A_153 : i32
      %add3A_155 = arith.constant 0 : i32
      %add3A_156 = arith.addi %add3A_154, %add3A_155 : i32
      %dma_wait3A_157 = arith.constant 0 : i32
      %dma_wait3A_158 = arith.constant 0 : i32
      %dma_wait3A_159 = arith.constant 0 : i32
      %dma_wait3A_160 = arith.constant 0 : i32
      %dma_wait3A_161 = tpu.memref_slice %arg9[%dma_wait3A_157, %dma_wait3A_159, %dma_wait3A_160] : memref<2x128x80xf32, #tpu.memory_space<vmem>> -> memref<1x128x80xf32, #tpu.memory_space<vmem>>
      %dma_wait3A_162 = tpu.memref_squeeze %dma_wait3A_161 : memref<1x128x80xf32, #tpu.memory_space<vmem>> -> memref<128x80xf32, #tpu.memory_space<vmem>>
      %dma_wait3A_163 = arith.constant 0 : i32
      %dma_wait3A_164 = tpu.memref_slice %arg7[%add3A_156, %dma_wait3A_163] : memref<79x128xi32, #tpu.memory_space<vmem>> -> memref<1x128xi32, #tpu.memory_space<vmem>>
      %dma_wait3A_165 = tpu.memref_squeeze %dma_wait3A_164 : memref<1x128xi32, #tpu.memory_space<vmem>> -> memref<128xi32, #tpu.memory_space<vmem>>
      %dma_wait3A_166 = arith.constant 0 : i32
      %dma_wait3A_167 = arith.constant 0 : i32
      %dma_wait3A_168 = tpu.memref_slice %arg2[%dma_wait3A_166, %dma_wait3A_167] : memref<10000x80xf32, #tpu.memory_space<hbm>> -> memref<10000x80xf32, #tpu.memory_space<hbm>>
      %dma_wait3A_169 = tpu.memref_slice %arg14[%dma_wait3A_158] : memref<2x!tpu.dma_semaphore, #tpu.memory_space<semaphore_mem>> -> memref<1x!tpu.dma_semaphore, #tpu.memory_space<semaphore_mem>>
      %dma_wait3A_170 = tpu.memref_squeeze %dma_wait3A_169 : memref<1x!tpu.dma_semaphore, #tpu.memory_space<semaphore_mem>> -> memref<!tpu.dma_semaphore, #tpu.memory_space<semaphore_mem>>
      tpu.wait_indirect_dma semaphore(%dma_wait3A_170 : memref<!tpu.dma_semaphore, #tpu.memory_space<semaphore_mem>>) src(%dma_wait3A_168 : memref<10000x80xf32, #tpu.memory_space<hbm>>) dst(%dma_wait3A_162 : memref<128x80xf32, #tpu.memory_space<vmem>>)
      %dma_wait3A_171 = arith.constant 0 : i32
      %dma_wait3A_172 = arith.constant 0 : i32
      %dma_wait3A_173 = arith.constant 0 : i32
      %dma_wait3A_174 = arith.constant 0 : i32
      %dma_wait3A_175 = tpu.memref_slice %arg10[%dma_wait3A_171, %dma_wait3A_173, %dma_wait3A_174] : memref<2x128x16xf32, #tpu.memory_space<vmem>> -> memref<1x128x16xf32, #tpu.memory_space<vmem>>
      %dma_wait3A_176 = tpu.memref_squeeze %dma_wait3A_175 : memref<1x128x16xf32, #tpu.memory_space<vmem>> -> memref<128x16xf32, #tpu.memory_space<vmem>>
      %dma_wait3A_177 = arith.constant 0 : i32
      %dma_wait3A_178 = tpu.memref_slice %arg8[%add3A_156, %dma_wait3A_177] : memref<79x128xi32, #tpu.memory_space<vmem>> -> memref<1x128xi32, #tpu.memory_space<vmem>>
      %dma_wait3A_179 = tpu.memref_squeeze %dma_wait3A_178 : memref<1x128xi32, #tpu.memory_space<vmem>> -> memref<128xi32, #tpu.memory_space<vmem>>
      %dma_wait3A_180 = arith.constant 0 : i32
      %dma_wait3A_181 = arith.constant 0 : i32
      %dma_wait3A_182 = tpu.memref_slice %arg3[%dma_wait3A_180, %dma_wait3A_181] : memref<10000x16xf32, #tpu.memory_space<hbm>> -> memref<10000x16xf32, #tpu.memory_space<hbm>>
      %dma_wait3A_183 = tpu.memref_slice %arg14[%dma_wait3A_172] : memref<2x!tpu.dma_semaphore, #tpu.memory_space<semaphore_mem>> -> memref<1x!tpu.dma_semaphore, #tpu.memory_space<semaphore_mem>>
      %dma_wait3A_184 = tpu.memref_squeeze %dma_wait3A_183 : memref<1x!tpu.dma_semaphore, #tpu.memory_space<semaphore_mem>> -> memref<!tpu.dma_semaphore, #tpu.memory_space<semaphore_mem>>
      tpu.wait_indirect_dma semaphore(%dma_wait3A_184 : memref<!tpu.dma_semaphore, #tpu.memory_space<semaphore_mem>>) src(%dma_wait3A_182 : memref<10000x16xf32, #tpu.memory_space<hbm>>) dst(%dma_wait3A_176 : memref<128x16xf32, #tpu.memory_space<vmem>>)
      %ge3A_185 = arith.constant 2 : i32
      %ge3A_186 = arith.cmpi sge, %add3A_156, %ge3A_185 : i32
      %convert_element_type3A_187 = arith.extui %ge3A_186 : i1 to i32
      %cond3A = arith.constant 0 : i32
      %cond3A_188 = arith.cmpi ne, %convert_element_type3A_187, %cond3A : i32
      scf.if %cond3A_188 {
        %sub3A_216 = arith.constant 2 : i32
        %sub3A_217 = arith.subi %add3A_156, %sub3A_216 : i32
        %dma_wait3A_218 = arith.constant 0 : i32
        %dma_wait3A_219 = arith.constant 0 : i32
        %dma_wait3A_220 = arith.constant 0 : i32
        %dma_wait3A_221 = arith.constant 0 : i32
        %dma_wait3A_222 = tpu.memref_slice %arg11[%dma_wait3A_218, %dma_wait3A_220, %dma_wait3A_221] : memref<2x128x80xf32, #tpu.memory_space<vmem>> -> memref<1x128x80xf32, #tpu.memory_space<vmem>>
        %dma_wait3A_223 = tpu.memref_squeeze %dma_wait3A_222 : memref<1x128x80xf32, #tpu.memory_space<vmem>> -> memref<128x80xf32, #tpu.memory_space<vmem>>
        %dma_wait3A_224 = arith.constant 0 : i32
        %dma_wait3A_225 = tpu.memref_slice %arg8[%sub3A_217, %dma_wait3A_224] : memref<79x128xi32, #tpu.memory_space<vmem>> -> memref<1x128xi32, #tpu.memory_space<vmem>>
        %dma_wait3A_226 = tpu.memref_squeeze %dma_wait3A_225 : memref<1x128xi32, #tpu.memory_space<vmem>> -> memref<128xi32, #tpu.memory_space<vmem>>
        %dma_wait3A_227 = arith.constant 0 : i32
        %dma_wait3A_228 = arith.constant 0 : i32
        %dma_wait3A_229 = tpu.memref_slice %arg13[%dma_wait3A_227, %dma_wait3A_228] : memref<10240x80xf32, #tpu.memory_space<vmem_shared>> -> memref<10240x80xf32, #tpu.memory_space<vmem_shared>>
        %dma_wait3A_230 = tpu.memref_slice %arg15[%dma_wait3A_219] : memref<2x!tpu.dma_semaphore, #tpu.memory_space<semaphore_mem>> -> memref<1x!tpu.dma_semaphore, #tpu.memory_space<semaphore_mem>>
        %dma_wait3A_231 = tpu.memref_squeeze %dma_wait3A_230 : memref<1x!tpu.dma_semaphore, #tpu.memory_space<semaphore_mem>> -> memref<!tpu.dma_semaphore, #tpu.memory_space<semaphore_mem>>
        tpu.wait_indirect_dma semaphore(%dma_wait3A_231 : memref<!tpu.dma_semaphore, #tpu.memory_space<semaphore_mem>>) src(%dma_wait3A_223 : memref<128x80xf32, #tpu.memory_space<vmem>>) dst(%dma_wait3A_229 : memref<10240x80xf32, #tpu.memory_space<vmem_shared>>)
      } else {
      }
      %parallel_loop3A = arith.constant 0 : i32
      %parallel_loop3A_189 = arith.constant 128 : i32
      %parallel_loop3A_190 = arith.constant 1 : i32
      scf.for %parallel_loop3A_216 = %parallel_loop3A to %parallel_loop3A_189 step %parallel_loop3A_190  : i32 {
        %parallel_loop3A_217 = arith.constant 0 : i32
        %parallel_loop3A_218 = arith.index_cast %parallel_loop3A_217 : i32 to index
        %parallel_loop3A_219 = arith.index_cast %parallel_loop3A_216 : i32 to index
        %parallel_loop3A_220 = arith.constant 64 : index
        %parallel_loop3A_221 = tpu.vector_load %arg9[%parallel_loop3A_218, %parallel_loop3A_219, %parallel_loop3A_220] {strides = array<i32>} : memref<2x128x80xf32, #tpu.memory_space<vmem>>, vector<16xf32>,
        %parallel_loop3A_222 = arith.constant 0 : i32
        %parallel_loop3A_223 = arith.index_cast %parallel_loop3A_222 : i32 to index
        %parallel_loop3A_224 = arith.index_cast %parallel_loop3A_216 : i32 to index
        %parallel_loop3A_225 = arith.constant 0 : index
        %parallel_loop3A_226 = tpu.vector_load %arg10[%parallel_loop3A_223, %parallel_loop3A_224, %parallel_loop3A_225] {strides = array<i32>} : memref<2x128x16xf32, #tpu.memory_space<vmem>>, vector<16xf32>,
        %parallel_loop3A_227 = arith.addf %parallel_loop3A_221, %parallel_loop3A_226 : vector<16xf32>
        %parallel_loop3A_228 = arith.constant 2.000000e-01 : f32
        %parallel_loop3A_229 = vector.broadcast %parallel_loop3A_228 : f32 to vector<16xf32>
        %parallel_loop3A_230 = arith.mulf %parallel_loop3A_229, %parallel_loop3A_227 : vector<16xf32>
        %parallel_loop3A_231 = arith.maximumf %parallel_loop3A_227, %parallel_loop3A_230 : vector<16xf32>
        %parallel_loop3A_232 = math.exp %parallel_loop3A_231 : vector<16xf32>
        %parallel_loop3A_233 = arith.constant 0 : i32
        %parallel_loop3A_234 = arith.index_cast %parallel_loop3A_233 : i32 to index
        %parallel_loop3A_235 = arith.index_cast %parallel_loop3A_216 : i32 to index
        %parallel_loop3A_236 = arith.constant 64 : index
        %parallel_loop3A_237 = tpu.vector_load %arg11[%parallel_loop3A_234, %parallel_loop3A_235, %parallel_loop3A_236] {strides = array<i32>} : memref<2x128x80xf32, #tpu.memory_space<vmem>>, vector<16xf32>,
        tpu.vector_store %arg11[%parallel_loop3A_234, %parallel_loop3A_235, %parallel_loop3A_236], %parallel_loop3A_232 {strides = array<i32>} : memref<2x128x80xf32, #tpu.memory_space<vmem>>, vector<16xf32>,
        %parallel_loop3A_238 = vector.shape_cast %add3A_31 : vector<16xi32> to vector<16x1xi32>
        %parallel_loop3A_239 = vector.shape_cast %parallel_loop3A_238 : vector<16x1xi32> to vector<16xi32>
        %parallel_loop3A_240 = tpu.dynamic_gather %parallel_loop3A_232[%parallel_loop3A_239] in [0] : vector<16xf32>, vector<16xi32> -> vector<16xf32>
        %parallel_loop3A_241 = arith.constant 0 : i32
        %parallel_loop3A_242 = arith.index_cast %parallel_loop3A_241 : i32 to index
        %parallel_loop3A_243 = arith.index_cast %parallel_loop3A_216 : i32 to index
        %parallel_loop3A_244 = arith.constant 0 : index
        %parallel_loop3A_245 = tpu.vector_load %arg9[%parallel_loop3A_242, %parallel_loop3A_243, %parallel_loop3A_244] {strides = array<i32>} : memref<2x128x80xf32, #tpu.memory_space<vmem>>, vector<16xf32>,
        %parallel_loop3A_246 = arith.mulf %parallel_loop3A_245, %parallel_loop3A_240 : vector<16xf32>
        %parallel_loop3A_247 = arith.constant 0 : i32
        %parallel_loop3A_248 = arith.index_cast %parallel_loop3A_247 : i32 to index
        %parallel_loop3A_249 = arith.index_cast %parallel_loop3A_216 : i32 to index
        %parallel_loop3A_250 = arith.constant 0 : index
        %parallel_loop3A_251 = tpu.vector_load %arg11[%parallel_loop3A_248, %parallel_loop3A_249, %parallel_loop3A_250] {strides = array<i32>} : memref<2x128x80xf32, #tpu.memory_space<vmem>>, vector<16xf32>,
        tpu.vector_store %arg11[%parallel_loop3A_248, %parallel_loop3A_249, %parallel_loop3A_250], %parallel_loop3A_246 {strides = array<i32>} : memref<2x128x80xf32, #tpu.memory_space<vmem>>, vector<16xf32>,
        %parallel_loop3A_252 = vector.shape_cast %add3A_34 : vector<16xi32> to vector<16x1xi32>
        %parallel_loop3A_253 = vector.shape_cast %parallel_loop3A_252 : vector<16x1xi32> to vector<16xi32>
        %parallel_loop3A_254 = tpu.dynamic_gather %parallel_loop3A_232[%parallel_loop3A_253] in [0] : vector<16xf32>, vector<16xi32> -> vector<16xf32>
        %parallel_loop3A_255 = arith.constant 0 : i32
        %parallel_loop3A_256 = arith.index_cast %parallel_loop3A_255 : i32 to index
        %parallel_loop3A_257 = arith.index_cast %parallel_loop3A_216 : i32 to index
        %parallel_loop3A_258 = arith.constant 16 : index
        %parallel_loop3A_259 = tpu.vector_load %arg9[%parallel_loop3A_256, %parallel_loop3A_257, %parallel_loop3A_258] {strides = array<i32>} : memref<2x128x80xf32, #tpu.memory_space<vmem>>, vector<16xf32>,
        %parallel_loop3A_260 = arith.mulf %parallel_loop3A_259, %parallel_loop3A_254 : vector<16xf32>
        %parallel_loop3A_261 = arith.constant 0 : i32
        %parallel_loop3A_262 = arith.index_cast %parallel_loop3A_261 : i32 to index
        %parallel_loop3A_263 = arith.index_cast %parallel_loop3A_216 : i32 to index
        %parallel_loop3A_264 = arith.constant 16 : index
        %parallel_loop3A_265 = tpu.vector_load %arg11[%parallel_loop3A_262, %parallel_loop3A_263, %parallel_loop3A_264] {strides = array<i32>} : memref<2x128x80xf32, #tpu.memory_space<vmem>>, vector<16xf32>,
        tpu.vector_store %arg11[%parallel_loop3A_262, %parallel_loop3A_263, %parallel_loop3A_264], %parallel_loop3A_260 {strides = array<i32>} : memref<2x128x80xf32, #tpu.memory_space<vmem>>, vector<16xf32>,
        %parallel_loop3A_266 = vector.shape_cast %add3A_37 : vector<16xi32> to vector<16x1xi32>
        %parallel_loop3A_267 = vector.shape_cast %parallel_loop3A_266 : vector<16x1xi32> to vector<16xi32>
        %parallel_loop3A_268 = tpu.dynamic_gather %parallel_loop3A_232[%parallel_loop3A_267] in [0] : vector<16xf32>, vector<16xi32> -> vector<16xf32>
        %parallel_loop3A_269 = arith.constant 0 : i32
        %parallel_loop3A_270 = arith.index_cast %parallel_loop3A_269 : i32 to index
        %parallel_loop3A_271 = arith.index_cast %parallel_loop3A_216 : i32 to index
        %parallel_loop3A_272 = arith.constant 32 : index
        %parallel_loop3A_273 = tpu.vector_load %arg9[%parallel_loop3A_270, %parallel_loop3A_271, %parallel_loop3A_272] {strides = array<i32>} : memref<2x128x80xf32, #tpu.memory_space<vmem>>, vector<16xf32>,
        %parallel_loop3A_274 = arith.mulf %parallel_loop3A_273, %parallel_loop3A_268 : vector<16xf32>
        %parallel_loop3A_275 = arith.constant 0 : i32
        %parallel_loop3A_276 = arith.index_cast %parallel_loop3A_275 : i32 to index
        %parallel_loop3A_277 = arith.index_cast %parallel_loop3A_216 : i32 to index
        %parallel_loop3A_278 = arith.constant 32 : index
        %parallel_loop3A_279 = tpu.vector_load %arg11[%parallel_loop3A_276, %parallel_loop3A_277, %parallel_loop3A_278] {strides = array<i32>} : memref<2x128x80xf32, #tpu.memory_space<vmem>>, vector<16xf32>,
        tpu.vector_store %arg11[%parallel_loop3A_276, %parallel_loop3A_277, %parallel_loop3A_278], %parallel_loop3A_274 {strides = array<i32>} : memref<2x128x80xf32, #tpu.memory_space<vmem>>, vector<16xf32>,
        %parallel_loop3A_280 = vector.shape_cast %add3A_40 : vector<16xi32> to vector<16x1xi32>
        %parallel_loop3A_281 = vector.shape_cast %parallel_loop3A_280 : vector<16x1xi32> to vector<16xi32>
        %parallel_loop3A_282 = tpu.dynamic_gather %parallel_loop3A_232[%parallel_loop3A_281] in [0] : vector<16xf32>, vector<16xi32> -> vector<16xf32>
        %parallel_loop3A_283 = arith.constant 0 : i32
        %parallel_loop3A_284 = arith.index_cast %parallel_loop3A_283 : i32 to index
        %parallel_loop3A_285 = arith.index_cast %parallel_loop3A_216 : i32 to index
        %parallel_loop3A_286 = arith.constant 48 : index
        %parallel_loop3A_287 = tpu.vector_load %arg9[%parallel_loop3A_284, %parallel_loop3A_285, %parallel_loop3A_286] {strides = array<i32>} : memref<2x128x80xf32, #tpu.memory_space<vmem>>, vector<16xf32>,
        %parallel_loop3A_288 = arith.mulf %parallel_loop3A_287, %parallel_loop3A_282 : vector<16xf32>
        %parallel_loop3A_289 = arith.constant 0 : i32
        %parallel_loop3A_290 = arith.index_cast %parallel_loop3A_289 : i32 to index
        %parallel_loop3A_291 = arith.index_cast %parallel_loop3A_216 : i32 to index
        %parallel_loop3A_292 = arith.constant 48 : index
        %parallel_loop3A_293 = tpu.vector_load %arg11[%parallel_loop3A_290, %parallel_loop3A_291, %parallel_loop3A_292] {strides = array<i32>} : memref<2x128x80xf32, #tpu.memory_space<vmem>>, vector<16xf32>,
        tpu.vector_store %arg11[%parallel_loop3A_290, %parallel_loop3A_291, %parallel_loop3A_292], %parallel_loop3A_288 {strides = array<i32>} : memref<2x128x80xf32, #tpu.memory_space<vmem>>, vector<16xf32>,
      } {sc.loop_unroll_factor = 1 : i64, sc.parallel_access}
      %dma_start3A_191 = arith.constant 0 : i32
      %dma_start3A_192 = arith.constant 0 : i32
      %dma_start3A_193 = arith.constant 0 : i32
      %dma_start3A_194 = arith.constant 0 : i32
      %dma_start3A_195 = tpu.memref_slice %arg11[%dma_start3A_191, %dma_start3A_193, %dma_start3A_194] : memref<2x128x80xf32, #tpu.memory_space<vmem>> -> memref<1x128x80xf32, #tpu.memory_space<vmem>>
      %dma_start3A_196 = tpu.memref_squeeze %dma_start3A_195 : memref<1x128x80xf32, #tpu.memory_space<vmem>> -> memref<128x80xf32, #tpu.memory_space<vmem>>
      %dma_start3A_197 = arith.constant 0 : i32
      %dma_start3A_198 = tpu.memref_slice %arg8[%add3A_156, %dma_start3A_197] : memref<79x128xi32, #tpu.memory_space<vmem>> -> memref<1x128xi32, #tpu.memory_space<vmem>>
      %dma_start3A_199 = tpu.memref_squeeze %dma_start3A_198 : memref<1x128xi32, #tpu.memory_space<vmem>> -> memref<128xi32, #tpu.memory_space<vmem>>
      %dma_start3A_200 = arith.constant 0 : i32
      %dma_start3A_201 = arith.constant 0 : i32
      %dma_start3A_202 = tpu.memref_slice %arg13[%dma_start3A_200, %dma_start3A_201] : memref<10240x80xf32, #tpu.memory_space<vmem_shared>> -> memref<10240x80xf32, #tpu.memory_space<vmem_shared>>
      %dma_start3A_203 = tpu.memref_slice %arg15[%dma_start3A_192] : memref<2x!tpu.dma_semaphore, #tpu.memory_space<semaphore_mem>> -> memref<1x!tpu.dma_semaphore, #tpu.memory_space<semaphore_mem>>
      %dma_start3A_204 = tpu.memref_squeeze %dma_start3A_203 : memref<1x!tpu.dma_semaphore, #tpu.memory_space<semaphore_mem>> -> memref<!tpu.dma_semaphore, #tpu.memory_space<semaphore_mem>>
      tpu.enqueue_indirect_dma source(%dma_start3A_196 : memref<128x80xf32, #tpu.memory_space<vmem>>) target(%dma_start3A_202 : memref<10240x80xf32, #tpu.memory_space<vmem_shared>>) offsets(%dma_start3A_199 : memref<128xi32, #tpu.memory_space<vmem>>) semaphore(%dma_start3A_204 : memref<!tpu.dma_semaphore, #tpu.memory_space<semaphore_mem>>) {add = true}
      %add3A_205 = arith.constant 2 : i32
      %add3A_206 = arith.addi %add3A_156, %add3A_205 : i32
      %lt3A = arith.cmpi slt, %add3A_206, %add3A_3 : i32
      %convert_element_type3A_207 = arith.extui %lt3A : i1 to i32
      %cond3A_208 = arith.constant 0 : i32
      %cond3A_209 = arith.cmpi ne, %convert_element_type3A_207, %cond3A_208 : i32
      scf.if %cond3A_209 {
        %add3A_216 = arith.constant 2 : i32
        %add3A_217 = arith.addi %add3A_156, %add3A_216 : i32
        %dma_start3A_218 = arith.constant 0 : i32
        %dma_start3A_219 = arith.constant 0 : i32
        %dma_start3A_220 = arith.constant 0 : i32
        %dma_start3A_221 = arith.constant 0 : i32
        %dma_start3A_222 = tpu.memref_slice %arg9[%dma_start3A_218, %dma_start3A_220, %dma_start3A_221] : memref<2x128x80xf32, #tpu.memory_space<vmem>> -> memref<1x128x80xf32, #tpu.memory_space<vmem>>
        %dma_start3A_223 = tpu.memref_squeeze %dma_start3A_222 : memref<1x128x80xf32, #tpu.memory_space<vmem>> -> memref<128x80xf32, #tpu.memory_space<vmem>>
        %dma_start3A_224 = arith.constant 0 : i32
        %dma_start3A_225 = tpu.memref_slice %arg7[%add3A_217, %dma_start3A_224] : memref<79x128xi32, #tpu.memory_space<vmem>> -> memref<1x128xi32, #tpu.memory_space<vmem>>
        %dma_start3A_226 = tpu.memref_squeeze %dma_start3A_225 : memref<1x128xi32, #tpu.memory_space<vmem>> -> memref<128xi32, #tpu.memory_space<vmem>>
        %dma_start3A_227 = arith.constant 0 : i32
        %dma_start3A_228 = arith.constant 0 : i32
        %dma_start3A_229 = tpu.memref_slice %arg2[%dma_start3A_227, %dma_start3A_228] : memref<10000x80xf32, #tpu.memory_space<hbm>> -> memref<10000x80xf32, #tpu.memory_space<hbm>>
        %dma_start3A_230 = tpu.memref_slice %arg14[%dma_start3A_219] : memref<2x!tpu.dma_semaphore, #tpu.memory_space<semaphore_mem>> -> memref<1x!tpu.dma_semaphore, #tpu.memory_space<semaphore_mem>>
        %dma_start3A_231 = tpu.memref_squeeze %dma_start3A_230 : memref<1x!tpu.dma_semaphore, #tpu.memory_space<semaphore_mem>> -> memref<!tpu.dma_semaphore, #tpu.memory_space<semaphore_mem>>
        tpu.enqueue_indirect_dma source(%dma_start3A_229 : memref<10000x80xf32, #tpu.memory_space<hbm>>) target(%dma_start3A_223 : memref<128x80xf32, #tpu.memory_space<vmem>>) offsets(%dma_start3A_226 : memref<128xi32, #tpu.memory_space<vmem>>) semaphore(%dma_start3A_231 : memref<!tpu.dma_semaphore, #tpu.memory_space<semaphore_mem>>)
        %dma_start3A_232 = arith.constant 0 : i32
        %dma_start3A_233 = arith.constant 0 : i32
        %dma_start3A_234 = arith.constant 0 : i32
        %dma_start3A_235 = arith.constant 0 : i32
        %dma_start3A_236 = tpu.memref_slice %arg10[%dma_start3A_232, %dma_start3A_234, %dma_start3A_235] : memref<2x128x16xf32, #tpu.memory_space<vmem>> -> memref<1x128x16xf32, #tpu.memory_space<vmem>>
        %dma_start3A_237 = tpu.memref_squeeze %dma_start3A_236 : memref<1x128x16xf32, #tpu.memory_space<vmem>> -> memref<128x16xf32, #tpu.memory_space<vmem>>
        %dma_start3A_238 = arith.constant 0 : i32
        %dma_start3A_239 = tpu.memref_slice %arg8[%add3A_217, %dma_start3A_238] : memref<79x128xi32, #tpu.memory_space<vmem>> -> memref<1x128xi32, #tpu.memory_space<vmem>>
        %dma_start3A_240 = tpu.memref_squeeze %dma_start3A_239 : memref<1x128xi32, #tpu.memory_space<vmem>> -> memref<128xi32, #tpu.memory_space<vmem>>
        %dma_start3A_241 = arith.constant 0 : i32
        %dma_start3A_242 = arith.constant 0 : i32
        %dma_start3A_243 = tpu.memref_slice %arg3[%dma_start3A_241, %dma_start3A_242] : memref<10000x16xf32, #tpu.memory_space<hbm>> -> memref<10000x16xf32, #tpu.memory_space<hbm>>
        %dma_start3A_244 = tpu.memref_slice %arg14[%dma_start3A_233] : memref<2x!tpu.dma_semaphore, #tpu.memory_space<semaphore_mem>> -> memref<1x!tpu.dma_semaphore, #tpu.memory_space<semaphore_mem>>
        %dma_start3A_245 = tpu.memref_squeeze %dma_start3A_244 : memref<1x!tpu.dma_semaphore, #tpu.memory_space<semaphore_mem>> -> memref<!tpu.dma_semaphore, #tpu.memory_space<semaphore_mem>>
        tpu.enqueue_indirect_dma source(%dma_start3A_243 : memref<10000x16xf32, #tpu.memory_space<hbm>>) target(%dma_start3A_237 : memref<128x16xf32, #tpu.memory_space<vmem>>) offsets(%dma_start3A_240 : memref<128xi32, #tpu.memory_space<vmem>>) semaphore(%dma_start3A_245 : memref<!tpu.dma_semaphore, #tpu.memory_space<semaphore_mem>>)
      } else {
      }
      %add3A_210 = arith.constant 1 : i32
      %add3A_211 = arith.addi %add3A_154, %add3A_210 : i32
      %lt3A_212 = arith.cmpi slt, %add3A_211, %add3A_3 : i32
      %convert_element_type3A_213 = arith.extui %lt3A_212 : i1 to i32
      %cond3A_214 = arith.constant 0 : i32
      %cond3A_215 = arith.cmpi ne, %convert_element_type3A_213, %cond3A_214 : i32
      scf.if %cond3A_215 {
        %dma_wait3A_216 = arith.constant 1 : i32
        %dma_wait3A_217 = arith.constant 1 : i32
        %dma_wait3A_218 = arith.constant 0 : i32
        %dma_wait3A_219 = arith.constant 0 : i32
        %dma_wait3A_220 = tpu.memref_slice %arg9[%dma_wait3A_216, %dma_wait3A_218, %dma_wait3A_219] : memref<2x128x80xf32, #tpu.memory_space<vmem>> -> memref<1x128x80xf32, #tpu.memory_space<vmem>>
        %dma_wait3A_221 = tpu.memref_squeeze %dma_wait3A_220 : memref<1x128x80xf32, #tpu.memory_space<vmem>> -> memref<128x80xf32, #tpu.memory_space<vmem>>
        %dma_wait3A_222 = arith.constant 0 : i32
        %dma_wait3A_223 = tpu.memref_slice %arg7[%add3A_211, %dma_wait3A_222] : memref<79x128xi32, #tpu.memory_space<vmem>> -> memref<1x128xi32, #tpu.memory_space<vmem>>
        %dma_wait3A_224 = tpu.memref_squeeze %dma_wait3A_223 : memref<1x128xi32, #tpu.memory_space<vmem>> -> memref<128xi32, #tpu.memory_space<vmem>>
        %dma_wait3A_225 = arith.constant 0 : i32
        %dma_wait3A_226 = arith.constant 0 : i32
        %dma_wait3A_227 = tpu.memref_slice %arg2[%dma_wait3A_225, %dma_wait3A_226] : memref<10000x80xf32, #tpu.memory_space<hbm>> -> memref<10000x80xf32, #tpu.memory_space<hbm>>
        %dma_wait3A_228 = tpu.memref_slice %arg14[%dma_wait3A_217] : memref<2x!tpu.dma_semaphore, #tpu.memory_space<semaphore_mem>> -> memref<1x!tpu.dma_semaphore, #tpu.memory_space<semaphore_mem>>
        %dma_wait3A_229 = tpu.memref_squeeze %dma_wait3A_228 : memref<1x!tpu.dma_semaphore, #tpu.memory_space<semaphore_mem>> -> memref<!tpu.dma_semaphore, #tpu.memory_space<semaphore_mem>>
        tpu.wait_indirect_dma semaphore(%dma_wait3A_229 : memref<!tpu.dma_semaphore, #tpu.memory_space<semaphore_mem>>) src(%dma_wait3A_227 : memref<10000x80xf32, #tpu.memory_space<hbm>>) dst(%dma_wait3A_221 : memref<128x80xf32, #tpu.memory_space<vmem>>)
        %dma_wait3A_230 = arith.constant 1 : i32
        %dma_wait3A_231 = arith.constant 1 : i32
        %dma_wait3A_232 = arith.constant 0 : i32
        %dma_wait3A_233 = arith.constant 0 : i32
        %dma_wait3A_234 = tpu.memref_slice %arg10[%dma_wait3A_230, %dma_wait3A_232, %dma_wait3A_233] : memref<2x128x16xf32, #tpu.memory_space<vmem>> -> memref<1x128x16xf32, #tpu.memory_space<vmem>>
        %dma_wait3A_235 = tpu.memref_squeeze %dma_wait3A_234 : memref<1x128x16xf32, #tpu.memory_space<vmem>> -> memref<128x16xf32, #tpu.memory_space<vmem>>
        %dma_wait3A_236 = arith.constant 0 : i32
        %dma_wait3A_237 = tpu.memref_slice %arg8[%add3A_211, %dma_wait3A_236] : memref<79x128xi32, #tpu.memory_space<vmem>> -> memref<1x128xi32, #tpu.memory_space<vmem>>
        %dma_wait3A_238 = tpu.memref_squeeze %dma_wait3A_237 : memref<1x128xi32, #tpu.memory_space<vmem>> -> memref<128xi32, #tpu.memory_space<vmem>>
        %dma_wait3A_239 = arith.constant 0 : i32
        %dma_wait3A_240 = arith.constant 0 : i32
        %dma_wait3A_241 = tpu.memref_slice %arg3[%dma_wait3A_239, %dma_wait3A_240] : memref<10000x16xf32, #tpu.memory_space<hbm>> -> memref<10000x16xf32, #tpu.memory_space<hbm>>
        %dma_wait3A_242 = tpu.memref_slice %arg14[%dma_wait3A_231] : memref<2x!tpu.dma_semaphore, #tpu.memory_space<semaphore_mem>> -> memref<1x!tpu.dma_semaphore, #tpu.memory_space<semaphore_mem>>
        %dma_wait3A_243 = tpu.memref_squeeze %dma_wait3A_242 : memref<1x!tpu.dma_semaphore, #tpu.memory_space<semaphore_mem>> -> memref<!tpu.dma_semaphore, #tpu.memory_space<semaphore_mem>>
        tpu.wait_indirect_dma semaphore(%dma_wait3A_243 : memref<!tpu.dma_semaphore, #tpu.memory_space<semaphore_mem>>) src(%dma_wait3A_241 : memref<10000x16xf32, #tpu.memory_space<hbm>>) dst(%dma_wait3A_235 : memref<128x16xf32, #tpu.memory_space<vmem>>)
        %ge3A_244 = arith.constant 2 : i32
        %ge3A_245 = arith.cmpi sge, %add3A_211, %ge3A_244 : i32
        %convert_element_type3A_246 = arith.extui %ge3A_245 : i1 to i32
        %cond3A_247 = arith.constant 0 : i32
        %cond3A_248 = arith.cmpi ne, %convert_element_type3A_246, %cond3A_247 : i32
        scf.if %cond3A_248 {
          %sub3A_272 = arith.constant 2 : i32
          %sub3A_273 = arith.subi %add3A_211, %sub3A_272 : i32
          %dma_wait3A_274 = arith.constant 1 : i32
          %dma_wait3A_275 = arith.constant 1 : i32
          %dma_wait3A_276 = arith.constant 0 : i32
          %dma_wait3A_277 = arith.constant 0 : i32
          %dma_wait3A_278 = tpu.memref_slice %arg11[%dma_wait3A_274, %dma_wait3A_276, %dma_wait3A_277] : memref<2x128x80xf32, #tpu.memory_space<vmem>> -> memref<1x128x80xf32, #tpu.memory_space<vmem>>
          %dma_wait3A_279 = tpu.memref_squeeze %dma_wait3A_278 : memref<1x128x80xf32, #tpu.memory_space<vmem>> -> memref<128x80xf32, #tpu.memory_space<vmem>>
          %dma_wait3A_280 = arith.constant 0 : i32
          %dma_wait3A_281 = tpu.memref_slice %arg8[%sub3A_273, %dma_wait3A_280] : memref<79x128xi32, #tpu.memory_space<vmem>> -> memref<1x128xi32, #tpu.memory_space<vmem>>
          %dma_wait3A_282 = tpu.memref_squeeze %dma_wait3A_281 : memref<1x128xi32, #tpu.memory_space<vmem>> -> memref<128xi32, #tpu.memory_space<vmem>>
          %dma_wait3A_283 = arith.constant 0 : i32
          %dma_wait3A_284 = arith.constant 0 : i32
          %dma_wait3A_285 = tpu.memref_slice %arg13[%dma_wait3A_283, %dma_wait3A_284] : memref<10240x80xf32, #tpu.memory_space<vmem_shared>> -> memref<10240x80xf32, #tpu.memory_space<vmem_shared>>
          %dma_wait3A_286 = tpu.memref_slice %arg15[%dma_wait3A_275] : memref<2x!tpu.dma_semaphore, #tpu.memory_space<semaphore_mem>> -> memref<1x!tpu.dma_semaphore, #tpu.memory_space<semaphore_mem>>
          %dma_wait3A_287 = tpu.memref_squeeze %dma_wait3A_286 : memref<1x!tpu.dma_semaphore, #tpu.memory_space<semaphore_mem>> -> memref<!tpu.dma_semaphore, #tpu.memory_space<semaphore_mem>>
          tpu.wait_indirect_dma semaphore(%dma_wait3A_287 : memref<!tpu.dma_semaphore, #tpu.memory_space<semaphore_mem>>) src(%dma_wait3A_279 : memref<128x80xf32, #tpu.memory_space<vmem>>) dst(%dma_wait3A_285 : memref<10240x80xf32, #tpu.memory_space<vmem_shared>>)
        } else {
        }
        %parallel_loop3A_249 = arith.constant 0 : i32
        %parallel_loop3A_250 = arith.constant 128 : i32
        %parallel_loop3A_251 = arith.constant 1 : i32
        scf.for %parallel_loop3A_272 = %parallel_loop3A_249 to %parallel_loop3A_250 step %parallel_loop3A_251  : i32 {
          %parallel_loop3A_273 = arith.constant 1 : i32
          %parallel_loop3A_274 = arith.index_cast %parallel_loop3A_273 : i32 to index
          %parallel_loop3A_275 = arith.index_cast %parallel_loop3A_272 : i32 to index
          %parallel_loop3A_276 = arith.constant 64 : index
          %parallel_loop3A_277 = tpu.vector_load %arg9[%parallel_loop3A_274, %parallel_loop3A_275, %parallel_loop3A_276] {strides = array<i32>} : memref<2x128x80xf32, #tpu.memory_space<vmem>>, vector<16xf32>,
          %parallel_loop3A_278 = arith.constant 1 : i32
          %parallel_loop3A_279 = arith.index_cast %parallel_loop3A_278 : i32 to index
          %parallel_loop3A_280 = arith.index_cast %parallel_loop3A_272 : i32 to index
          %parallel_loop3A_281 = arith.constant 0 : index
          %parallel_loop3A_282 = tpu.vector_load %arg10[%parallel_loop3A_279, %parallel_loop3A_280, %parallel_loop3A_281] {strides = array<i32>} : memref<2x128x16xf32, #tpu.memory_space<vmem>>, vector<16xf32>,
          %parallel_loop3A_283 = arith.addf %parallel_loop3A_277, %parallel_loop3A_282 : vector<16xf32>
          %parallel_loop3A_284 = arith.constant 2.000000e-01 : f32
          %parallel_loop3A_285 = vector.broadcast %parallel_loop3A_284 : f32 to vector<16xf32>
          %parallel_loop3A_286 = arith.mulf %parallel_loop3A_285, %parallel_loop3A_283 : vector<16xf32>
          %parallel_loop3A_287 = arith.maximumf %parallel_loop3A_283, %parallel_loop3A_286 : vector<16xf32>
          %parallel_loop3A_288 = math.exp %parallel_loop3A_287 : vector<16xf32>
          %parallel_loop3A_289 = arith.constant 1 : i32
          %parallel_loop3A_290 = arith.index_cast %parallel_loop3A_289 : i32 to index
          %parallel_loop3A_291 = arith.index_cast %parallel_loop3A_272 : i32 to index
          %parallel_loop3A_292 = arith.constant 64 : index
          %parallel_loop3A_293 = tpu.vector_load %arg11[%parallel_loop3A_290, %parallel_loop3A_291, %parallel_loop3A_292] {strides = array<i32>} : memref<2x128x80xf32, #tpu.memory_space<vmem>>, vector<16xf32>,
          tpu.vector_store %arg11[%parallel_loop3A_290, %parallel_loop3A_291, %parallel_loop3A_292], %parallel_loop3A_288 {strides = array<i32>} : memref<2x128x80xf32, #tpu.memory_space<vmem>>, vector<16xf32>,
          %parallel_loop3A_294 = vector.shape_cast %add3A_31 : vector<16xi32> to vector<16x1xi32>
          %parallel_loop3A_295 = vector.shape_cast %parallel_loop3A_294 : vector<16x1xi32> to vector<16xi32>
          %parallel_loop3A_296 = tpu.dynamic_gather %parallel_loop3A_288[%parallel_loop3A_295] in [0] : vector<16xf32>, vector<16xi32> -> vector<16xf32>
          %parallel_loop3A_297 = arith.constant 1 : i32
          %parallel_loop3A_298 = arith.index_cast %parallel_loop3A_297 : i32 to index
          %parallel_loop3A_299 = arith.index_cast %parallel_loop3A_272 : i32 to index
          %parallel_loop3A_300 = arith.constant 0 : index
          %parallel_loop3A_301 = tpu.vector_load %arg9[%parallel_loop3A_298, %parallel_loop3A_299, %parallel_loop3A_300] {strides = array<i32>} : memref<2x128x80xf32, #tpu.memory_space<vmem>>, vector<16xf32>,
          %parallel_loop3A_302 = arith.mulf %parallel_loop3A_301, %parallel_loop3A_296 : vector<16xf32>
          %parallel_loop3A_303 = arith.constant 1 : i32
          %parallel_loop3A_304 = arith.index_cast %parallel_loop3A_303 : i32 to index
          %parallel_loop3A_305 = arith.index_cast %parallel_loop3A_272 : i32 to index
          %parallel_loop3A_306 = arith.constant 0 : index
          %parallel_loop3A_307 = tpu.vector_load %arg11[%parallel_loop3A_304, %parallel_loop3A_305, %parallel_loop3A_306] {strides = array<i32>} : memref<2x128x80xf32, #tpu.memory_space<vmem>>, vector<16xf32>,
          tpu.vector_store %arg11[%parallel_loop3A_304, %parallel_loop3A_305, %parallel_loop3A_306], %parallel_loop3A_302 {strides = array<i32>} : memref<2x128x80xf32, #tpu.memory_space<vmem>>, vector<16xf32>,
          %parallel_loop3A_308 = vector.shape_cast %add3A_34 : vector<16xi32> to vector<16x1xi32>
          %parallel_loop3A_309 = vector.shape_cast %parallel_loop3A_308 : vector<16x1xi32> to vector<16xi32>
          %parallel_loop3A_310 = tpu.dynamic_gather %parallel_loop3A_288[%parallel_loop3A_309] in [0] : vector<16xf32>, vector<16xi32> -> vector<16xf32>
          %parallel_loop3A_311 = arith.constant 1 : i32
          %parallel_loop3A_312 = arith.index_cast %parallel_loop3A_311 : i32 to index
          %parallel_loop3A_313 = arith.index_cast %parallel_loop3A_272 : i32 to index
          %parallel_loop3A_314 = arith.constant 16 : index
          %parallel_loop3A_315 = tpu.vector_load %arg9[%parallel_loop3A_312, %parallel_loop3A_313, %parallel_loop3A_314] {strides = array<i32>} : memref<2x128x80xf32, #tpu.memory_space<vmem>>, vector<16xf32>,
          %parallel_loop3A_316 = arith.mulf %parallel_loop3A_315, %parallel_loop3A_310 : vector<16xf32>
          %parallel_loop3A_317 = arith.constant 1 : i32
          %parallel_loop3A_318 = arith.index_cast %parallel_loop3A_317 : i32 to index
          %parallel_loop3A_319 = arith.index_cast %parallel_loop3A_272 : i32 to index
          %parallel_loop3A_320 = arith.constant 16 : index
          %parallel_loop3A_321 = tpu.vector_load %arg11[%parallel_loop3A_318, %parallel_loop3A_319, %parallel_loop3A_320] {strides = array<i32>} : memref<2x128x80xf32, #tpu.memory_space<vmem>>, vector<16xf32>,
          tpu.vector_store %arg11[%parallel_loop3A_318, %parallel_loop3A_319, %parallel_loop3A_320], %parallel_loop3A_316 {strides = array<i32>} : memref<2x128x80xf32, #tpu.memory_space<vmem>>, vector<16xf32>,
          %parallel_loop3A_322 = vector.shape_cast %add3A_37 : vector<16xi32> to vector<16x1xi32>
          %parallel_loop3A_323 = vector.shape_cast %parallel_loop3A_322 : vector<16x1xi32> to vector<16xi32>
          %parallel_loop3A_324 = tpu.dynamic_gather %parallel_loop3A_288[%parallel_loop3A_323] in [0] : vector<16xf32>, vector<16xi32> -> vector<16xf32>
          %parallel_loop3A_325 = arith.constant 1 : i32
          %parallel_loop3A_326 = arith.index_cast %parallel_loop3A_325 : i32 to index
          %parallel_loop3A_327 = arith.index_cast %parallel_loop3A_272 : i32 to index
          %parallel_loop3A_328 = arith.constant 32 : index
          %parallel_loop3A_329 = tpu.vector_load %arg9[%parallel_loop3A_326, %parallel_loop3A_327, %parallel_loop3A_328] {strides = array<i32>} : memref<2x128x80xf32, #tpu.memory_space<vmem>>, vector<16xf32>,
          %parallel_loop3A_330 = arith.mulf %parallel_loop3A_329, %parallel_loop3A_324 : vector<16xf32>
          %parallel_loop3A_331 = arith.constant 1 : i32
          %parallel_loop3A_332 = arith.index_cast %parallel_loop3A_331 : i32 to index
          %parallel_loop3A_333 = arith.index_cast %parallel_loop3A_272 : i32 to index
          %parallel_loop3A_334 = arith.constant 32 : index
          %parallel_loop3A_335 = tpu.vector_load %arg11[%parallel_loop3A_332, %parallel_loop3A_333, %parallel_loop3A_334] {strides = array<i32>} : memref<2x128x80xf32, #tpu.memory_space<vmem>>, vector<16xf32>,
          tpu.vector_store %arg11[%parallel_loop3A_332, %parallel_loop3A_333, %parallel_loop3A_334], %parallel_loop3A_330 {strides = array<i32>} : memref<2x128x80xf32, #tpu.memory_space<vmem>>, vector<16xf32>,
          %parallel_loop3A_336 = vector.shape_cast %add3A_40 : vector<16xi32> to vector<16x1xi32>
          %parallel_loop3A_337 = vector.shape_cast %parallel_loop3A_336 : vector<16x1xi32> to vector<16xi32>
          %parallel_loop3A_338 = tpu.dynamic_gather %parallel_loop3A_288[%parallel_loop3A_337] in [0] : vector<16xf32>, vector<16xi32> -> vector<16xf32>
          %parallel_loop3A_339 = arith.constant 1 : i32
          %parallel_loop3A_340 = arith.index_cast %parallel_loop3A_339 : i32 to index
          %parallel_loop3A_341 = arith.index_cast %parallel_loop3A_272 : i32 to index
          %parallel_loop3A_342 = arith.constant 48 : index
          %parallel_loop3A_343 = tpu.vector_load %arg9[%parallel_loop3A_340, %parallel_loop3A_341, %parallel_loop3A_342] {strides = array<i32>} : memref<2x128x80xf32, #tpu.memory_space<vmem>>, vector<16xf32>,
          %parallel_loop3A_344 = arith.mulf %parallel_loop3A_343, %parallel_loop3A_338 : vector<16xf32>
          %parallel_loop3A_345 = arith.constant 1 : i32
          %parallel_loop3A_346 = arith.index_cast %parallel_loop3A_345 : i32 to index
          %parallel_loop3A_347 = arith.index_cast %parallel_loop3A_272 : i32 to index
          %parallel_loop3A_348 = arith.constant 48 : index
          %parallel_loop3A_349 = tpu.vector_load %arg11[%parallel_loop3A_346, %parallel_loop3A_347, %parallel_loop3A_348] {strides = array<i32>} : memref<2x128x80xf32, #tpu.memory_space<vmem>>, vector<16xf32>,
          tpu.vector_store %arg11[%parallel_loop3A_346, %parallel_loop3A_347, %parallel_loop3A_348], %parallel_loop3A_344 {strides = array<i32>} : memref<2x128x80xf32, #tpu.memory_space<vmem>>, vector<16xf32>,
        } {sc.loop_unroll_factor = 1 : i64, sc.parallel_access}
        %dma_start3A_252 = arith.constant 1 : i32
        %dma_start3A_253 = arith.constant 1 : i32
        %dma_start3A_254 = arith.constant 0 : i32
        %dma_start3A_255 = arith.constant 0 : i32
        %dma_start3A_256 = tpu.memref_slice %arg11[%dma_start3A_252, %dma_start3A_254, %dma_start3A_255] : memref<2x128x80xf32, #tpu.memory_space<vmem>> -> memref<1x128x80xf32, #tpu.memory_space<vmem>>
        %dma_start3A_257 = tpu.memref_squeeze %dma_start3A_256 : memref<1x128x80xf32, #tpu.memory_space<vmem>> -> memref<128x80xf32, #tpu.memory_space<vmem>>
        %dma_start3A_258 = arith.constant 0 : i32
        %dma_start3A_259 = tpu.memref_slice %arg8[%add3A_211, %dma_start3A_258] : memref<79x128xi32, #tpu.memory_space<vmem>> -> memref<1x128xi32, #tpu.memory_space<vmem>>
        %dma_start3A_260 = tpu.memref_squeeze %dma_start3A_259 : memref<1x128xi32, #tpu.memory_space<vmem>> -> memref<128xi32, #tpu.memory_space<vmem>>
        %dma_start3A_261 = arith.constant 0 : i32
        %dma_start3A_262 = arith.constant 0 : i32
        %dma_start3A_263 = tpu.memref_slice %arg13[%dma_start3A_261, %dma_start3A_262] : memref<10240x80xf32, #tpu.memory_space<vmem_shared>> -> memref<10240x80xf32, #tpu.memory_space<vmem_shared>>
        %dma_start3A_264 = tpu.memref_slice %arg15[%dma_start3A_253] : memref<2x!tpu.dma_semaphore, #tpu.memory_space<semaphore_mem>> -> memref<1x!tpu.dma_semaphore, #tpu.memory_space<semaphore_mem>>
        %dma_start3A_265 = tpu.memref_squeeze %dma_start3A_264 : memref<1x!tpu.dma_semaphore, #tpu.memory_space<semaphore_mem>> -> memref<!tpu.dma_semaphore, #tpu.memory_space<semaphore_mem>>
        tpu.enqueue_indirect_dma source(%dma_start3A_257 : memref<128x80xf32, #tpu.memory_space<vmem>>) target(%dma_start3A_263 : memref<10240x80xf32, #tpu.memory_space<vmem_shared>>) offsets(%dma_start3A_260 : memref<128xi32, #tpu.memory_space<vmem>>) semaphore(%dma_start3A_265 : memref<!tpu.dma_semaphore, #tpu.memory_space<semaphore_mem>>) {add = true}
        %add3A_266 = arith.constant 2 : i32
        %add3A_267 = arith.addi %add3A_211, %add3A_266 : i32
        %lt3A_268 = arith.cmpi slt, %add3A_267, %add3A_3 : i32
        %convert_element_type3A_269 = arith.extui %lt3A_268 : i1 to i32
        %cond3A_270 = arith.constant 0 : i32
        %cond3A_271 = arith.cmpi ne, %convert_element_type3A_269, %cond3A_270 : i32
        scf.if %cond3A_271 {
          %add3A_272 = arith.constant 2 : i32
          %add3A_273 = arith.addi %add3A_211, %add3A_272 : i32
          %dma_start3A_274 = arith.constant 1 : i32
          %dma_start3A_275 = arith.constant 1 : i32
          %dma_start3A_276 = arith.constant 0 : i32
          %dma_start3A_277 = arith.constant 0 : i32
          %dma_start3A_278 = tpu.memref_slice %arg9[%dma_start3A_274, %dma_start3A_276, %dma_start3A_277] : memref<2x128x80xf32, #tpu.memory_space<vmem>> -> memref<1x128x80xf32, #tpu.memory_space<vmem>>
          %dma_start3A_279 = tpu.memref_squeeze %dma_start3A_278 : memref<1x128x80xf32, #tpu.memory_space<vmem>> -> memref<128x80xf32, #tpu.memory_space<vmem>>
          %dma_start3A_280 = arith.constant 0 : i32
          %dma_start3A_281 = tpu.memref_slice %arg7[%add3A_273, %dma_start3A_280] : memref<79x128xi32, #tpu.memory_space<vmem>> -> memref<1x128xi32, #tpu.memory_space<vmem>>
          %dma_start3A_282 = tpu.memref_squeeze %dma_start3A_281 : memref<1x128xi32, #tpu.memory_space<vmem>> -> memref<128xi32, #tpu.memory_space<vmem>>
          %dma_start3A_283 = arith.constant 0 : i32
          %dma_start3A_284 = arith.constant 0 : i32
          %dma_start3A_285 = tpu.memref_slice %arg2[%dma_start3A_283, %dma_start3A_284] : memref<10000x80xf32, #tpu.memory_space<hbm>> -> memref<10000x80xf32, #tpu.memory_space<hbm>>
          %dma_start3A_286 = tpu.memref_slice %arg14[%dma_start3A_275] : memref<2x!tpu.dma_semaphore, #tpu.memory_space<semaphore_mem>> -> memref<1x!tpu.dma_semaphore, #tpu.memory_space<semaphore_mem>>
          %dma_start3A_287 = tpu.memref_squeeze %dma_start3A_286 : memref<1x!tpu.dma_semaphore, #tpu.memory_space<semaphore_mem>> -> memref<!tpu.dma_semaphore, #tpu.memory_space<semaphore_mem>>
          tpu.enqueue_indirect_dma source(%dma_start3A_285 : memref<10000x80xf32, #tpu.memory_space<hbm>>) target(%dma_start3A_279 : memref<128x80xf32, #tpu.memory_space<vmem>>) offsets(%dma_start3A_282 : memref<128xi32, #tpu.memory_space<vmem>>) semaphore(%dma_start3A_287 : memref<!tpu.dma_semaphore, #tpu.memory_space<semaphore_mem>>)
          %dma_start3A_288 = arith.constant 1 : i32
          %dma_start3A_289 = arith.constant 1 : i32
          %dma_start3A_290 = arith.constant 0 : i32
          %dma_start3A_291 = arith.constant 0 : i32
          %dma_start3A_292 = tpu.memref_slice %arg10[%dma_start3A_288, %dma_start3A_290, %dma_start3A_291] : memref<2x128x16xf32, #tpu.memory_space<vmem>> -> memref<1x128x16xf32, #tpu.memory_space<vmem>>
          %dma_start3A_293 = tpu.memref_squeeze %dma_start3A_292 : memref<1x128x16xf32, #tpu.memory_space<vmem>> -> memref<128x16xf32, #tpu.memory_space<vmem>>
          %dma_start3A_294 = arith.constant 0 : i32
          %dma_start3A_295 = tpu.memref_slice %arg8[%add3A_273, %dma_start3A_294] : memref<79x128xi32, #tpu.memory_space<vmem>> -> memref<1x128xi32, #tpu.memory_space<vmem>>
          %dma_start3A_296 = tpu.memref_squeeze %dma_start3A_295 : memref<1x128xi32, #tpu.memory_space<vmem>> -> memref<128xi32, #tpu.memory_space<vmem>>
          %dma_start3A_297 = arith.constant 0 : i32
          %dma_start3A_298 = arith.constant 0 : i32
          %dma_start3A_299 = tpu.memref_slice %arg3[%dma_start3A_297, %dma_start3A_298] : memref<10000x16xf32, #tpu.memory_space<hbm>> -> memref<10000x16xf32, #tpu.memory_space<hbm>>
          %dma_start3A_300 = tpu.memref_slice %arg14[%dma_start3A_289] : memref<2x!tpu.dma_semaphore, #tpu.memory_space<semaphore_mem>> -> memref<1x!tpu.dma_semaphore, #tpu.memory_space<semaphore_mem>>
          %dma_start3A_301 = tpu.memref_squeeze %dma_start3A_300 : memref<1x!tpu.dma_semaphore, #tpu.memory_space<semaphore_mem>> -> memref<!tpu.dma_semaphore, #tpu.memory_space<semaphore_mem>>
          tpu.enqueue_indirect_dma source(%dma_start3A_299 : memref<10000x16xf32, #tpu.memory_space<hbm>>) target(%dma_start3A_293 : memref<128x16xf32, #tpu.memory_space<vmem>>) offsets(%dma_start3A_296 : memref<128xi32, #tpu.memory_space<vmem>>) semaphore(%dma_start3A_301 : memref<!tpu.dma_semaphore, #tpu.memory_space<semaphore_mem>>)
        } else {
        }
      } else {
      }
    }
    %while3A_116 = arith.constant 1 : i32
    scf.for %while3A_152 = %while3A_114 to %while3A_110 step %while3A_116  : i32 {
      %mul3A_153 = arith.muli %while3A_152, %while3A : i32
      %add3A_154 = arith.addi %while3A_107, %mul3A_153 : i32
      %add3A_155 = arith.constant 0 : i32
      %add3A_156 = arith.addi %add3A_154, %add3A_155 : i32
      %dma_wait3A_157 = arith.constant 0 : i32
      %dma_wait3A_158 = arith.constant 0 : i32
      %dma_wait3A_159 = arith.constant 0 : i32
      %dma_wait3A_160 = arith.constant 0 : i32
      %dma_wait3A_161 = tpu.memref_slice %arg9[%dma_wait3A_157, %dma_wait3A_159, %dma_wait3A_160] : memref<2x128x80xf32, #tpu.memory_space<vmem>> -> memref<1x128x80xf32, #tpu.memory_space<vmem>>
      %dma_wait3A_162 = tpu.memref_squeeze %dma_wait3A_161 : memref<1x128x80xf32, #tpu.memory_space<vmem>> -> memref<128x80xf32, #tpu.memory_space<vmem>>
      %dma_wait3A_163 = arith.constant 0 : i32
      %dma_wait3A_164 = tpu.memref_slice %arg7[%add3A_156, %dma_wait3A_163] : memref<79x128xi32, #tpu.memory_space<vmem>> -> memref<1x128xi32, #tpu.memory_space<vmem>>
      %dma_wait3A_165 = tpu.memref_squeeze %dma_wait3A_164 : memref<1x128xi32, #tpu.memory_space<vmem>> -> memref<128xi32, #tpu.memory_space<vmem>>
      %dma_wait3A_166 = arith.constant 0 : i32
      %dma_wait3A_167 = arith.constant 0 : i32
      %dma_wait3A_168 = tpu.memref_slice %arg2[%dma_wait3A_166, %dma_wait3A_167] : memref<10000x80xf32, #tpu.memory_space<hbm>> -> memref<10000x80xf32, #tpu.memory_space<hbm>>
      %dma_wait3A_169 = tpu.memref_slice %arg14[%dma_wait3A_158] : memref<2x!tpu.dma_semaphore, #tpu.memory_space<semaphore_mem>> -> memref<1x!tpu.dma_semaphore, #tpu.memory_space<semaphore_mem>>
      %dma_wait3A_170 = tpu.memref_squeeze %dma_wait3A_169 : memref<1x!tpu.dma_semaphore, #tpu.memory_space<semaphore_mem>> -> memref<!tpu.dma_semaphore, #tpu.memory_space<semaphore_mem>>
      tpu.wait_indirect_dma semaphore(%dma_wait3A_170 : memref<!tpu.dma_semaphore, #tpu.memory_space<semaphore_mem>>) src(%dma_wait3A_168 : memref<10000x80xf32, #tpu.memory_space<hbm>>) dst(%dma_wait3A_162 : memref<128x80xf32, #tpu.memory_space<vmem>>)
      %dma_wait3A_171 = arith.constant 0 : i32
      %dma_wait3A_172 = arith.constant 0 : i32
      %dma_wait3A_173 = arith.constant 0 : i32
      %dma_wait3A_174 = arith.constant 0 : i32
      %dma_wait3A_175 = tpu.memref_slice %arg10[%dma_wait3A_171, %dma_wait3A_173, %dma_wait3A_174] : memref<2x128x16xf32, #tpu.memory_space<vmem>> -> memref<1x128x16xf32, #tpu.memory_space<vmem>>
      %dma_wait3A_176 = tpu.memref_squeeze %dma_wait3A_175 : memref<1x128x16xf32, #tpu.memory_space<vmem>> -> memref<128x16xf32, #tpu.memory_space<vmem>>
      %dma_wait3A_177 = arith.constant 0 : i32
      %dma_wait3A_178 = tpu.memref_slice %arg8[%add3A_156, %dma_wait3A_177] : memref<79x128xi32, #tpu.memory_space<vmem>> -> memref<1x128xi32, #tpu.memory_space<vmem>>
      %dma_wait3A_179 = tpu.memref_squeeze %dma_wait3A_178 : memref<1x128xi32, #tpu.memory_space<vmem>> -> memref<128xi32, #tpu.memory_space<vmem>>
      %dma_wait3A_180 = arith.constant 0 : i32
      %dma_wait3A_181 = arith.constant 0 : i32
      %dma_wait3A_182 = tpu.memref_slice %arg3[%dma_wait3A_180, %dma_wait3A_181] : memref<10000x16xf32, #tpu.memory_space<hbm>> -> memref<10000x16xf32, #tpu.memory_space<hbm>>
      %dma_wait3A_183 = tpu.memref_slice %arg14[%dma_wait3A_172] : memref<2x!tpu.dma_semaphore, #tpu.memory_space<semaphore_mem>> -> memref<1x!tpu.dma_semaphore, #tpu.memory_space<semaphore_mem>>
      %dma_wait3A_184 = tpu.memref_squeeze %dma_wait3A_183 : memref<1x!tpu.dma_semaphore, #tpu.memory_space<semaphore_mem>> -> memref<!tpu.dma_semaphore, #tpu.memory_space<semaphore_mem>>
      tpu.wait_indirect_dma semaphore(%dma_wait3A_184 : memref<!tpu.dma_semaphore, #tpu.memory_space<semaphore_mem>>) src(%dma_wait3A_182 : memref<10000x16xf32, #tpu.memory_space<hbm>>) dst(%dma_wait3A_176 : memref<128x16xf32, #tpu.memory_space<vmem>>)
      %ge3A_185 = arith.constant 2 : i32
      %ge3A_186 = arith.cmpi sge, %add3A_156, %ge3A_185 : i32
      %convert_element_type3A_187 = arith.extui %ge3A_186 : i1 to i32
      %cond3A = arith.constant 0 : i32
      %cond3A_188 = arith.cmpi ne, %convert_element_type3A_187, %cond3A : i32
      scf.if %cond3A_188 {
        %sub3A_216 = arith.constant 2 : i32
        %sub3A_217 = arith.subi %add3A_156, %sub3A_216 : i32
        %dma_wait3A_218 = arith.constant 0 : i32
        %dma_wait3A_219 = arith.constant 0 : i32
        %dma_wait3A_220 = arith.constant 0 : i32
        %dma_wait3A_221 = arith.constant 0 : i32
        %dma_wait3A_222 = tpu.memref_slice %arg11[%dma_wait3A_218, %dma_wait3A_220, %dma_wait3A_221] : memref<2x128x80xf32, #tpu.memory_space<vmem>> -> memref<1x128x80xf32, #tpu.memory_space<vmem>>
        %dma_wait3A_223 = tpu.memref_squeeze %dma_wait3A_222 : memref<1x128x80xf32, #tpu.memory_space<vmem>> -> memref<128x80xf32, #tpu.memory_space<vmem>>
        %dma_wait3A_224 = arith.constant 0 : i32
        %dma_wait3A_225 = tpu.memref_slice %arg8[%sub3A_217, %dma_wait3A_224] : memref<79x128xi32, #tpu.memory_space<vmem>> -> memref<1x128xi32, #tpu.memory_space<vmem>>
        %dma_wait3A_226 = tpu.memref_squeeze %dma_wait3A_225 : memref<1x128xi32, #tpu.memory_space<vmem>> -> memref<128xi32, #tpu.memory_space<vmem>>
        %dma_wait3A_227 = arith.constant 0 : i32
        %dma_wait3A_228 = arith.constant 0 : i32
        %dma_wait3A_229 = tpu.memref_slice %arg13[%dma_wait3A_227, %dma_wait3A_228] : memref<10240x80xf32, #tpu.memory_space<vmem_shared>> -> memref<10240x80xf32, #tpu.memory_space<vmem_shared>>
        %dma_wait3A_230 = tpu.memref_slice %arg15[%dma_wait3A_219] : memref<2x!tpu.dma_semaphore, #tpu.memory_space<semaphore_mem>> -> memref<1x!tpu.dma_semaphore, #tpu.memory_space<semaphore_mem>>
        %dma_wait3A_231 = tpu.memref_squeeze %dma_wait3A_230 : memref<1x!tpu.dma_semaphore, #tpu.memory_space<semaphore_mem>> -> memref<!tpu.dma_semaphore, #tpu.memory_space<semaphore_mem>>
        tpu.wait_indirect_dma semaphore(%dma_wait3A_231 : memref<!tpu.dma_semaphore, #tpu.memory_space<semaphore_mem>>) src(%dma_wait3A_223 : memref<128x80xf32, #tpu.memory_space<vmem>>) dst(%dma_wait3A_229 : memref<10240x80xf32, #tpu.memory_space<vmem_shared>>)
      } else {
      }
      %parallel_loop3A = arith.constant 0 : i32
      %parallel_loop3A_189 = arith.constant 128 : i32
      %parallel_loop3A_190 = arith.constant 1 : i32
      scf.for %parallel_loop3A_216 = %parallel_loop3A to %parallel_loop3A_189 step %parallel_loop3A_190  : i32 {
        %parallel_loop3A_217 = arith.constant 0 : i32
        %parallel_loop3A_218 = arith.index_cast %parallel_loop3A_217 : i32 to index
        %parallel_loop3A_219 = arith.index_cast %parallel_loop3A_216 : i32 to index
        %parallel_loop3A_220 = arith.constant 64 : index
        %parallel_loop3A_221 = tpu.vector_load %arg9[%parallel_loop3A_218, %parallel_loop3A_219, %parallel_loop3A_220] {strides = array<i32>} : memref<2x128x80xf32, #tpu.memory_space<vmem>>, vector<16xf32>,
        %parallel_loop3A_222 = arith.constant 0 : i32
        %parallel_loop3A_223 = arith.index_cast %parallel_loop3A_222 : i32 to index
        %parallel_loop3A_224 = arith.index_cast %parallel_loop3A_216 : i32 to index
        %parallel_loop3A_225 = arith.constant 0 : index
        %parallel_loop3A_226 = tpu.vector_load %arg10[%parallel_loop3A_223, %parallel_loop3A_224, %parallel_loop3A_225] {strides = array<i32>} : memref<2x128x16xf32, #tpu.memory_space<vmem>>, vector<16xf32>,
        %parallel_loop3A_227 = arith.addf %parallel_loop3A_221, %parallel_loop3A_226 : vector<16xf32>
        %parallel_loop3A_228 = arith.constant 2.000000e-01 : f32
        %parallel_loop3A_229 = vector.broadcast %parallel_loop3A_228 : f32 to vector<16xf32>
        %parallel_loop3A_230 = arith.mulf %parallel_loop3A_229, %parallel_loop3A_227 : vector<16xf32>
        %parallel_loop3A_231 = arith.maximumf %parallel_loop3A_227, %parallel_loop3A_230 : vector<16xf32>
        %parallel_loop3A_232 = math.exp %parallel_loop3A_231 : vector<16xf32>
        %parallel_loop3A_233 = arith.constant 0 : i32
        %parallel_loop3A_234 = arith.index_cast %parallel_loop3A_233 : i32 to index
        %parallel_loop3A_235 = arith.index_cast %parallel_loop3A_216 : i32 to index
        %parallel_loop3A_236 = arith.constant 64 : index
        %parallel_loop3A_237 = tpu.vector_load %arg11[%parallel_loop3A_234, %parallel_loop3A_235, %parallel_loop3A_236] {strides = array<i32>} : memref<2x128x80xf32, #tpu.memory_space<vmem>>, vector<16xf32>,
        tpu.vector_store %arg11[%parallel_loop3A_234, %parallel_loop3A_235, %parallel_loop3A_236], %parallel_loop3A_232 {strides = array<i32>} : memref<2x128x80xf32, #tpu.memory_space<vmem>>, vector<16xf32>,
        %parallel_loop3A_238 = vector.shape_cast %add3A_31 : vector<16xi32> to vector<16x1xi32>
        %parallel_loop3A_239 = vector.shape_cast %parallel_loop3A_238 : vector<16x1xi32> to vector<16xi32>
        %parallel_loop3A_240 = tpu.dynamic_gather %parallel_loop3A_232[%parallel_loop3A_239] in [0] : vector<16xf32>, vector<16xi32> -> vector<16xf32>
        %parallel_loop3A_241 = arith.constant 0 : i32
        %parallel_loop3A_242 = arith.index_cast %parallel_loop3A_241 : i32 to index
        %parallel_loop3A_243 = arith.index_cast %parallel_loop3A_216 : i32 to index
        %parallel_loop3A_244 = arith.constant 0 : index
        %parallel_loop3A_245 = tpu.vector_load %arg9[%parallel_loop3A_242, %parallel_loop3A_243, %parallel_loop3A_244] {strides = array<i32>} : memref<2x128x80xf32, #tpu.memory_space<vmem>>, vector<16xf32>,
        %parallel_loop3A_246 = arith.mulf %parallel_loop3A_245, %parallel_loop3A_240 : vector<16xf32>
        %parallel_loop3A_247 = arith.constant 0 : i32
        %parallel_loop3A_248 = arith.index_cast %parallel_loop3A_247 : i32 to index
        %parallel_loop3A_249 = arith.index_cast %parallel_loop3A_216 : i32 to index
        %parallel_loop3A_250 = arith.constant 0 : index
        %parallel_loop3A_251 = tpu.vector_load %arg11[%parallel_loop3A_248, %parallel_loop3A_249, %parallel_loop3A_250] {strides = array<i32>} : memref<2x128x80xf32, #tpu.memory_space<vmem>>, vector<16xf32>,
        tpu.vector_store %arg11[%parallel_loop3A_248, %parallel_loop3A_249, %parallel_loop3A_250], %parallel_loop3A_246 {strides = array<i32>} : memref<2x128x80xf32, #tpu.memory_space<vmem>>, vector<16xf32>,
        %parallel_loop3A_252 = vector.shape_cast %add3A_34 : vector<16xi32> to vector<16x1xi32>
        %parallel_loop3A_253 = vector.shape_cast %parallel_loop3A_252 : vector<16x1xi32> to vector<16xi32>
        %parallel_loop3A_254 = tpu.dynamic_gather %parallel_loop3A_232[%parallel_loop3A_253] in [0] : vector<16xf32>, vector<16xi32> -> vector<16xf32>
        %parallel_loop3A_255 = arith.constant 0 : i32
        %parallel_loop3A_256 = arith.index_cast %parallel_loop3A_255 : i32 to index
        %parallel_loop3A_257 = arith.index_cast %parallel_loop3A_216 : i32 to index
        %parallel_loop3A_258 = arith.constant 16 : index
        %parallel_loop3A_259 = tpu.vector_load %arg9[%parallel_loop3A_256, %parallel_loop3A_257, %parallel_loop3A_258] {strides = array<i32>} : memref<2x128x80xf32, #tpu.memory_space<vmem>>, vector<16xf32>,
        %parallel_loop3A_260 = arith.mulf %parallel_loop3A_259, %parallel_loop3A_254 : vector<16xf32>
        %parallel_loop3A_261 = arith.constant 0 : i32
        %parallel_loop3A_262 = arith.index_cast %parallel_loop3A_261 : i32 to index
        %parallel_loop3A_263 = arith.index_cast %parallel_loop3A_216 : i32 to index
        %parallel_loop3A_264 = arith.constant 16 : index
        %parallel_loop3A_265 = tpu.vector_load %arg11[%parallel_loop3A_262, %parallel_loop3A_263, %parallel_loop3A_264] {strides = array<i32>} : memref<2x128x80xf32, #tpu.memory_space<vmem>>, vector<16xf32>,
        tpu.vector_store %arg11[%parallel_loop3A_262, %parallel_loop3A_263, %parallel_loop3A_264], %parallel_loop3A_260 {strides = array<i32>} : memref<2x128x80xf32, #tpu.memory_space<vmem>>, vector<16xf32>,
        %parallel_loop3A_266 = vector.shape_cast %add3A_37 : vector<16xi32> to vector<16x1xi32>
        %parallel_loop3A_267 = vector.shape_cast %parallel_loop3A_266 : vector<16x1xi32> to vector<16xi32>
        %parallel_loop3A_268 = tpu.dynamic_gather %parallel_loop3A_232[%parallel_loop3A_267] in [0] : vector<16xf32>, vector<16xi32> -> vector<16xf32>
        %parallel_loop3A_269 = arith.constant 0 : i32
        %parallel_loop3A_270 = arith.index_cast %parallel_loop3A_269 : i32 to index
        %parallel_loop3A_271 = arith.index_cast %parallel_loop3A_216 : i32 to index
        %parallel_loop3A_272 = arith.constant 32 : index
        %parallel_loop3A_273 = tpu.vector_load %arg9[%parallel_loop3A_270, %parallel_loop3A_271, %parallel_loop3A_272] {strides = array<i32>} : memref<2x128x80xf32, #tpu.memory_space<vmem>>, vector<16xf32>,
        %parallel_loop3A_274 = arith.mulf %parallel_loop3A_273, %parallel_loop3A_268 : vector<16xf32>
        %parallel_loop3A_275 = arith.constant 0 : i32
        %parallel_loop3A_276 = arith.index_cast %parallel_loop3A_275 : i32 to index
        %parallel_loop3A_277 = arith.index_cast %parallel_loop3A_216 : i32 to index
        %parallel_loop3A_278 = arith.constant 32 : index
        %parallel_loop3A_279 = tpu.vector_load %arg11[%parallel_loop3A_276, %parallel_loop3A_277, %parallel_loop3A_278] {strides = array<i32>} : memref<2x128x80xf32, #tpu.memory_space<vmem>>, vector<16xf32>,
        tpu.vector_store %arg11[%parallel_loop3A_276, %parallel_loop3A_277, %parallel_loop3A_278], %parallel_loop3A_274 {strides = array<i32>} : memref<2x128x80xf32, #tpu.memory_space<vmem>>, vector<16xf32>,
        %parallel_loop3A_280 = vector.shape_cast %add3A_40 : vector<16xi32> to vector<16x1xi32>
        %parallel_loop3A_281 = vector.shape_cast %parallel_loop3A_280 : vector<16x1xi32> to vector<16xi32>
        %parallel_loop3A_282 = tpu.dynamic_gather %parallel_loop3A_232[%parallel_loop3A_281] in [0] : vector<16xf32>, vector<16xi32> -> vector<16xf32>
        %parallel_loop3A_283 = arith.constant 0 : i32
        %parallel_loop3A_284 = arith.index_cast %parallel_loop3A_283 : i32 to index
        %parallel_loop3A_285 = arith.index_cast %parallel_loop3A_216 : i32 to index
        %parallel_loop3A_286 = arith.constant 48 : index
        %parallel_loop3A_287 = tpu.vector_load %arg9[%parallel_loop3A_284, %parallel_loop3A_285, %parallel_loop3A_286] {strides = array<i32>} : memref<2x128x80xf32, #tpu.memory_space<vmem>>, vector<16xf32>,
        %parallel_loop3A_288 = arith.mulf %parallel_loop3A_287, %parallel_loop3A_282 : vector<16xf32>
        %parallel_loop3A_289 = arith.constant 0 : i32
        %parallel_loop3A_290 = arith.index_cast %parallel_loop3A_289 : i32 to index
        %parallel_loop3A_291 = arith.index_cast %parallel_loop3A_216 : i32 to index
        %parallel_loop3A_292 = arith.constant 48 : index
        %parallel_loop3A_293 = tpu.vector_load %arg11[%parallel_loop3A_290, %parallel_loop3A_291, %parallel_loop3A_292] {strides = array<i32>} : memref<2x128x80xf32, #tpu.memory_space<vmem>>, vector<16xf32>,
        tpu.vector_store %arg11[%parallel_loop3A_290, %parallel_loop3A_291, %parallel_loop3A_292], %parallel_loop3A_288 {strides = array<i32>} : memref<2x128x80xf32, #tpu.memory_space<vmem>>, vector<16xf32>,
      } {sc.loop_unroll_factor = 1 : i64, sc.parallel_access}
      %dma_start3A_191 = arith.constant 0 : i32
      %dma_start3A_192 = arith.constant 0 : i32
      %dma_start3A_193 = arith.constant 0 : i32
      %dma_start3A_194 = arith.constant 0 : i32
      %dma_start3A_195 = tpu.memref_slice %arg11[%dma_start3A_191, %dma_start3A_193, %dma_start3A_194] : memref<2x128x80xf32, #tpu.memory_space<vmem>> -> memref<1x128x80xf32, #tpu.memory_space<vmem>>
      %dma_start3A_196 = tpu.memref_squeeze %dma_start3A_195 : memref<1x128x80xf32, #tpu.memory_space<vmem>> -> memref<128x80xf32, #tpu.memory_space<vmem>>
      %dma_start3A_197 = arith.constant 0 : i32
      %dma_start3A_198 = tpu.memref_slice %arg8[%add3A_156, %dma_start3A_197] : memref<79x128xi32, #tpu.memory_space<vmem>> -> memref<1x128xi32, #tpu.memory_space<vmem>>
      %dma_start3A_199 = tpu.memref_squeeze %dma_start3A_198 : memref<1x128xi32, #tpu.memory_space<vmem>> -> memref<128xi32, #tpu.memory_space<vmem>>
      %dma_start3A_200 = arith.constant 0 : i32
      %dma_start3A_201 = arith.constant 0 : i32
      %dma_start3A_202 = tpu.memref_slice %arg13[%dma_start3A_200, %dma_start3A_201] : memref<10240x80xf32, #tpu.memory_space<vmem_shared>> -> memref<10240x80xf32, #tpu.memory_space<vmem_shared>>
      %dma_start3A_203 = tpu.memref_slice %arg15[%dma_start3A_192] : memref<2x!tpu.dma_semaphore, #tpu.memory_space<semaphore_mem>> -> memref<1x!tpu.dma_semaphore, #tpu.memory_space<semaphore_mem>>
      %dma_start3A_204 = tpu.memref_squeeze %dma_start3A_203 : memref<1x!tpu.dma_semaphore, #tpu.memory_space<semaphore_mem>> -> memref<!tpu.dma_semaphore, #tpu.memory_space<semaphore_mem>>
      tpu.enqueue_indirect_dma source(%dma_start3A_196 : memref<128x80xf32, #tpu.memory_space<vmem>>) target(%dma_start3A_202 : memref<10240x80xf32, #tpu.memory_space<vmem_shared>>) offsets(%dma_start3A_199 : memref<128xi32, #tpu.memory_space<vmem>>) semaphore(%dma_start3A_204 : memref<!tpu.dma_semaphore, #tpu.memory_space<semaphore_mem>>) {add = true}
      %add3A_205 = arith.constant 2 : i32
      %add3A_206 = arith.addi %add3A_156, %add3A_205 : i32
      %lt3A = arith.cmpi slt, %add3A_206, %add3A_3 : i32
      %convert_element_type3A_207 = arith.extui %lt3A : i1 to i32
      %cond3A_208 = arith.constant 0 : i32
      %cond3A_209 = arith.cmpi ne, %convert_element_type3A_207, %cond3A_208 : i32
      scf.if %cond3A_209 {
        %add3A_216 = arith.constant 2 : i32
        %add3A_217 = arith.addi %add3A_156, %add3A_216 : i32
        %dma_start3A_218 = arith.constant 0 : i32
        %dma_start3A_219 = arith.constant 0 : i32
        %dma_start3A_220 = arith.constant 0 : i32
        %dma_start3A_221 = arith.constant 0 : i32
        %dma_start3A_222 = tpu.memref_slice %arg9[%dma_start3A_218, %dma_start3A_220, %dma_start3A_221] : memref<2x128x80xf32, #tpu.memory_space<vmem>> -> memref<1x128x80xf32, #tpu.memory_space<vmem>>
        %dma_start3A_223 = tpu.memref_squeeze %dma_start3A_222 : memref<1x128x80xf32, #tpu.memory_space<vmem>> -> memref<128x80xf32, #tpu.memory_space<vmem>>
        %dma_start3A_224 = arith.constant 0 : i32
        %dma_start3A_225 = tpu.memref_slice %arg7[%add3A_217, %dma_start3A_224] : memref<79x128xi32, #tpu.memory_space<vmem>> -> memref<1x128xi32, #tpu.memory_space<vmem>>
        %dma_start3A_226 = tpu.memref_squeeze %dma_start3A_225 : memref<1x128xi32, #tpu.memory_space<vmem>> -> memref<128xi32, #tpu.memory_space<vmem>>
        %dma_start3A_227 = arith.constant 0 : i32
        %dma_start3A_228 = arith.constant 0 : i32
        %dma_start3A_229 = tpu.memref_slice %arg2[%dma_start3A_227, %dma_start3A_228] : memref<10000x80xf32, #tpu.memory_space<hbm>> -> memref<10000x80xf32, #tpu.memory_space<hbm>>
        %dma_start3A_230 = tpu.memref_slice %arg14[%dma_start3A_219] : memref<2x!tpu.dma_semaphore, #tpu.memory_space<semaphore_mem>> -> memref<1x!tpu.dma_semaphore, #tpu.memory_space<semaphore_mem>>
        %dma_start3A_231 = tpu.memref_squeeze %dma_start3A_230 : memref<1x!tpu.dma_semaphore, #tpu.memory_space<semaphore_mem>> -> memref<!tpu.dma_semaphore, #tpu.memory_space<semaphore_mem>>
        tpu.enqueue_indirect_dma source(%dma_start3A_229 : memref<10000x80xf32, #tpu.memory_space<hbm>>) target(%dma_start3A_223 : memref<128x80xf32, #tpu.memory_space<vmem>>) offsets(%dma_start3A_226 : memref<128xi32, #tpu.memory_space<vmem>>) semaphore(%dma_start3A_231 : memref<!tpu.dma_semaphore, #tpu.memory_space<semaphore_mem>>)
        %dma_start3A_232 = arith.constant 0 : i32
        %dma_start3A_233 = arith.constant 0 : i32
        %dma_start3A_234 = arith.constant 0 : i32
        %dma_start3A_235 = arith.constant 0 : i32
        %dma_start3A_236 = tpu.memref_slice %arg10[%dma_start3A_232, %dma_start3A_234, %dma_start3A_235] : memref<2x128x16xf32, #tpu.memory_space<vmem>> -> memref<1x128x16xf32, #tpu.memory_space<vmem>>
        %dma_start3A_237 = tpu.memref_squeeze %dma_start3A_236 : memref<1x128x16xf32, #tpu.memory_space<vmem>> -> memref<128x16xf32, #tpu.memory_space<vmem>>
        %dma_start3A_238 = arith.constant 0 : i32
        %dma_start3A_239 = tpu.memref_slice %arg8[%add3A_217, %dma_start3A_238] : memref<79x128xi32, #tpu.memory_space<vmem>> -> memref<1x128xi32, #tpu.memory_space<vmem>>
        %dma_start3A_240 = tpu.memref_squeeze %dma_start3A_239 : memref<1x128xi32, #tpu.memory_space<vmem>> -> memref<128xi32, #tpu.memory_space<vmem>>
        %dma_start3A_241 = arith.constant 0 : i32
        %dma_start3A_242 = arith.constant 0 : i32
        %dma_start3A_243 = tpu.memref_slice %arg3[%dma_start3A_241, %dma_start3A_242] : memref<10000x16xf32, #tpu.memory_space<hbm>> -> memref<10000x16xf32, #tpu.memory_space<hbm>>
        %dma_start3A_244 = tpu.memref_slice %arg14[%dma_start3A_233] : memref<2x!tpu.dma_semaphore, #tpu.memory_space<semaphore_mem>> -> memref<1x!tpu.dma_semaphore, #tpu.memory_space<semaphore_mem>>
        %dma_start3A_245 = tpu.memref_squeeze %dma_start3A_244 : memref<1x!tpu.dma_semaphore, #tpu.memory_space<semaphore_mem>> -> memref<!tpu.dma_semaphore, #tpu.memory_space<semaphore_mem>>
        tpu.enqueue_indirect_dma source(%dma_start3A_243 : memref<10000x16xf32, #tpu.memory_space<hbm>>) target(%dma_start3A_237 : memref<128x16xf32, #tpu.memory_space<vmem>>) offsets(%dma_start3A_240 : memref<128xi32, #tpu.memory_space<vmem>>) semaphore(%dma_start3A_245 : memref<!tpu.dma_semaphore, #tpu.memory_space<semaphore_mem>>)
      } else {
      }
      %add3A_210 = arith.constant 1 : i32
      %add3A_211 = arith.addi %add3A_154, %add3A_210 : i32
      %lt3A_212 = arith.cmpi slt, %add3A_211, %add3A_3 : i32
      %convert_element_type3A_213 = arith.extui %lt3A_212 : i1 to i32
      %cond3A_214 = arith.constant 0 : i32
      %cond3A_215 = arith.cmpi ne, %convert_element_type3A_213, %cond3A_214 : i32
      scf.if %cond3A_215 {
        %dma_wait3A_216 = arith.constant 1 : i32
        %dma_wait3A_217 = arith.constant 1 : i32
        %dma_wait3A_218 = arith.constant 0 : i32
        %dma_wait3A_219 = arith.constant 0 : i32
        %dma_wait3A_220 = tpu.memref_slice %arg9[%dma_wait3A_216, %dma_wait3A_218, %dma_wait3A_219] : memref<2x128x80xf32, #tpu.memory_space<vmem>> -> memref<1x128x80xf32, #tpu.memory_space<vmem>>
        %dma_wait3A_221 = tpu.memref_squeeze %dma_wait3A_220 : memref<1x128x80xf32, #tpu.memory_space<vmem>> -> memref<128x80xf32, #tpu.memory_space<vmem>>
        %dma_wait3A_222 = arith.constant 0 : i32
        %dma_wait3A_223 = tpu.memref_slice %arg7[%add3A_211, %dma_wait3A_222] : memref<79x128xi32, #tpu.memory_space<vmem>> -> memref<1x128xi32, #tpu.memory_space<vmem>>
        %dma_wait3A_224 = tpu.memref_squeeze %dma_wait3A_223 : memref<1x128xi32, #tpu.memory_space<vmem>> -> memref<128xi32, #tpu.memory_space<vmem>>
        %dma_wait3A_225 = arith.constant 0 : i32
        %dma_wait3A_226 = arith.constant 0 : i32
        %dma_wait3A_227 = tpu.memref_slice %arg2[%dma_wait3A_225, %dma_wait3A_226] : memref<10000x80xf32, #tpu.memory_space<hbm>> -> memref<10000x80xf32, #tpu.memory_space<hbm>>
        %dma_wait3A_228 = tpu.memref_slice %arg14[%dma_wait3A_217] : memref<2x!tpu.dma_semaphore, #tpu.memory_space<semaphore_mem>> -> memref<1x!tpu.dma_semaphore, #tpu.memory_space<semaphore_mem>>
        %dma_wait3A_229 = tpu.memref_squeeze %dma_wait3A_228 : memref<1x!tpu.dma_semaphore, #tpu.memory_space<semaphore_mem>> -> memref<!tpu.dma_semaphore, #tpu.memory_space<semaphore_mem>>
        tpu.wait_indirect_dma semaphore(%dma_wait3A_229 : memref<!tpu.dma_semaphore, #tpu.memory_space<semaphore_mem>>) src(%dma_wait3A_227 : memref<10000x80xf32, #tpu.memory_space<hbm>>) dst(%dma_wait3A_221 : memref<128x80xf32, #tpu.memory_space<vmem>>)
        %dma_wait3A_230 = arith.constant 1 : i32
        %dma_wait3A_231 = arith.constant 1 : i32
        %dma_wait3A_232 = arith.constant 0 : i32
        %dma_wait3A_233 = arith.constant 0 : i32
        %dma_wait3A_234 = tpu.memref_slice %arg10[%dma_wait3A_230, %dma_wait3A_232, %dma_wait3A_233] : memref<2x128x16xf32, #tpu.memory_space<vmem>> -> memref<1x128x16xf32, #tpu.memory_space<vmem>>
        %dma_wait3A_235 = tpu.memref_squeeze %dma_wait3A_234 : memref<1x128x16xf32, #tpu.memory_space<vmem>> -> memref<128x16xf32, #tpu.memory_space<vmem>>
        %dma_wait3A_236 = arith.constant 0 : i32
        %dma_wait3A_237 = tpu.memref_slice %arg8[%add3A_211, %dma_wait3A_236] : memref<79x128xi32, #tpu.memory_space<vmem>> -> memref<1x128xi32, #tpu.memory_space<vmem>>
        %dma_wait3A_238 = tpu.memref_squeeze %dma_wait3A_237 : memref<1x128xi32, #tpu.memory_space<vmem>> -> memref<128xi32, #tpu.memory_space<vmem>>
        %dma_wait3A_239 = arith.constant 0 : i32
        %dma_wait3A_240 = arith.constant 0 : i32
        %dma_wait3A_241 = tpu.memref_slice %arg3[%dma_wait3A_239, %dma_wait3A_240] : memref<10000x16xf32, #tpu.memory_space<hbm>> -> memref<10000x16xf32, #tpu.memory_space<hbm>>
        %dma_wait3A_242 = tpu.memref_slice %arg14[%dma_wait3A_231] : memref<2x!tpu.dma_semaphore, #tpu.memory_space<semaphore_mem>> -> memref<1x!tpu.dma_semaphore, #tpu.memory_space<semaphore_mem>>
        %dma_wait3A_243 = tpu.memref_squeeze %dma_wait3A_242 : memref<1x!tpu.dma_semaphore, #tpu.memory_space<semaphore_mem>> -> memref<!tpu.dma_semaphore, #tpu.memory_space<semaphore_mem>>
        tpu.wait_indirect_dma semaphore(%dma_wait3A_243 : memref<!tpu.dma_semaphore, #tpu.memory_space<semaphore_mem>>) src(%dma_wait3A_241 : memref<10000x16xf32, #tpu.memory_space<hbm>>) dst(%dma_wait3A_235 : memref<128x16xf32, #tpu.memory_space<vmem>>)
        %ge3A_244 = arith.constant 2 : i32
        %ge3A_245 = arith.cmpi sge, %add3A_211, %ge3A_244 : i32
        %convert_element_type3A_246 = arith.extui %ge3A_245 : i1 to i32
        %cond3A_247 = arith.constant 0 : i32
        %cond3A_248 = arith.cmpi ne, %convert_element_type3A_246, %cond3A_247 : i32
        scf.if %cond3A_248 {
          %sub3A_272 = arith.constant 2 : i32
          %sub3A_273 = arith.subi %add3A_211, %sub3A_272 : i32
          %dma_wait3A_274 = arith.constant 1 : i32
          %dma_wait3A_275 = arith.constant 1 : i32
          %dma_wait3A_276 = arith.constant 0 : i32
          %dma_wait3A_277 = arith.constant 0 : i32
          %dma_wait3A_278 = tpu.memref_slice %arg11[%dma_wait3A_274, %dma_wait3A_276, %dma_wait3A_277] : memref<2x128x80xf32, #tpu.memory_space<vmem>> -> memref<1x128x80xf32, #tpu.memory_space<vmem>>
          %dma_wait3A_279 = tpu.memref_squeeze %dma_wait3A_278 : memref<1x128x80xf32, #tpu.memory_space<vmem>> -> memref<128x80xf32, #tpu.memory_space<vmem>>
          %dma_wait3A_280 = arith.constant 0 : i32
          %dma_wait3A_281 = tpu.memref_slice %arg8[%sub3A_273, %dma_wait3A_280] : memref<79x128xi32, #tpu.memory_space<vmem>> -> memref<1x128xi32, #tpu.memory_space<vmem>>
          %dma_wait3A_282 = tpu.memref_squeeze %dma_wait3A_281 : memref<1x128xi32, #tpu.memory_space<vmem>> -> memref<128xi32, #tpu.memory_space<vmem>>
          %dma_wait3A_283 = arith.constant 0 : i32
          %dma_wait3A_284 = arith.constant 0 : i32
          %dma_wait3A_285 = tpu.memref_slice %arg13[%dma_wait3A_283, %dma_wait3A_284] : memref<10240x80xf32, #tpu.memory_space<vmem_shared>> -> memref<10240x80xf32, #tpu.memory_space<vmem_shared>>
          %dma_wait3A_286 = tpu.memref_slice %arg15[%dma_wait3A_275] : memref<2x!tpu.dma_semaphore, #tpu.memory_space<semaphore_mem>> -> memref<1x!tpu.dma_semaphore, #tpu.memory_space<semaphore_mem>>
          %dma_wait3A_287 = tpu.memref_squeeze %dma_wait3A_286 : memref<1x!tpu.dma_semaphore, #tpu.memory_space<semaphore_mem>> -> memref<!tpu.dma_semaphore, #tpu.memory_space<semaphore_mem>>
          tpu.wait_indirect_dma semaphore(%dma_wait3A_287 : memref<!tpu.dma_semaphore, #tpu.memory_space<semaphore_mem>>) src(%dma_wait3A_279 : memref<128x80xf32, #tpu.memory_space<vmem>>) dst(%dma_wait3A_285 : memref<10240x80xf32, #tpu.memory_space<vmem_shared>>)
        } else {
        }
        %parallel_loop3A_249 = arith.constant 0 : i32
        %parallel_loop3A_250 = arith.constant 128 : i32
        %parallel_loop3A_251 = arith.constant 1 : i32
        scf.for %parallel_loop3A_272 = %parallel_loop3A_249 to %parallel_loop3A_250 step %parallel_loop3A_251  : i32 {
          %parallel_loop3A_273 = arith.constant 1 : i32
          %parallel_loop3A_274 = arith.index_cast %parallel_loop3A_273 : i32 to index
          %parallel_loop3A_275 = arith.index_cast %parallel_loop3A_272 : i32 to index
          %parallel_loop3A_276 = arith.constant 64 : index
          %parallel_loop3A_277 = tpu.vector_load %arg9[%parallel_loop3A_274, %parallel_loop3A_275, %parallel_loop3A_276] {strides = array<i32>} : memref<2x128x80xf32, #tpu.memory_space<vmem>>, vector<16xf32>,
          %parallel_loop3A_278 = arith.constant 1 : i32
          %parallel_loop3A_279 = arith.index_cast %parallel_loop3A_278 : i32 to index
          %parallel_loop3A_280 = arith.index_cast %parallel_loop3A_272 : i32 to index
          %parallel_loop3A_281 = arith.constant 0 : index
          %parallel_loop3A_282 = tpu.vector_load %arg10[%parallel_loop3A_279, %parallel_loop3A_280, %parallel_loop3A_281] {strides = array<i32>} : memref<2x128x16xf32, #tpu.memory_space<vmem>>, vector<16xf32>,
          %parallel_loop3A_283 = arith.addf %parallel_loop3A_277, %parallel_loop3A_282 : vector<16xf32>
          %parallel_loop3A_284 = arith.constant 2.000000e-01 : f32
          %parallel_loop3A_285 = vector.broadcast %parallel_loop3A_284 : f32 to vector<16xf32>
          %parallel_loop3A_286 = arith.mulf %parallel_loop3A_285, %parallel_loop3A_283 : vector<16xf32>
          %parallel_loop3A_287 = arith.maximumf %parallel_loop3A_283, %parallel_loop3A_286 : vector<16xf32>
          %parallel_loop3A_288 = math.exp %parallel_loop3A_287 : vector<16xf32>
          %parallel_loop3A_289 = arith.constant 1 : i32
          %parallel_loop3A_290 = arith.index_cast %parallel_loop3A_289 : i32 to index
          %parallel_loop3A_291 = arith.index_cast %parallel_loop3A_272 : i32 to index
          %parallel_loop3A_292 = arith.constant 64 : index
          %parallel_loop3A_293 = tpu.vector_load %arg11[%parallel_loop3A_290, %parallel_loop3A_291, %parallel_loop3A_292] {strides = array<i32>} : memref<2x128x80xf32, #tpu.memory_space<vmem>>, vector<16xf32>,
          tpu.vector_store %arg11[%parallel_loop3A_290, %parallel_loop3A_291, %parallel_loop3A_292], %parallel_loop3A_288 {strides = array<i32>} : memref<2x128x80xf32, #tpu.memory_space<vmem>>, vector<16xf32>,
          %parallel_loop3A_294 = vector.shape_cast %add3A_31 : vector<16xi32> to vector<16x1xi32>
          %parallel_loop3A_295 = vector.shape_cast %parallel_loop3A_294 : vector<16x1xi32> to vector<16xi32>
          %parallel_loop3A_296 = tpu.dynamic_gather %parallel_loop3A_288[%parallel_loop3A_295] in [0] : vector<16xf32>, vector<16xi32> -> vector<16xf32>
          %parallel_loop3A_297 = arith.constant 1 : i32
          %parallel_loop3A_298 = arith.index_cast %parallel_loop3A_297 : i32 to index
          %parallel_loop3A_299 = arith.index_cast %parallel_loop3A_272 : i32 to index
          %parallel_loop3A_300 = arith.constant 0 : index
          %parallel_loop3A_301 = tpu.vector_load %arg9[%parallel_loop3A_298, %parallel_loop3A_299, %parallel_loop3A_300] {strides = array<i32>} : memref<2x128x80xf32, #tpu.memory_space<vmem>>, vector<16xf32>,
          %parallel_loop3A_302 = arith.mulf %parallel_loop3A_301, %parallel_loop3A_296 : vector<16xf32>
          %parallel_loop3A_303 = arith.constant 1 : i32
          %parallel_loop3A_304 = arith.index_cast %parallel_loop3A_303 : i32 to index
          %parallel_loop3A_305 = arith.index_cast %parallel_loop3A_272 : i32 to index
          %parallel_loop3A_306 = arith.constant 0 : index
          %parallel_loop3A_307 = tpu.vector_load %arg11[%parallel_loop3A_304, %parallel_loop3A_305, %parallel_loop3A_306] {strides = array<i32>} : memref<2x128x80xf32, #tpu.memory_space<vmem>>, vector<16xf32>,
          tpu.vector_store %arg11[%parallel_loop3A_304, %parallel_loop3A_305, %parallel_loop3A_306], %parallel_loop3A_302 {strides = array<i32>} : memref<2x128x80xf32, #tpu.memory_space<vmem>>, vector<16xf32>,
          %parallel_loop3A_308 = vector.shape_cast %add3A_34 : vector<16xi32> to vector<16x1xi32>
          %parallel_loop3A_309 = vector.shape_cast %parallel_loop3A_308 : vector<16x1xi32> to vector<16xi32>
          %parallel_loop3A_310 = tpu.dynamic_gather %parallel_loop3A_288[%parallel_loop3A_309] in [0] : vector<16xf32>, vector<16xi32> -> vector<16xf32>
          %parallel_loop3A_311 = arith.constant 1 : i32
          %parallel_loop3A_312 = arith.index_cast %parallel_loop3A_311 : i32 to index
          %parallel_loop3A_313 = arith.index_cast %parallel_loop3A_272 : i32 to index
          %parallel_loop3A_314 = arith.constant 16 : index
          %parallel_loop3A_315 = tpu.vector_load %arg9[%parallel_loop3A_312, %parallel_loop3A_313, %parallel_loop3A_314] {strides = array<i32>} : memref<2x128x80xf32, #tpu.memory_space<vmem>>, vector<16xf32>,
          %parallel_loop3A_316 = arith.mulf %parallel_loop3A_315, %parallel_loop3A_310 : vector<16xf32>
          %parallel_loop3A_317 = arith.constant 1 : i32
          %parallel_loop3A_318 = arith.index_cast %parallel_loop3A_317 : i32 to index
          %parallel_loop3A_319 = arith.index_cast %parallel_loop3A_272 : i32 to index
          %parallel_loop3A_320 = arith.constant 16 : index
          %parallel_loop3A_321 = tpu.vector_load %arg11[%parallel_loop3A_318, %parallel_loop3A_319, %parallel_loop3A_320] {strides = array<i32>} : memref<2x128x80xf32, #tpu.memory_space<vmem>>, vector<16xf32>,
          tpu.vector_store %arg11[%parallel_loop3A_318, %parallel_loop3A_319, %parallel_loop3A_320], %parallel_loop3A_316 {strides = array<i32>} : memref<2x128x80xf32, #tpu.memory_space<vmem>>, vector<16xf32>,
          %parallel_loop3A_322 = vector.shape_cast %add3A_37 : vector<16xi32> to vector<16x1xi32>
          %parallel_loop3A_323 = vector.shape_cast %parallel_loop3A_322 : vector<16x1xi32> to vector<16xi32>
          %parallel_loop3A_324 = tpu.dynamic_gather %parallel_loop3A_288[%parallel_loop3A_323] in [0] : vector<16xf32>, vector<16xi32> -> vector<16xf32>
          %parallel_loop3A_325 = arith.constant 1 : i32
          %parallel_loop3A_326 = arith.index_cast %parallel_loop3A_325 : i32 to index
          %parallel_loop3A_327 = arith.index_cast %parallel_loop3A_272 : i32 to index
          %parallel_loop3A_328 = arith.constant 32 : index
          %parallel_loop3A_329 = tpu.vector_load %arg9[%parallel_loop3A_326, %parallel_loop3A_327, %parallel_loop3A_328] {strides = array<i32>} : memref<2x128x80xf32, #tpu.memory_space<vmem>>, vector<16xf32>,
          %parallel_loop3A_330 = arith.mulf %parallel_loop3A_329, %parallel_loop3A_324 : vector<16xf32>
          %parallel_loop3A_331 = arith.constant 1 : i32
          %parallel_loop3A_332 = arith.index_cast %parallel_loop3A_331 : i32 to index
          %parallel_loop3A_333 = arith.index_cast %parallel_loop3A_272 : i32 to index
          %parallel_loop3A_334 = arith.constant 32 : index
          %parallel_loop3A_335 = tpu.vector_load %arg11[%parallel_loop3A_332, %parallel_loop3A_333, %parallel_loop3A_334] {strides = array<i32>} : memref<2x128x80xf32, #tpu.memory_space<vmem>>, vector<16xf32>,
          tpu.vector_store %arg11[%parallel_loop3A_332, %parallel_loop3A_333, %parallel_loop3A_334], %parallel_loop3A_330 {strides = array<i32>} : memref<2x128x80xf32, #tpu.memory_space<vmem>>, vector<16xf32>,
          %parallel_loop3A_336 = vector.shape_cast %add3A_40 : vector<16xi32> to vector<16x1xi32>
          %parallel_loop3A_337 = vector.shape_cast %parallel_loop3A_336 : vector<16x1xi32> to vector<16xi32>
          %parallel_loop3A_338 = tpu.dynamic_gather %parallel_loop3A_288[%parallel_loop3A_337] in [0] : vector<16xf32>, vector<16xi32> -> vector<16xf32>
          %parallel_loop3A_339 = arith.constant 1 : i32
          %parallel_loop3A_340 = arith.index_cast %parallel_loop3A_339 : i32 to index
          %parallel_loop3A_341 = arith.index_cast %parallel_loop3A_272 : i32 to index
          %parallel_loop3A_342 = arith.constant 48 : index
          %parallel_loop3A_343 = tpu.vector_load %arg9[%parallel_loop3A_340, %parallel_loop3A_341, %parallel_loop3A_342] {strides = array<i32>} : memref<2x128x80xf32, #tpu.memory_space<vmem>>, vector<16xf32>,
          %parallel_loop3A_344 = arith.mulf %parallel_loop3A_343, %parallel_loop3A_338 : vector<16xf32>
          %parallel_loop3A_345 = arith.constant 1 : i32
          %parallel_loop3A_346 = arith.index_cast %parallel_loop3A_345 : i32 to index
          %parallel_loop3A_347 = arith.index_cast %parallel_loop3A_272 : i32 to index
          %parallel_loop3A_348 = arith.constant 48 : index
          %parallel_loop3A_349 = tpu.vector_load %arg11[%parallel_loop3A_346, %parallel_loop3A_347, %parallel_loop3A_348] {strides = array<i32>} : memref<2x128x80xf32, #tpu.memory_space<vmem>>, vector<16xf32>,
          tpu.vector_store %arg11[%parallel_loop3A_346, %parallel_loop3A_347, %parallel_loop3A_348], %parallel_loop3A_344 {strides = array<i32>} : memref<2x128x80xf32, #tpu.memory_space<vmem>>, vector<16xf32>,
        } {sc.loop_unroll_factor = 1 : i64, sc.parallel_access}
        %dma_start3A_252 = arith.constant 1 : i32
        %dma_start3A_253 = arith.constant 1 : i32
        %dma_start3A_254 = arith.constant 0 : i32
        %dma_start3A_255 = arith.constant 0 : i32
        %dma_start3A_256 = tpu.memref_slice %arg11[%dma_start3A_252, %dma_start3A_254, %dma_start3A_255] : memref<2x128x80xf32, #tpu.memory_space<vmem>> -> memref<1x128x80xf32, #tpu.memory_space<vmem>>
        %dma_start3A_257 = tpu.memref_squeeze %dma_start3A_256 : memref<1x128x80xf32, #tpu.memory_space<vmem>> -> memref<128x80xf32, #tpu.memory_space<vmem>>
        %dma_start3A_258 = arith.constant 0 : i32
        %dma_start3A_259 = tpu.memref_slice %arg8[%add3A_211, %dma_start3A_258] : memref<79x128xi32, #tpu.memory_space<vmem>> -> memref<1x128xi32, #tpu.memory_space<vmem>>
        %dma_start3A_260 = tpu.memref_squeeze %dma_start3A_259 : memref<1x128xi32, #tpu.memory_space<vmem>> -> memref<128xi32, #tpu.memory_space<vmem>>
        %dma_start3A_261 = arith.constant 0 : i32
        %dma_start3A_262 = arith.constant 0 : i32
        %dma_start3A_263 = tpu.memref_slice %arg13[%dma_start3A_261, %dma_start3A_262] : memref<10240x80xf32, #tpu.memory_space<vmem_shared>> -> memref<10240x80xf32, #tpu.memory_space<vmem_shared>>
        %dma_start3A_264 = tpu.memref_slice %arg15[%dma_start3A_253] : memref<2x!tpu.dma_semaphore, #tpu.memory_space<semaphore_mem>> -> memref<1x!tpu.dma_semaphore, #tpu.memory_space<semaphore_mem>>
        %dma_start3A_265 = tpu.memref_squeeze %dma_start3A_264 : memref<1x!tpu.dma_semaphore, #tpu.memory_space<semaphore_mem>> -> memref<!tpu.dma_semaphore, #tpu.memory_space<semaphore_mem>>
        tpu.enqueue_indirect_dma source(%dma_start3A_257 : memref<128x80xf32, #tpu.memory_space<vmem>>) target(%dma_start3A_263 : memref<10240x80xf32, #tpu.memory_space<vmem_shared>>) offsets(%dma_start3A_260 : memref<128xi32, #tpu.memory_space<vmem>>) semaphore(%dma_start3A_265 : memref<!tpu.dma_semaphore, #tpu.memory_space<semaphore_mem>>) {add = true}
        %add3A_266 = arith.constant 2 : i32
        %add3A_267 = arith.addi %add3A_211, %add3A_266 : i32
        %lt3A_268 = arith.cmpi slt, %add3A_267, %add3A_3 : i32
        %convert_element_type3A_269 = arith.extui %lt3A_268 : i1 to i32
        %cond3A_270 = arith.constant 0 : i32
        %cond3A_271 = arith.cmpi ne, %convert_element_type3A_269, %cond3A_270 : i32
        scf.if %cond3A_271 {
          %add3A_272 = arith.constant 2 : i32
          %add3A_273 = arith.addi %add3A_211, %add3A_272 : i32
          %dma_start3A_274 = arith.constant 1 : i32
          %dma_start3A_275 = arith.constant 1 : i32
          %dma_start3A_276 = arith.constant 0 : i32
          %dma_start3A_277 = arith.constant 0 : i32
          %dma_start3A_278 = tpu.memref_slice %arg9[%dma_start3A_274, %dma_start3A_276, %dma_start3A_277] : memref<2x128x80xf32, #tpu.memory_space<vmem>> -> memref<1x128x80xf32, #tpu.memory_space<vmem>>
          %dma_start3A_279 = tpu.memref_squeeze %dma_start3A_278 : memref<1x128x80xf32, #tpu.memory_space<vmem>> -> memref<128x80xf32, #tpu.memory_space<vmem>>
          %dma_start3A_280 = arith.constant 0 : i32
          %dma_start3A_281 = tpu.memref_slice %arg7[%add3A_273, %dma_start3A_280] : memref<79x128xi32, #tpu.memory_space<vmem>> -> memref<1x128xi32, #tpu.memory_space<vmem>>
          %dma_start3A_282 = tpu.memref_squeeze %dma_start3A_281 : memref<1x128xi32, #tpu.memory_space<vmem>> -> memref<128xi32, #tpu.memory_space<vmem>>
          %dma_start3A_283 = arith.constant 0 : i32
          %dma_start3A_284 = arith.constant 0 : i32
          %dma_start3A_285 = tpu.memref_slice %arg2[%dma_start3A_283, %dma_start3A_284] : memref<10000x80xf32, #tpu.memory_space<hbm>> -> memref<10000x80xf32, #tpu.memory_space<hbm>>
          %dma_start3A_286 = tpu.memref_slice %arg14[%dma_start3A_275] : memref<2x!tpu.dma_semaphore, #tpu.memory_space<semaphore_mem>> -> memref<1x!tpu.dma_semaphore, #tpu.memory_space<semaphore_mem>>
          %dma_start3A_287 = tpu.memref_squeeze %dma_start3A_286 : memref<1x!tpu.dma_semaphore, #tpu.memory_space<semaphore_mem>> -> memref<!tpu.dma_semaphore, #tpu.memory_space<semaphore_mem>>
          tpu.enqueue_indirect_dma source(%dma_start3A_285 : memref<10000x80xf32, #tpu.memory_space<hbm>>) target(%dma_start3A_279 : memref<128x80xf32, #tpu.memory_space<vmem>>) offsets(%dma_start3A_282 : memref<128xi32, #tpu.memory_space<vmem>>) semaphore(%dma_start3A_287 : memref<!tpu.dma_semaphore, #tpu.memory_space<semaphore_mem>>)
          %dma_start3A_288 = arith.constant 1 : i32
          %dma_start3A_289 = arith.constant 1 : i32
          %dma_start3A_290 = arith.constant 0 : i32
          %dma_start3A_291 = arith.constant 0 : i32
          %dma_start3A_292 = tpu.memref_slice %arg10[%dma_start3A_288, %dma_start3A_290, %dma_start3A_291] : memref<2x128x16xf32, #tpu.memory_space<vmem>> -> memref<1x128x16xf32, #tpu.memory_space<vmem>>
          %dma_start3A_293 = tpu.memref_squeeze %dma_start3A_292 : memref<1x128x16xf32, #tpu.memory_space<vmem>> -> memref<128x16xf32, #tpu.memory_space<vmem>>
          %dma_start3A_294 = arith.constant 0 : i32
          %dma_start3A_295 = tpu.memref_slice %arg8[%add3A_273, %dma_start3A_294] : memref<79x128xi32, #tpu.memory_space<vmem>> -> memref<1x128xi32, #tpu.memory_space<vmem>>
          %dma_start3A_296 = tpu.memref_squeeze %dma_start3A_295 : memref<1x128xi32, #tpu.memory_space<vmem>> -> memref<128xi32, #tpu.memory_space<vmem>>
          %dma_start3A_297 = arith.constant 0 : i32
          %dma_start3A_298 = arith.constant 0 : i32
          %dma_start3A_299 = tpu.memref_slice %arg3[%dma_start3A_297, %dma_start3A_298] : memref<10000x16xf32, #tpu.memory_space<hbm>> -> memref<10000x16xf32, #tpu.memory_space<hbm>>
          %dma_start3A_300 = tpu.memref_slice %arg14[%dma_start3A_289] : memref<2x!tpu.dma_semaphore, #tpu.memory_space<semaphore_mem>> -> memref<1x!tpu.dma_semaphore, #tpu.memory_space<semaphore_mem>>
          %dma_start3A_301 = tpu.memref_squeeze %dma_start3A_300 : memref<1x!tpu.dma_semaphore, #tpu.memory_space<semaphore_mem>> -> memref<!tpu.dma_semaphore, #tpu.memory_space<semaphore_mem>>
          tpu.enqueue_indirect_dma source(%dma_start3A_299 : memref<10000x16xf32, #tpu.memory_space<hbm>>) target(%dma_start3A_293 : memref<128x16xf32, #tpu.memory_space<vmem>>) offsets(%dma_start3A_296 : memref<128xi32, #tpu.memory_space<vmem>>) semaphore(%dma_start3A_301 : memref<!tpu.dma_semaphore, #tpu.memory_space<semaphore_mem>>)
        } else {
        }
      } else {
      }
    }
    %dma_wait3A = arith.constant 0 : i32
    %dma_wait3A_117 = arith.constant 0 : i32
    %dma_wait3A_118 = arith.constant 0 : i32
    %dma_wait3A_119 = arith.constant 0 : i32
    %dma_wait3A_120 = arith.constant 0 : i32
    %dma_wait3A_121 = tpu.memref_slice %arg11[%dma_wait3A, %dma_wait3A_119, %dma_wait3A_120] : memref<2x128x80xf32, #tpu.memory_space<vmem>> -> memref<1x128x80xf32, #tpu.memory_space<vmem>>
    %dma_wait3A_122 = tpu.memref_squeeze %dma_wait3A_121 : memref<1x128x80xf32, #tpu.memory_space<vmem>> -> memref<128x80xf32, #tpu.memory_space<vmem>>
    %dma_wait3A_123 = arith.constant 0 : i32
    %dma_wait3A_124 = tpu.memref_slice %arg8[%dma_wait3A_117, %dma_wait3A_123] : memref<79x128xi32, #tpu.memory_space<vmem>> -> memref<1x128xi32, #tpu.memory_space<vmem>>
    %dma_wait3A_125 = tpu.memref_squeeze %dma_wait3A_124 : memref<1x128xi32, #tpu.memory_space<vmem>> -> memref<128xi32, #tpu.memory_space<vmem>>
    %dma_wait3A_126 = arith.constant 0 : i32
    %dma_wait3A_127 = arith.constant 0 : i32
    %dma_wait3A_128 = tpu.memref_slice %arg13[%dma_wait3A_126, %dma_wait3A_127] : memref<10240x80xf32, #tpu.memory_space<vmem_shared>> -> memref<10240x80xf32, #tpu.memory_space<vmem_shared>>
    %dma_wait3A_129 = tpu.memref_slice %arg15[%dma_wait3A_118] : memref<2x!tpu.dma_semaphore, #tpu.memory_space<semaphore_mem>> -> memref<1x!tpu.dma_semaphore, #tpu.memory_space<semaphore_mem>>
    %dma_wait3A_130 = tpu.memref_squeeze %dma_wait3A_129 : memref<1x!tpu.dma_semaphore, #tpu.memory_space<semaphore_mem>> -> memref<!tpu.dma_semaphore, #tpu.memory_space<semaphore_mem>>
    tpu.wait_indirect_dma semaphore(%dma_wait3A_130 : memref<!tpu.dma_semaphore, #tpu.memory_space<semaphore_mem>>) src(%dma_wait3A_122 : memref<128x80xf32, #tpu.memory_space<vmem>>) dst(%dma_wait3A_128 : memref<10240x80xf32, #tpu.memory_space<vmem_shared>>)
    %dma_wait3A_131 = arith.constant 1 : i32
    %dma_wait3A_132 = arith.constant 1 : i32
    %dma_wait3A_133 = arith.constant 1 : i32
    %dma_wait3A_134 = arith.constant 0 : i32
    %dma_wait3A_135 = arith.constant 0 : i32
    %dma_wait3A_136 = tpu.memref_slice %arg11[%dma_wait3A_131, %dma_wait3A_134, %dma_wait3A_135] : memref<2x128x80xf32, #tpu.memory_space<vmem>> -> memref<1x128x80xf32, #tpu.memory_space<vmem>>
    %dma_wait3A_137 = tpu.memref_squeeze %dma_wait3A_136 : memref<1x128x80xf32, #tpu.memory_space<vmem>> -> memref<128x80xf32, #tpu.memory_space<vmem>>
    %dma_wait3A_138 = arith.constant 0 : i32
    %dma_wait3A_139 = tpu.memref_slice %arg8[%dma_wait3A_132, %dma_wait3A_138] : memref<79x128xi32, #tpu.memory_space<vmem>> -> memref<1x128xi32, #tpu.memory_space<vmem>>
    %dma_wait3A_140 = tpu.memref_squeeze %dma_wait3A_139 : memref<1x128xi32, #tpu.memory_space<vmem>> -> memref<128xi32, #tpu.memory_space<vmem>>
    %dma_wait3A_141 = arith.constant 0 : i32
    %dma_wait3A_142 = arith.constant 0 : i32
    %dma_wait3A_143 = tpu.memref_slice %arg13[%dma_wait3A_141, %dma_wait3A_142] : memref<10240x80xf32, #tpu.memory_space<vmem_shared>> -> memref<10240x80xf32, #tpu.memory_space<vmem_shared>>
    %dma_wait3A_144 = tpu.memref_slice %arg15[%dma_wait3A_133] : memref<2x!tpu.dma_semaphore, #tpu.memory_space<semaphore_mem>> -> memref<1x!tpu.dma_semaphore, #tpu.memory_space<semaphore_mem>>
    %dma_wait3A_145 = tpu.memref_squeeze %dma_wait3A_144 : memref<1x!tpu.dma_semaphore, #tpu.memory_space<semaphore_mem>> -> memref<!tpu.dma_semaphore, #tpu.memory_space<semaphore_mem>>
    tpu.wait_indirect_dma semaphore(%dma_wait3A_145 : memref<!tpu.dma_semaphore, #tpu.memory_space<semaphore_mem>>) src(%dma_wait3A_137 : memref<128x80xf32, #tpu.memory_space<vmem>>) dst(%dma_wait3A_143 : memref<10240x80xf32, #tpu.memory_space<vmem_shared>>)
    %barrier3A_146 = arith.constant 0 : index
    tpu.barrier barrier_id(%barrier3A_146)
    %scan3A_147 = arith.constant 0 : i32
    %scan3A_148 = arith.constant 8 : i32
    %scan3A_149 = arith.addi %scan3A_147, %scan3A_148 : i32
    %scan3A_150 = arith.constant 1 : i32
    scf.for %scan3A_152 = %scan3A_147 to %scan3A_149 step %scan3A_150  : i32 {
      %mul3A_153 = arith.constant 1 : i32
      %mul3A_154 = arith.muli %scan3A_152, %mul3A_153 : i32
      %add3A_155 = arith.constant 0 : i32
      %add3A_156 = arith.addi %add3A_155, %mul3A_154 : i32
      %mul3A_157 = arith.constant 80 : i32
      %mul3A_158 = arith.muli %add3A_156, %mul3A_157 : i32
      %add3A_159 = arith.addi %mul3A_18, %mul3A_158 : i32
      %mul3A_160 = arith.constant 80 : i32
      %mul3A_161 = arith.muli %add3A_156, %mul3A_160 : i32
      %add3A_162 = arith.addi %mul3A_18, %mul3A_161 : i32
      "tpu.region"() ({
        %run_scoped3A = tpu.sem_alloc : memref<!tpu.dma_semaphore, #tpu.memory_space<semaphore_mem>>
        %dma_start3A_163 = arith.constant 0 : i32
        %dma_start3A_164 = tpu.memref_slice %arg6[%arg0, %add3A_162, %dma_start3A_163] : memref<2x10240x80xf32, #tpu.memory_space<hbm>> -> memref<1x80x80xf32, #tpu.memory_space<hbm>>
        %dma_start3A_165 = tpu.memref_squeeze %dma_start3A_164 : memref<1x80x80xf32, #tpu.memory_space<hbm>> -> memref<80x80xf32, #tpu.memory_space<hbm>>
        %dma_start3A_166 = arith.constant 0 : i32
        %dma_start3A_167 = tpu.memref_slice %arg13[%add3A_159, %dma_start3A_166] : memref<10240x80xf32, #tpu.memory_space<vmem_shared>> -> memref<80x80xf32, #tpu.memory_space<vmem_shared>>
        tpu.enqueue_dma source(%dma_start3A_167 : memref<80x80xf32, #tpu.memory_space<vmem_shared>>) target(%dma_start3A_165 : memref<80x80xf32, #tpu.memory_space<hbm>>) target_semaphore(%run_scoped3A : memref<!tpu.dma_semaphore, #tpu.memory_space<semaphore_mem>>)
        %dma_wait3A_168 = arith.constant 0 : i32
        %dma_wait3A_169 = tpu.memref_slice %arg6[%arg0, %add3A_162, %dma_wait3A_168] : memref<2x10240x80xf32, #tpu.memory_space<hbm>> -> memref<1x80x80xf32, #tpu.memory_space<hbm>>
        %dma_wait3A_170 = tpu.memref_squeeze %dma_wait3A_169 : memref<1x80x80xf32, #tpu.memory_space<hbm>> -> memref<80x80xf32, #tpu.memory_space<hbm>>
        %dma_wait3A_171 = arith.constant 0 : i32
        %dma_wait3A_172 = tpu.memref_slice %arg13[%add3A_159, %dma_wait3A_171] : memref<10240x80xf32, #tpu.memory_space<vmem_shared>> -> memref<80x80xf32, #tpu.memory_space<vmem_shared>>
        tpu.wait_dma2 semaphore(%run_scoped3A : memref<!tpu.dma_semaphore, #tpu.memory_space<semaphore_mem>>) src(%dma_wait3A_172 : memref<80x80xf32, #tpu.memory_space<vmem_shared>>) dst(%dma_wait3A_170 : memref<80x80xf32, #tpu.memory_space<hbm>>)
        tpu.yield
      }) : () -> ()
    }
    %scan3A_151 = arith.constant 8 : i32
    return
  }
}

#map = affine_map<(d0, d1) -> (0, 0)>
#map1 = affine_map<(d0, d1) -> (0, 0, 0)>
module attributes {stable_mosaic.version = 14 : i64} {
  func.func @_sc_edge_kernel(%arg0: i32, %arg1: i32, %arg2: memref<10000x32xf32, #tpu.memory_space<hbm>>, %arg3: memref<10000x16xf32, #tpu.memory_space<hbm>>, %arg4: memref<2500x128xi32, #tpu.memory_space<hbm>>, %arg5: memref<2500x128xi32, #tpu.memory_space<hbm>>, %arg6: memref<2x10240x32xf32, #tpu.memory_space<hbm>>, %arg7: memref<79x128xi32, #tpu.memory_space<vmem>>, %arg8: memref<79x128xi32, #tpu.memory_space<vmem>>, %arg9: memref<2x128x32xf32, #tpu.memory_space<vmem>>, %arg10: memref<2x128x16xf32, #tpu.memory_space<vmem>>, %arg11: memref<2x128x32xf32, #tpu.memory_space<vmem>>, %arg12: memref<16xf32, #tpu.memory_space<vmem>>, %arg13: memref<10240x32xf32, #tpu.memory_space<vmem_shared>>, %arg14: memref<2x!tpu.dma_semaphore, #tpu.memory_space<semaphore_mem>>, %arg15: memref<2x!tpu.dma_semaphore, #tpu.memory_space<semaphore_mem>>) attributes {dimension_semantics = [#tpu.dimension_semantics<core_parallel>, #tpu.dimension_semantics<subcore_parallel>], iteration_bounds = array<i64: 2, 16>, scalar_prefetch = 0 : i64, scratch_operands = 9 : i64, tpu.core_type = #tpu.core_type<sc_vector_subcore>, window_params = [{transform_indices = #map}, {transform_indices = #map}, {transform_indices = #map}, {transform_indices = #map}, {transform_indices = #map1}]} {
    %mul3A = arith.constant 16 : i32
    %mul3A_0 = arith.muli %arg0, %mul3A : i32
    %add3A = arith.addi %mul3A_0, %arg1 : i32
    %ge3A = arith.constant 28 : i32
    %ge3A_1 = arith.cmpi sge, %add3A, %ge3A : i32
    %convert_element_type3A = arith.extui %ge3A_1 : i1 to i32
    %add3A_2 = arith.constant 78 : i32
    %add3A_3 = arith.addi %add3A_2, %convert_element_type3A : i32
    %mul3A_4 = arith.constant 78 : i32
    %mul3A_5 = arith.muli %add3A, %mul3A_4 : i32
    %sub3A = arith.constant 28 : i32
    %sub3A_6 = arith.subi %add3A, %sub3A : i32
    %max3A = arith.constant 0 : i32
    %max3A_7 = arith.maxsi %sub3A_6, %max3A : i32
    %add3A_8 = arith.addi %mul3A_5, %max3A_7 : i32
    "tpu.region"() ({
      %run_scoped3A = tpu.sem_alloc : memref<!tpu.dma_semaphore, #tpu.memory_space<semaphore_mem>>
      %dma_start3A_143 = arith.constant 0 : i32
      %dma_start3A_144 = tpu.memref_slice %arg4[%add3A_8, %dma_start3A_143] : memref<2500x128xi32, #tpu.memory_space<hbm>> -> memref<79x128xi32, #tpu.memory_space<hbm>>
      %dma_start3A_145 = arith.constant 0 : i32
      %dma_start3A_146 = tpu.memref_slice %arg4[%add3A_8, %dma_start3A_145] : memref<2500x128xi32, #tpu.memory_space<hbm>> -> memref<79x128xi32, #tpu.memory_space<hbm>>
      tpu.enqueue_dma source(%dma_start3A_146 : memref<79x128xi32, #tpu.memory_space<hbm>>) target(%arg7 : memref<79x128xi32, #tpu.memory_space<vmem>>) target_semaphore(%run_scoped3A : memref<!tpu.dma_semaphore, #tpu.memory_space<semaphore_mem>>)
      %dma_wait3A_147 = arith.constant 0 : i32
      %dma_wait3A_148 = tpu.memref_slice %arg4[%add3A_8, %dma_wait3A_147] : memref<2500x128xi32, #tpu.memory_space<hbm>> -> memref<79x128xi32, #tpu.memory_space<hbm>>
      %dma_wait3A_149 = arith.constant 0 : i32
      %dma_wait3A_150 = tpu.memref_slice %arg4[%add3A_8, %dma_wait3A_149] : memref<2500x128xi32, #tpu.memory_space<hbm>> -> memref<79x128xi32, #tpu.memory_space<hbm>>
      tpu.wait_dma2 semaphore(%run_scoped3A : memref<!tpu.dma_semaphore, #tpu.memory_space<semaphore_mem>>) src(%dma_wait3A_150 : memref<79x128xi32, #tpu.memory_space<hbm>>) dst(%arg7 : memref<79x128xi32, #tpu.memory_space<vmem>>)
      tpu.yield
    }) : () -> ()
    "tpu.region"() ({
      %run_scoped3A = tpu.sem_alloc : memref<!tpu.dma_semaphore, #tpu.memory_space<semaphore_mem>>
      %dma_start3A_143 = arith.constant 0 : i32
      %dma_start3A_144 = tpu.memref_slice %arg5[%add3A_8, %dma_start3A_143] : memref<2500x128xi32, #tpu.memory_space<hbm>> -> memref<79x128xi32, #tpu.memory_space<hbm>>
      %dma_start3A_145 = arith.constant 0 : i32
      %dma_start3A_146 = tpu.memref_slice %arg5[%add3A_8, %dma_start3A_145] : memref<2500x128xi32, #tpu.memory_space<hbm>> -> memref<79x128xi32, #tpu.memory_space<hbm>>
      tpu.enqueue_dma source(%dma_start3A_146 : memref<79x128xi32, #tpu.memory_space<hbm>>) target(%arg8 : memref<79x128xi32, #tpu.memory_space<vmem>>) target_semaphore(%run_scoped3A : memref<!tpu.dma_semaphore, #tpu.memory_space<semaphore_mem>>)
      %dma_wait3A_147 = arith.constant 0 : i32
      %dma_wait3A_148 = tpu.memref_slice %arg5[%add3A_8, %dma_wait3A_147] : memref<2500x128xi32, #tpu.memory_space<hbm>> -> memref<79x128xi32, #tpu.memory_space<hbm>>
      %dma_wait3A_149 = arith.constant 0 : i32
      %dma_wait3A_150 = tpu.memref_slice %arg5[%add3A_8, %dma_wait3A_149] : memref<2500x128xi32, #tpu.memory_space<hbm>> -> memref<79x128xi32, #tpu.memory_space<hbm>>
      tpu.wait_dma2 semaphore(%run_scoped3A : memref<!tpu.dma_semaphore, #tpu.memory_space<semaphore_mem>>) src(%dma_wait3A_150 : memref<79x128xi32, #tpu.memory_space<hbm>>) dst(%arg8 : memref<79x128xi32, #tpu.memory_space<vmem>>)
      tpu.yield
    }) : () -> ()
    %iota3A = tpu.iota {dimensions = array<i32: 0>} : vector<16xi32>
    %mul3A_9 = arith.constant 0 : i32
    %mul3A_10 = vector.broadcast %mul3A_9 : i32 to vector<16xi32>
    %mul3A_11 = arith.muli %iota3A, %mul3A_10 : vector<16xi32>
    %convert_element_type3A_12 = arith.sitofp %mul3A_11 : vector<16xi32> to vector<16xf32>
    %scan3A = arith.constant 0 : i32
    %scan3A_13 = arith.constant 80 : i32
    %scan3A_14 = arith.addi %scan3A, %scan3A_13 : i32
    %scan3A_15 = arith.constant 1 : i32
    scf.for %scan3A_143 = %scan3A to %scan3A_14 step %scan3A_15  : i32 {
      %mul3A_144 = arith.constant 1 : i32
      %mul3A_145 = arith.muli %scan3A_143, %mul3A_144 : i32
      %add3A_146 = arith.constant 0 : i32
      %add3A_147 = arith.addi %add3A_146, %mul3A_145 : i32
      %swap3A = arith.constant 0 : i32
      %swap3A_148 = arith.index_cast %swap3A : i32 to index
      %swap3A_149 = arith.index_cast %add3A_147 : i32 to index
      %swap3A_150 = arith.constant 0 : index
      %swap3A_151 = tpu.vector_load %arg11[%swap3A_148, %swap3A_149, %swap3A_150] {strides = array<i32>} : memref<2x128x32xf32, #tpu.memory_space<vmem>>, vector<16xf32>,
      tpu.vector_store %arg11[%swap3A_148, %swap3A_149, %swap3A_150], %convert_element_type3A_12 {strides = array<i32>} : memref<2x128x32xf32, #tpu.memory_space<vmem>>, vector<16xf32>,
      %swap3A_152 = arith.constant 0 : i32
      %swap3A_153 = arith.index_cast %swap3A_152 : i32 to index
      %swap3A_154 = arith.index_cast %add3A_147 : i32 to index
      %swap3A_155 = arith.constant 16 : index
      %swap3A_156 = tpu.vector_load %arg11[%swap3A_153, %swap3A_154, %swap3A_155] {strides = array<i32>} : memref<2x128x32xf32, #tpu.memory_space<vmem>>, vector<16xf32>,
      tpu.vector_store %arg11[%swap3A_153, %swap3A_154, %swap3A_155], %convert_element_type3A_12 {strides = array<i32>} : memref<2x128x32xf32, #tpu.memory_space<vmem>>, vector<16xf32>,
    }
    %scan3A_16 = arith.constant 80 : i32
    %mul3A_17 = arith.constant 640 : i32
    %mul3A_18 = arith.muli %arg1, %mul3A_17 : i32
    %scan3A_19 = arith.constant 0 : i32
    %scan3A_20 = arith.constant 8 : i32
    %scan3A_21 = arith.addi %scan3A_19, %scan3A_20 : i32
    %scan3A_22 = arith.constant 1 : i32
    scf.for %scan3A_143 = %scan3A_19 to %scan3A_21 step %scan3A_22  : i32 {
      %mul3A_144 = arith.constant 1 : i32
      %mul3A_145 = arith.muli %scan3A_143, %mul3A_144 : i32
      %add3A_146 = arith.constant 0 : i32
      %add3A_147 = arith.addi %add3A_146, %mul3A_145 : i32
      %mul3A_148 = arith.constant 80 : i32
      %mul3A_149 = arith.muli %add3A_147, %mul3A_148 : i32
      %add3A_150 = arith.addi %mul3A_18, %mul3A_149 : i32
      %run_scoped3A = arith.constant 0 : i32
      "tpu.region"() ({
        %run_scoped3A_151 = tpu.sem_alloc : memref<!tpu.dma_semaphore, #tpu.memory_space<semaphore_mem>>
        %dma_start3A_152 = arith.constant 0 : i32
        %dma_start3A_153 = arith.constant 0 : i32
        %dma_start3A_154 = tpu.memref_slice %arg11[%run_scoped3A, %dma_start3A_152, %dma_start3A_153] : memref<2x128x32xf32, #tpu.memory_space<vmem>> -> memref<1x80x32xf32, #tpu.memory_space<vmem>>
        %dma_start3A_155 = tpu.memref_squeeze %dma_start3A_154 : memref<1x80x32xf32, #tpu.memory_space<vmem>> -> memref<80x32xf32, #tpu.memory_space<vmem>>
        %dma_start3A_156 = arith.constant 0 : i32
        %dma_start3A_157 = tpu.memref_slice %arg13[%add3A_150, %dma_start3A_156] : memref<10240x32xf32, #tpu.memory_space<vmem_shared>> -> memref<80x32xf32, #tpu.memory_space<vmem_shared>>
        %dma_start3A_158 = arith.constant 0 : i32
        %dma_start3A_159 = tpu.memref_slice %arg13[%add3A_150, %dma_start3A_158] : memref<10240x32xf32, #tpu.memory_space<vmem_shared>> -> memref<80x32xf32, #tpu.memory_space<vmem_shared>>
        %dma_start3A_160 = arith.constant 0 : i32
        %dma_start3A_161 = arith.constant 0 : i32
        %dma_start3A_162 = tpu.memref_slice %arg11[%run_scoped3A, %dma_start3A_160, %dma_start3A_161] : memref<2x128x32xf32, #tpu.memory_space<vmem>> -> memref<1x80x32xf32, #tpu.memory_space<vmem>>
        %dma_start3A_163 = tpu.memref_squeeze %dma_start3A_162 : memref<1x80x32xf32, #tpu.memory_space<vmem>> -> memref<80x32xf32, #tpu.memory_space<vmem>>
        tpu.enqueue_dma source(%dma_start3A_163 : memref<80x32xf32, #tpu.memory_space<vmem>>) target(%dma_start3A_159 : memref<80x32xf32, #tpu.memory_space<vmem_shared>>) target_semaphore(%run_scoped3A_151 : memref<!tpu.dma_semaphore, #tpu.memory_space<semaphore_mem>>)
        %dma_wait3A_164 = arith.constant 0 : i32
        %dma_wait3A_165 = arith.constant 0 : i32
        %dma_wait3A_166 = tpu.memref_slice %arg11[%run_scoped3A, %dma_wait3A_164, %dma_wait3A_165] : memref<2x128x32xf32, #tpu.memory_space<vmem>> -> memref<1x80x32xf32, #tpu.memory_space<vmem>>
        %dma_wait3A_167 = tpu.memref_squeeze %dma_wait3A_166 : memref<1x80x32xf32, #tpu.memory_space<vmem>> -> memref<80x32xf32, #tpu.memory_space<vmem>>
        %dma_wait3A_168 = arith.constant 0 : i32
        %dma_wait3A_169 = tpu.memref_slice %arg13[%add3A_150, %dma_wait3A_168] : memref<10240x32xf32, #tpu.memory_space<vmem_shared>> -> memref<80x32xf32, #tpu.memory_space<vmem_shared>>
        %dma_wait3A_170 = arith.constant 0 : i32
        %dma_wait3A_171 = tpu.memref_slice %arg13[%add3A_150, %dma_wait3A_170] : memref<10240x32xf32, #tpu.memory_space<vmem_shared>> -> memref<80x32xf32, #tpu.memory_space<vmem_shared>>
        %dma_wait3A_172 = arith.constant 0 : i32
        %dma_wait3A_173 = arith.constant 0 : i32
        %dma_wait3A_174 = tpu.memref_slice %arg11[%run_scoped3A, %dma_wait3A_172, %dma_wait3A_173] : memref<2x128x32xf32, #tpu.memory_space<vmem>> -> memref<1x80x32xf32, #tpu.memory_space<vmem>>
        %dma_wait3A_175 = tpu.memref_squeeze %dma_wait3A_174 : memref<1x80x32xf32, #tpu.memory_space<vmem>> -> memref<80x32xf32, #tpu.memory_space<vmem>>
        tpu.wait_dma2 semaphore(%run_scoped3A_151 : memref<!tpu.dma_semaphore, #tpu.memory_space<semaphore_mem>>) src(%dma_wait3A_175 : memref<80x32xf32, #tpu.memory_space<vmem>>) dst(%dma_wait3A_171 : memref<80x32xf32, #tpu.memory_space<vmem_shared>>)
        tpu.yield
      }) : () -> ()
    }
    %scan3A_23 = arith.constant 8 : i32
    %barrier3A = arith.constant 0 : index
    tpu.barrier barrier_id(%barrier3A)
    %iota3A_24 = tpu.iota {dimensions = array<i32: 0>} : vector<16xi32>
    %ge3A_25 = arith.constant 8 : i32
    %ge3A_26 = vector.broadcast %ge3A_25 : i32 to vector<16xi32>
    %ge3A_27 = arith.cmpi sge, %iota3A_24, %ge3A_26 : vector<16xi32>
    %convert_element_type3A_28 = arith.extui %ge3A_27 : vector<16xi1> to vector<16xi32>
    %add3A_29 = arith.constant 0 : i32
    %add3A_30 = vector.broadcast %add3A_29 : i32 to vector<16xi32>
    %add3A_31 = arith.addi %add3A_30, %convert_element_type3A_28 : vector<16xi32>
    %dma_start3A = arith.constant 0 : i32
    %dma_start3A_32 = arith.constant 0 : i32
    %dma_start3A_33 = arith.constant 0 : i32
    %dma_start3A_34 = arith.constant 0 : i32
    %dma_start3A_35 = arith.constant 0 : i32
    %dma_start3A_36 = tpu.memref_slice %arg9[%dma_start3A_32, %dma_start3A_34, %dma_start3A_35] : memref<2x128x32xf32, #tpu.memory_space<vmem>> -> memref<1x128x32xf32, #tpu.memory_space<vmem>>
    %dma_start3A_37 = tpu.memref_squeeze %dma_start3A_36 : memref<1x128x32xf32, #tpu.memory_space<vmem>> -> memref<128x32xf32, #tpu.memory_space<vmem>>
    %dma_start3A_38 = arith.constant 0 : i32
    %dma_start3A_39 = tpu.memref_slice %arg7[%dma_start3A, %dma_start3A_38] : memref<79x128xi32, #tpu.memory_space<vmem>> -> memref<1x128xi32, #tpu.memory_space<vmem>>
    %dma_start3A_40 = tpu.memref_squeeze %dma_start3A_39 : memref<1x128xi32, #tpu.memory_space<vmem>> -> memref<128xi32, #tpu.memory_space<vmem>>
    %dma_start3A_41 = arith.constant 0 : i32
    %dma_start3A_42 = arith.constant 0 : i32
    %dma_start3A_43 = tpu.memref_slice %arg2[%dma_start3A_41, %dma_start3A_42] : memref<10000x32xf32, #tpu.memory_space<hbm>> -> memref<10000x32xf32, #tpu.memory_space<hbm>>
    %dma_start3A_44 = tpu.memref_slice %arg14[%dma_start3A_33] : memref<2x!tpu.dma_semaphore, #tpu.memory_space<semaphore_mem>> -> memref<1x!tpu.dma_semaphore, #tpu.memory_space<semaphore_mem>>
    %dma_start3A_45 = tpu.memref_squeeze %dma_start3A_44 : memref<1x!tpu.dma_semaphore, #tpu.memory_space<semaphore_mem>> -> memref<!tpu.dma_semaphore, #tpu.memory_space<semaphore_mem>>
    tpu.enqueue_indirect_dma source(%dma_start3A_43 : memref<10000x32xf32, #tpu.memory_space<hbm>>) target(%dma_start3A_37 : memref<128x32xf32, #tpu.memory_space<vmem>>) offsets(%dma_start3A_40 : memref<128xi32, #tpu.memory_space<vmem>>) semaphore(%dma_start3A_45 : memref<!tpu.dma_semaphore, #tpu.memory_space<semaphore_mem>>)
    %dma_start3A_46 = arith.constant 0 : i32
    %dma_start3A_47 = arith.constant 0 : i32
    %dma_start3A_48 = arith.constant 0 : i32
    %dma_start3A_49 = arith.constant 0 : i32
    %dma_start3A_50 = arith.constant 0 : i32
    %dma_start3A_51 = tpu.memref_slice %arg10[%dma_start3A_47, %dma_start3A_49, %dma_start3A_50] : memref<2x128x16xf32, #tpu.memory_space<vmem>> -> memref<1x128x16xf32, #tpu.memory_space<vmem>>
    %dma_start3A_52 = tpu.memref_squeeze %dma_start3A_51 : memref<1x128x16xf32, #tpu.memory_space<vmem>> -> memref<128x16xf32, #tpu.memory_space<vmem>>
    %dma_start3A_53 = arith.constant 0 : i32
    %dma_start3A_54 = tpu.memref_slice %arg8[%dma_start3A_46, %dma_start3A_53] : memref<79x128xi32, #tpu.memory_space<vmem>> -> memref<1x128xi32, #tpu.memory_space<vmem>>
    %dma_start3A_55 = tpu.memref_squeeze %dma_start3A_54 : memref<1x128xi32, #tpu.memory_space<vmem>> -> memref<128xi32, #tpu.memory_space<vmem>>
    %dma_start3A_56 = arith.constant 0 : i32
    %dma_start3A_57 = arith.constant 0 : i32
    %dma_start3A_58 = tpu.memref_slice %arg3[%dma_start3A_56, %dma_start3A_57] : memref<10000x16xf32, #tpu.memory_space<hbm>> -> memref<10000x16xf32, #tpu.memory_space<hbm>>
    %dma_start3A_59 = tpu.memref_slice %arg14[%dma_start3A_48] : memref<2x!tpu.dma_semaphore, #tpu.memory_space<semaphore_mem>> -> memref<1x!tpu.dma_semaphore, #tpu.memory_space<semaphore_mem>>
    %dma_start3A_60 = tpu.memref_squeeze %dma_start3A_59 : memref<1x!tpu.dma_semaphore, #tpu.memory_space<semaphore_mem>> -> memref<!tpu.dma_semaphore, #tpu.memory_space<semaphore_mem>>
    tpu.enqueue_indirect_dma source(%dma_start3A_58 : memref<10000x16xf32, #tpu.memory_space<hbm>>) target(%dma_start3A_52 : memref<128x16xf32, #tpu.memory_space<vmem>>) offsets(%dma_start3A_55 : memref<128xi32, #tpu.memory_space<vmem>>) semaphore(%dma_start3A_60 : memref<!tpu.dma_semaphore, #tpu.memory_space<semaphore_mem>>)
    %dma_start3A_61 = arith.constant 1 : i32
    %dma_start3A_62 = arith.constant 1 : i32
    %dma_start3A_63 = arith.constant 1 : i32
    %dma_start3A_64 = arith.constant 0 : i32
    %dma_start3A_65 = arith.constant 0 : i32
    %dma_start3A_66 = tpu.memref_slice %arg9[%dma_start3A_62, %dma_start3A_64, %dma_start3A_65] : memref<2x128x32xf32, #tpu.memory_space<vmem>> -> memref<1x128x32xf32, #tpu.memory_space<vmem>>
    %dma_start3A_67 = tpu.memref_squeeze %dma_start3A_66 : memref<1x128x32xf32, #tpu.memory_space<vmem>> -> memref<128x32xf32, #tpu.memory_space<vmem>>
    %dma_start3A_68 = arith.constant 0 : i32
    %dma_start3A_69 = tpu.memref_slice %arg7[%dma_start3A_61, %dma_start3A_68] : memref<79x128xi32, #tpu.memory_space<vmem>> -> memref<1x128xi32, #tpu.memory_space<vmem>>
    %dma_start3A_70 = tpu.memref_squeeze %dma_start3A_69 : memref<1x128xi32, #tpu.memory_space<vmem>> -> memref<128xi32, #tpu.memory_space<vmem>>
    %dma_start3A_71 = arith.constant 0 : i32
    %dma_start3A_72 = arith.constant 0 : i32
    %dma_start3A_73 = tpu.memref_slice %arg2[%dma_start3A_71, %dma_start3A_72] : memref<10000x32xf32, #tpu.memory_space<hbm>> -> memref<10000x32xf32, #tpu.memory_space<hbm>>
    %dma_start3A_74 = tpu.memref_slice %arg14[%dma_start3A_63] : memref<2x!tpu.dma_semaphore, #tpu.memory_space<semaphore_mem>> -> memref<1x!tpu.dma_semaphore, #tpu.memory_space<semaphore_mem>>
    %dma_start3A_75 = tpu.memref_squeeze %dma_start3A_74 : memref<1x!tpu.dma_semaphore, #tpu.memory_space<semaphore_mem>> -> memref<!tpu.dma_semaphore, #tpu.memory_space<semaphore_mem>>
    tpu.enqueue_indirect_dma source(%dma_start3A_73 : memref<10000x32xf32, #tpu.memory_space<hbm>>) target(%dma_start3A_67 : memref<128x32xf32, #tpu.memory_space<vmem>>) offsets(%dma_start3A_70 : memref<128xi32, #tpu.memory_space<vmem>>) semaphore(%dma_start3A_75 : memref<!tpu.dma_semaphore, #tpu.memory_space<semaphore_mem>>)
    %dma_start3A_76 = arith.constant 1 : i32
    %dma_start3A_77 = arith.constant 1 : i32
    %dma_start3A_78 = arith.constant 1 : i32
    %dma_start3A_79 = arith.constant 0 : i32
    %dma_start3A_80 = arith.constant 0 : i32
    %dma_start3A_81 = tpu.memref_slice %arg10[%dma_start3A_77, %dma_start3A_79, %dma_start3A_80] : memref<2x128x16xf32, #tpu.memory_space<vmem>> -> memref<1x128x16xf32, #tpu.memory_space<vmem>>
    %dma_start3A_82 = tpu.memref_squeeze %dma_start3A_81 : memref<1x128x16xf32, #tpu.memory_space<vmem>> -> memref<128x16xf32, #tpu.memory_space<vmem>>
    %dma_start3A_83 = arith.constant 0 : i32
    %dma_start3A_84 = tpu.memref_slice %arg8[%dma_start3A_76, %dma_start3A_83] : memref<79x128xi32, #tpu.memory_space<vmem>> -> memref<1x128xi32, #tpu.memory_space<vmem>>
    %dma_start3A_85 = tpu.memref_squeeze %dma_start3A_84 : memref<1x128xi32, #tpu.memory_space<vmem>> -> memref<128xi32, #tpu.memory_space<vmem>>
    %dma_start3A_86 = arith.constant 0 : i32
    %dma_start3A_87 = arith.constant 0 : i32
    %dma_start3A_88 = tpu.memref_slice %arg3[%dma_start3A_86, %dma_start3A_87] : memref<10000x16xf32, #tpu.memory_space<hbm>> -> memref<10000x16xf32, #tpu.memory_space<hbm>>
    %dma_start3A_89 = tpu.memref_slice %arg14[%dma_start3A_78] : memref<2x!tpu.dma_semaphore, #tpu.memory_space<semaphore_mem>> -> memref<1x!tpu.dma_semaphore, #tpu.memory_space<semaphore_mem>>
    %dma_start3A_90 = tpu.memref_squeeze %dma_start3A_89 : memref<1x!tpu.dma_semaphore, #tpu.memory_space<semaphore_mem>> -> memref<!tpu.dma_semaphore, #tpu.memory_space<semaphore_mem>>
    tpu.enqueue_indirect_dma source(%dma_start3A_88 : memref<10000x16xf32, #tpu.memory_space<hbm>>) target(%dma_start3A_82 : memref<128x16xf32, #tpu.memory_space<vmem>>) offsets(%dma_start3A_85 : memref<128xi32, #tpu.memory_space<vmem>>) semaphore(%dma_start3A_90 : memref<!tpu.dma_semaphore, #tpu.memory_space<semaphore_mem>>)
    %sub3A_91 = arith.constant 0 : i32
    %sub3A_92 = arith.subi %add3A_3, %sub3A_91 : i32
    %sub3A_93 = arith.constant 2 : i32
    %sub3A_94 = arith.constant 1 : i32
    %sub3A_95 = arith.subi %sub3A_93, %sub3A_94 : i32
    %add3A_96 = arith.addi %sub3A_92, %sub3A_95 : i32
    %div3A = arith.constant 2 : i32
    %div3A_97 = arith.divsi %add3A_96, %div3A : i32
    %while3A = arith.constant 2 : i32
    %while3A_98 = arith.constant 0 : i32
    %while3A_99 = arith.constant 0 : i32
    %while3A_100 = arith.subi %div3A_97, %while3A_99 : i32
    %while3A_101 = arith.addi %while3A_99, %while3A_100 : i32
    %while3A_102 = arith.constant 1 : i32
    %while3A_103 = arith.divsi %while3A_100, %while3A_102 : i32
    %while3A_104 = arith.muli %while3A_103, %while3A_102 : i32
    %while3A_105 = arith.addi %while3A_99, %while3A_104 : i32
    %while3A_106 = arith.constant 1 : i32
    scf.for %while3A_143 = %while3A_99 to %while3A_105 step %while3A_106  : i32 {
      %mul3A_144 = arith.muli %while3A_143, %while3A : i32
      %add3A_145 = arith.addi %while3A_98, %mul3A_144 : i32
      %add3A_146 = arith.constant 0 : i32
      %add3A_147 = arith.addi %add3A_145, %add3A_146 : i32
      %dma_wait3A_148 = arith.constant 0 : i32
      %dma_wait3A_149 = arith.constant 0 : i32
      %dma_wait3A_150 = arith.constant 0 : i32
      %dma_wait3A_151 = arith.constant 0 : i32
      %dma_wait3A_152 = tpu.memref_slice %arg9[%dma_wait3A_148, %dma_wait3A_150, %dma_wait3A_151] : memref<2x128x32xf32, #tpu.memory_space<vmem>> -> memref<1x128x32xf32, #tpu.memory_space<vmem>>
      %dma_wait3A_153 = tpu.memref_squeeze %dma_wait3A_152 : memref<1x128x32xf32, #tpu.memory_space<vmem>> -> memref<128x32xf32, #tpu.memory_space<vmem>>
      %dma_wait3A_154 = arith.constant 0 : i32
      %dma_wait3A_155 = tpu.memref_slice %arg7[%add3A_147, %dma_wait3A_154] : memref<79x128xi32, #tpu.memory_space<vmem>> -> memref<1x128xi32, #tpu.memory_space<vmem>>
      %dma_wait3A_156 = tpu.memref_squeeze %dma_wait3A_155 : memref<1x128xi32, #tpu.memory_space<vmem>> -> memref<128xi32, #tpu.memory_space<vmem>>
      %dma_wait3A_157 = arith.constant 0 : i32
      %dma_wait3A_158 = arith.constant 0 : i32
      %dma_wait3A_159 = tpu.memref_slice %arg2[%dma_wait3A_157, %dma_wait3A_158] : memref<10000x32xf32, #tpu.memory_space<hbm>> -> memref<10000x32xf32, #tpu.memory_space<hbm>>
      %dma_wait3A_160 = tpu.memref_slice %arg14[%dma_wait3A_149] : memref<2x!tpu.dma_semaphore, #tpu.memory_space<semaphore_mem>> -> memref<1x!tpu.dma_semaphore, #tpu.memory_space<semaphore_mem>>
      %dma_wait3A_161 = tpu.memref_squeeze %dma_wait3A_160 : memref<1x!tpu.dma_semaphore, #tpu.memory_space<semaphore_mem>> -> memref<!tpu.dma_semaphore, #tpu.memory_space<semaphore_mem>>
      tpu.wait_indirect_dma semaphore(%dma_wait3A_161 : memref<!tpu.dma_semaphore, #tpu.memory_space<semaphore_mem>>) src(%dma_wait3A_159 : memref<10000x32xf32, #tpu.memory_space<hbm>>) dst(%dma_wait3A_153 : memref<128x32xf32, #tpu.memory_space<vmem>>)
      %dma_wait3A_162 = arith.constant 0 : i32
      %dma_wait3A_163 = arith.constant 0 : i32
      %dma_wait3A_164 = arith.constant 0 : i32
      %dma_wait3A_165 = arith.constant 0 : i32
      %dma_wait3A_166 = tpu.memref_slice %arg10[%dma_wait3A_162, %dma_wait3A_164, %dma_wait3A_165] : memref<2x128x16xf32, #tpu.memory_space<vmem>> -> memref<1x128x16xf32, #tpu.memory_space<vmem>>
      %dma_wait3A_167 = tpu.memref_squeeze %dma_wait3A_166 : memref<1x128x16xf32, #tpu.memory_space<vmem>> -> memref<128x16xf32, #tpu.memory_space<vmem>>
      %dma_wait3A_168 = arith.constant 0 : i32
      %dma_wait3A_169 = tpu.memref_slice %arg8[%add3A_147, %dma_wait3A_168] : memref<79x128xi32, #tpu.memory_space<vmem>> -> memref<1x128xi32, #tpu.memory_space<vmem>>
      %dma_wait3A_170 = tpu.memref_squeeze %dma_wait3A_169 : memref<1x128xi32, #tpu.memory_space<vmem>> -> memref<128xi32, #tpu.memory_space<vmem>>
      %dma_wait3A_171 = arith.constant 0 : i32
      %dma_wait3A_172 = arith.constant 0 : i32
      %dma_wait3A_173 = tpu.memref_slice %arg3[%dma_wait3A_171, %dma_wait3A_172] : memref<10000x16xf32, #tpu.memory_space<hbm>> -> memref<10000x16xf32, #tpu.memory_space<hbm>>
      %dma_wait3A_174 = tpu.memref_slice %arg14[%dma_wait3A_163] : memref<2x!tpu.dma_semaphore, #tpu.memory_space<semaphore_mem>> -> memref<1x!tpu.dma_semaphore, #tpu.memory_space<semaphore_mem>>
      %dma_wait3A_175 = tpu.memref_squeeze %dma_wait3A_174 : memref<1x!tpu.dma_semaphore, #tpu.memory_space<semaphore_mem>> -> memref<!tpu.dma_semaphore, #tpu.memory_space<semaphore_mem>>
      tpu.wait_indirect_dma semaphore(%dma_wait3A_175 : memref<!tpu.dma_semaphore, #tpu.memory_space<semaphore_mem>>) src(%dma_wait3A_173 : memref<10000x16xf32, #tpu.memory_space<hbm>>) dst(%dma_wait3A_167 : memref<128x16xf32, #tpu.memory_space<vmem>>)
      %ge3A_176 = arith.constant 2 : i32
      %ge3A_177 = arith.cmpi sge, %add3A_147, %ge3A_176 : i32
      %convert_element_type3A_178 = arith.extui %ge3A_177 : i1 to i32
      %cond3A = arith.constant 0 : i32
      %cond3A_179 = arith.cmpi ne, %convert_element_type3A_178, %cond3A : i32
      scf.if %cond3A_179 {
        %sub3A_207 = arith.constant 2 : i32
        %sub3A_208 = arith.subi %add3A_147, %sub3A_207 : i32
        %dma_wait3A_209 = arith.constant 0 : i32
        %dma_wait3A_210 = arith.constant 0 : i32
        %dma_wait3A_211 = arith.constant 0 : i32
        %dma_wait3A_212 = arith.constant 0 : i32
        %dma_wait3A_213 = tpu.memref_slice %arg11[%dma_wait3A_209, %dma_wait3A_211, %dma_wait3A_212] : memref<2x128x32xf32, #tpu.memory_space<vmem>> -> memref<1x128x32xf32, #tpu.memory_space<vmem>>
        %dma_wait3A_214 = tpu.memref_squeeze %dma_wait3A_213 : memref<1x128x32xf32, #tpu.memory_space<vmem>> -> memref<128x32xf32, #tpu.memory_space<vmem>>
        %dma_wait3A_215 = arith.constant 0 : i32
        %dma_wait3A_216 = tpu.memref_slice %arg8[%sub3A_208, %dma_wait3A_215] : memref<79x128xi32, #tpu.memory_space<vmem>> -> memref<1x128xi32, #tpu.memory_space<vmem>>
        %dma_wait3A_217 = tpu.memref_squeeze %dma_wait3A_216 : memref<1x128xi32, #tpu.memory_space<vmem>> -> memref<128xi32, #tpu.memory_space<vmem>>
        %dma_wait3A_218 = arith.constant 0 : i32
        %dma_wait3A_219 = arith.constant 0 : i32
        %dma_wait3A_220 = tpu.memref_slice %arg13[%dma_wait3A_218, %dma_wait3A_219] : memref<10240x32xf32, #tpu.memory_space<vmem_shared>> -> memref<10240x32xf32, #tpu.memory_space<vmem_shared>>
        %dma_wait3A_221 = tpu.memref_slice %arg15[%dma_wait3A_210] : memref<2x!tpu.dma_semaphore, #tpu.memory_space<semaphore_mem>> -> memref<1x!tpu.dma_semaphore, #tpu.memory_space<semaphore_mem>>
        %dma_wait3A_222 = tpu.memref_squeeze %dma_wait3A_221 : memref<1x!tpu.dma_semaphore, #tpu.memory_space<semaphore_mem>> -> memref<!tpu.dma_semaphore, #tpu.memory_space<semaphore_mem>>
        tpu.wait_indirect_dma semaphore(%dma_wait3A_222 : memref<!tpu.dma_semaphore, #tpu.memory_space<semaphore_mem>>) src(%dma_wait3A_214 : memref<128x32xf32, #tpu.memory_space<vmem>>) dst(%dma_wait3A_220 : memref<10240x32xf32, #tpu.memory_space<vmem_shared>>)
      } else {
      }
      %parallel_loop3A = arith.constant 0 : i32
      %parallel_loop3A_180 = arith.constant 128 : i32
      %parallel_loop3A_181 = arith.constant 1 : i32
      scf.for %parallel_loop3A_207 = %parallel_loop3A to %parallel_loop3A_180 step %parallel_loop3A_181  : i32 {
        %parallel_loop3A_208 = arith.constant 0 : i32
        %parallel_loop3A_209 = arith.index_cast %parallel_loop3A_208 : i32 to index
        %parallel_loop3A_210 = arith.index_cast %parallel_loop3A_207 : i32 to index
        %parallel_loop3A_211 = arith.constant 16 : index
        %parallel_loop3A_212 = tpu.vector_load %arg9[%parallel_loop3A_209, %parallel_loop3A_210, %parallel_loop3A_211] {strides = array<i32>} : memref<2x128x32xf32, #tpu.memory_space<vmem>>, vector<16xf32>,
        %parallel_loop3A_213 = arith.constant 0 : i32
        %parallel_loop3A_214 = arith.index_cast %parallel_loop3A_213 : i32 to index
        %parallel_loop3A_215 = arith.index_cast %parallel_loop3A_207 : i32 to index
        %parallel_loop3A_216 = arith.constant 0 : index
        %parallel_loop3A_217 = tpu.vector_load %arg10[%parallel_loop3A_214, %parallel_loop3A_215, %parallel_loop3A_216] {strides = array<i32>} : memref<2x128x16xf32, #tpu.memory_space<vmem>>, vector<16xf32>,
        %parallel_loop3A_218 = arith.addf %parallel_loop3A_212, %parallel_loop3A_217 : vector<16xf32>
        %parallel_loop3A_219 = arith.constant 2.000000e-01 : f32
        %parallel_loop3A_220 = vector.broadcast %parallel_loop3A_219 : f32 to vector<16xf32>
        %parallel_loop3A_221 = arith.mulf %parallel_loop3A_220, %parallel_loop3A_218 : vector<16xf32>
        %parallel_loop3A_222 = arith.maximumf %parallel_loop3A_218, %parallel_loop3A_221 : vector<16xf32>
        %parallel_loop3A_223 = math.exp %parallel_loop3A_222 : vector<16xf32>
        %parallel_loop3A_224 = arith.constant 0 : i32
        %parallel_loop3A_225 = arith.index_cast %parallel_loop3A_224 : i32 to index
        %parallel_loop3A_226 = arith.index_cast %parallel_loop3A_207 : i32 to index
        %parallel_loop3A_227 = arith.constant 16 : index
        %parallel_loop3A_228 = tpu.vector_load %arg11[%parallel_loop3A_225, %parallel_loop3A_226, %parallel_loop3A_227] {strides = array<i32>} : memref<2x128x32xf32, #tpu.memory_space<vmem>>, vector<16xf32>,
        tpu.vector_store %arg11[%parallel_loop3A_225, %parallel_loop3A_226, %parallel_loop3A_227], %parallel_loop3A_223 {strides = array<i32>} : memref<2x128x32xf32, #tpu.memory_space<vmem>>, vector<16xf32>,
        %parallel_loop3A_229 = arith.constant 0 : i32
        %parallel_loop3A_230 = arith.index_cast %parallel_loop3A_229 : i32 to index
        %parallel_loop3A_231 = arith.index_cast %parallel_loop3A_207 : i32 to index
        %parallel_loop3A_232 = arith.constant 0 : index
        %parallel_loop3A_233 = tpu.vector_load %arg9[%parallel_loop3A_230, %parallel_loop3A_231, %parallel_loop3A_232] {strides = array<i32>} : memref<2x128x32xf32, #tpu.memory_space<vmem>>, vector<16xf32>,
        %parallel_loop3A_234 = arith.mulf %parallel_loop3A_233, %parallel_loop3A_223 : vector<16xf32>
        %parallel_loop3A_235 = arith.constant 0 : i32
        %parallel_loop3A_236 = arith.index_cast %parallel_loop3A_235 : i32 to index
        %parallel_loop3A_237 = arith.index_cast %parallel_loop3A_207 : i32 to index
        %parallel_loop3A_238 = arith.constant 0 : index
        %parallel_loop3A_239 = tpu.vector_load %arg11[%parallel_loop3A_236, %parallel_loop3A_237, %parallel_loop3A_238] {strides = array<i32>} : memref<2x128x32xf32, #tpu.memory_space<vmem>>, vector<16xf32>,
        tpu.vector_store %arg11[%parallel_loop3A_236, %parallel_loop3A_237, %parallel_loop3A_238], %parallel_loop3A_234 {strides = array<i32>} : memref<2x128x32xf32, #tpu.memory_space<vmem>>, vector<16xf32>,
      } {sc.loop_unroll_factor = 1 : i64, sc.parallel_access}
      %dma_start3A_182 = arith.constant 0 : i32
      %dma_start3A_183 = arith.constant 0 : i32
      %dma_start3A_184 = arith.constant 0 : i32
      %dma_start3A_185 = arith.constant 0 : i32
      %dma_start3A_186 = tpu.memref_slice %arg11[%dma_start3A_182, %dma_start3A_184, %dma_start3A_185] : memref<2x128x32xf32, #tpu.memory_space<vmem>> -> memref<1x128x32xf32, #tpu.memory_space<vmem>>
      %dma_start3A_187 = tpu.memref_squeeze %dma_start3A_186 : memref<1x128x32xf32, #tpu.memory_space<vmem>> -> memref<128x32xf32, #tpu.memory_space<vmem>>
      %dma_start3A_188 = arith.constant 0 : i32
      %dma_start3A_189 = tpu.memref_slice %arg8[%add3A_147, %dma_start3A_188] : memref<79x128xi32, #tpu.memory_space<vmem>> -> memref<1x128xi32, #tpu.memory_space<vmem>>
      %dma_start3A_190 = tpu.memref_squeeze %dma_start3A_189 : memref<1x128xi32, #tpu.memory_space<vmem>> -> memref<128xi32, #tpu.memory_space<vmem>>
      %dma_start3A_191 = arith.constant 0 : i32
      %dma_start3A_192 = arith.constant 0 : i32
      %dma_start3A_193 = tpu.memref_slice %arg13[%dma_start3A_191, %dma_start3A_192] : memref<10240x32xf32, #tpu.memory_space<vmem_shared>> -> memref<10240x32xf32, #tpu.memory_space<vmem_shared>>
      %dma_start3A_194 = tpu.memref_slice %arg15[%dma_start3A_183] : memref<2x!tpu.dma_semaphore, #tpu.memory_space<semaphore_mem>> -> memref<1x!tpu.dma_semaphore, #tpu.memory_space<semaphore_mem>>
      %dma_start3A_195 = tpu.memref_squeeze %dma_start3A_194 : memref<1x!tpu.dma_semaphore, #tpu.memory_space<semaphore_mem>> -> memref<!tpu.dma_semaphore, #tpu.memory_space<semaphore_mem>>
      tpu.enqueue_indirect_dma source(%dma_start3A_187 : memref<128x32xf32, #tpu.memory_space<vmem>>) target(%dma_start3A_193 : memref<10240x32xf32, #tpu.memory_space<vmem_shared>>) offsets(%dma_start3A_190 : memref<128xi32, #tpu.memory_space<vmem>>) semaphore(%dma_start3A_195 : memref<!tpu.dma_semaphore, #tpu.memory_space<semaphore_mem>>) {add = true}
      %add3A_196 = arith.constant 2 : i32
      %add3A_197 = arith.addi %add3A_147, %add3A_196 : i32
      %lt3A = arith.cmpi slt, %add3A_197, %add3A_3 : i32
      %convert_element_type3A_198 = arith.extui %lt3A : i1 to i32
      %cond3A_199 = arith.constant 0 : i32
      %cond3A_200 = arith.cmpi ne, %convert_element_type3A_198, %cond3A_199 : i32
      scf.if %cond3A_200 {
        %add3A_207 = arith.constant 2 : i32
        %add3A_208 = arith.addi %add3A_147, %add3A_207 : i32
        %dma_start3A_209 = arith.constant 0 : i32
        %dma_start3A_210 = arith.constant 0 : i32
        %dma_start3A_211 = arith.constant 0 : i32
        %dma_start3A_212 = arith.constant 0 : i32
        %dma_start3A_213 = tpu.memref_slice %arg9[%dma_start3A_209, %dma_start3A_211, %dma_start3A_212] : memref<2x128x32xf32, #tpu.memory_space<vmem>> -> memref<1x128x32xf32, #tpu.memory_space<vmem>>
        %dma_start3A_214 = tpu.memref_squeeze %dma_start3A_213 : memref<1x128x32xf32, #tpu.memory_space<vmem>> -> memref<128x32xf32, #tpu.memory_space<vmem>>
        %dma_start3A_215 = arith.constant 0 : i32
        %dma_start3A_216 = tpu.memref_slice %arg7[%add3A_208, %dma_start3A_215] : memref<79x128xi32, #tpu.memory_space<vmem>> -> memref<1x128xi32, #tpu.memory_space<vmem>>
        %dma_start3A_217 = tpu.memref_squeeze %dma_start3A_216 : memref<1x128xi32, #tpu.memory_space<vmem>> -> memref<128xi32, #tpu.memory_space<vmem>>
        %dma_start3A_218 = arith.constant 0 : i32
        %dma_start3A_219 = arith.constant 0 : i32
        %dma_start3A_220 = tpu.memref_slice %arg2[%dma_start3A_218, %dma_start3A_219] : memref<10000x32xf32, #tpu.memory_space<hbm>> -> memref<10000x32xf32, #tpu.memory_space<hbm>>
        %dma_start3A_221 = tpu.memref_slice %arg14[%dma_start3A_210] : memref<2x!tpu.dma_semaphore, #tpu.memory_space<semaphore_mem>> -> memref<1x!tpu.dma_semaphore, #tpu.memory_space<semaphore_mem>>
        %dma_start3A_222 = tpu.memref_squeeze %dma_start3A_221 : memref<1x!tpu.dma_semaphore, #tpu.memory_space<semaphore_mem>> -> memref<!tpu.dma_semaphore, #tpu.memory_space<semaphore_mem>>
        tpu.enqueue_indirect_dma source(%dma_start3A_220 : memref<10000x32xf32, #tpu.memory_space<hbm>>) target(%dma_start3A_214 : memref<128x32xf32, #tpu.memory_space<vmem>>) offsets(%dma_start3A_217 : memref<128xi32, #tpu.memory_space<vmem>>) semaphore(%dma_start3A_222 : memref<!tpu.dma_semaphore, #tpu.memory_space<semaphore_mem>>)
        %dma_start3A_223 = arith.constant 0 : i32
        %dma_start3A_224 = arith.constant 0 : i32
        %dma_start3A_225 = arith.constant 0 : i32
        %dma_start3A_226 = arith.constant 0 : i32
        %dma_start3A_227 = tpu.memref_slice %arg10[%dma_start3A_223, %dma_start3A_225, %dma_start3A_226] : memref<2x128x16xf32, #tpu.memory_space<vmem>> -> memref<1x128x16xf32, #tpu.memory_space<vmem>>
        %dma_start3A_228 = tpu.memref_squeeze %dma_start3A_227 : memref<1x128x16xf32, #tpu.memory_space<vmem>> -> memref<128x16xf32, #tpu.memory_space<vmem>>
        %dma_start3A_229 = arith.constant 0 : i32
        %dma_start3A_230 = tpu.memref_slice %arg8[%add3A_208, %dma_start3A_229] : memref<79x128xi32, #tpu.memory_space<vmem>> -> memref<1x128xi32, #tpu.memory_space<vmem>>
        %dma_start3A_231 = tpu.memref_squeeze %dma_start3A_230 : memref<1x128xi32, #tpu.memory_space<vmem>> -> memref<128xi32, #tpu.memory_space<vmem>>
        %dma_start3A_232 = arith.constant 0 : i32
        %dma_start3A_233 = arith.constant 0 : i32
        %dma_start3A_234 = tpu.memref_slice %arg3[%dma_start3A_232, %dma_start3A_233] : memref<10000x16xf32, #tpu.memory_space<hbm>> -> memref<10000x16xf32, #tpu.memory_space<hbm>>
        %dma_start3A_235 = tpu.memref_slice %arg14[%dma_start3A_224] : memref<2x!tpu.dma_semaphore, #tpu.memory_space<semaphore_mem>> -> memref<1x!tpu.dma_semaphore, #tpu.memory_space<semaphore_mem>>
        %dma_start3A_236 = tpu.memref_squeeze %dma_start3A_235 : memref<1x!tpu.dma_semaphore, #tpu.memory_space<semaphore_mem>> -> memref<!tpu.dma_semaphore, #tpu.memory_space<semaphore_mem>>
        tpu.enqueue_indirect_dma source(%dma_start3A_234 : memref<10000x16xf32, #tpu.memory_space<hbm>>) target(%dma_start3A_228 : memref<128x16xf32, #tpu.memory_space<vmem>>) offsets(%dma_start3A_231 : memref<128xi32, #tpu.memory_space<vmem>>) semaphore(%dma_start3A_236 : memref<!tpu.dma_semaphore, #tpu.memory_space<semaphore_mem>>)
      } else {
      }
      %add3A_201 = arith.constant 1 : i32
      %add3A_202 = arith.addi %add3A_145, %add3A_201 : i32
      %lt3A_203 = arith.cmpi slt, %add3A_202, %add3A_3 : i32
      %convert_element_type3A_204 = arith.extui %lt3A_203 : i1 to i32
      %cond3A_205 = arith.constant 0 : i32
      %cond3A_206 = arith.cmpi ne, %convert_element_type3A_204, %cond3A_205 : i32
      scf.if %cond3A_206 {
        %dma_wait3A_207 = arith.constant 1 : i32
        %dma_wait3A_208 = arith.constant 1 : i32
        %dma_wait3A_209 = arith.constant 0 : i32
        %dma_wait3A_210 = arith.constant 0 : i32
        %dma_wait3A_211 = tpu.memref_slice %arg9[%dma_wait3A_207, %dma_wait3A_209, %dma_wait3A_210] : memref<2x128x32xf32, #tpu.memory_space<vmem>> -> memref<1x128x32xf32, #tpu.memory_space<vmem>>
        %dma_wait3A_212 = tpu.memref_squeeze %dma_wait3A_211 : memref<1x128x32xf32, #tpu.memory_space<vmem>> -> memref<128x32xf32, #tpu.memory_space<vmem>>
        %dma_wait3A_213 = arith.constant 0 : i32
        %dma_wait3A_214 = tpu.memref_slice %arg7[%add3A_202, %dma_wait3A_213] : memref<79x128xi32, #tpu.memory_space<vmem>> -> memref<1x128xi32, #tpu.memory_space<vmem>>
        %dma_wait3A_215 = tpu.memref_squeeze %dma_wait3A_214 : memref<1x128xi32, #tpu.memory_space<vmem>> -> memref<128xi32, #tpu.memory_space<vmem>>
        %dma_wait3A_216 = arith.constant 0 : i32
        %dma_wait3A_217 = arith.constant 0 : i32
        %dma_wait3A_218 = tpu.memref_slice %arg2[%dma_wait3A_216, %dma_wait3A_217] : memref<10000x32xf32, #tpu.memory_space<hbm>> -> memref<10000x32xf32, #tpu.memory_space<hbm>>
        %dma_wait3A_219 = tpu.memref_slice %arg14[%dma_wait3A_208] : memref<2x!tpu.dma_semaphore, #tpu.memory_space<semaphore_mem>> -> memref<1x!tpu.dma_semaphore, #tpu.memory_space<semaphore_mem>>
        %dma_wait3A_220 = tpu.memref_squeeze %dma_wait3A_219 : memref<1x!tpu.dma_semaphore, #tpu.memory_space<semaphore_mem>> -> memref<!tpu.dma_semaphore, #tpu.memory_space<semaphore_mem>>
        tpu.wait_indirect_dma semaphore(%dma_wait3A_220 : memref<!tpu.dma_semaphore, #tpu.memory_space<semaphore_mem>>) src(%dma_wait3A_218 : memref<10000x32xf32, #tpu.memory_space<hbm>>) dst(%dma_wait3A_212 : memref<128x32xf32, #tpu.memory_space<vmem>>)
        %dma_wait3A_221 = arith.constant 1 : i32
        %dma_wait3A_222 = arith.constant 1 : i32
        %dma_wait3A_223 = arith.constant 0 : i32
        %dma_wait3A_224 = arith.constant 0 : i32
        %dma_wait3A_225 = tpu.memref_slice %arg10[%dma_wait3A_221, %dma_wait3A_223, %dma_wait3A_224] : memref<2x128x16xf32, #tpu.memory_space<vmem>> -> memref<1x128x16xf32, #tpu.memory_space<vmem>>
        %dma_wait3A_226 = tpu.memref_squeeze %dma_wait3A_225 : memref<1x128x16xf32, #tpu.memory_space<vmem>> -> memref<128x16xf32, #tpu.memory_space<vmem>>
        %dma_wait3A_227 = arith.constant 0 : i32
        %dma_wait3A_228 = tpu.memref_slice %arg8[%add3A_202, %dma_wait3A_227] : memref<79x128xi32, #tpu.memory_space<vmem>> -> memref<1x128xi32, #tpu.memory_space<vmem>>
        %dma_wait3A_229 = tpu.memref_squeeze %dma_wait3A_228 : memref<1x128xi32, #tpu.memory_space<vmem>> -> memref<128xi32, #tpu.memory_space<vmem>>
        %dma_wait3A_230 = arith.constant 0 : i32
        %dma_wait3A_231 = arith.constant 0 : i32
        %dma_wait3A_232 = tpu.memref_slice %arg3[%dma_wait3A_230, %dma_wait3A_231] : memref<10000x16xf32, #tpu.memory_space<hbm>> -> memref<10000x16xf32, #tpu.memory_space<hbm>>
        %dma_wait3A_233 = tpu.memref_slice %arg14[%dma_wait3A_222] : memref<2x!tpu.dma_semaphore, #tpu.memory_space<semaphore_mem>> -> memref<1x!tpu.dma_semaphore, #tpu.memory_space<semaphore_mem>>
        %dma_wait3A_234 = tpu.memref_squeeze %dma_wait3A_233 : memref<1x!tpu.dma_semaphore, #tpu.memory_space<semaphore_mem>> -> memref<!tpu.dma_semaphore, #tpu.memory_space<semaphore_mem>>
        tpu.wait_indirect_dma semaphore(%dma_wait3A_234 : memref<!tpu.dma_semaphore, #tpu.memory_space<semaphore_mem>>) src(%dma_wait3A_232 : memref<10000x16xf32, #tpu.memory_space<hbm>>) dst(%dma_wait3A_226 : memref<128x16xf32, #tpu.memory_space<vmem>>)
        %ge3A_235 = arith.constant 2 : i32
        %ge3A_236 = arith.cmpi sge, %add3A_202, %ge3A_235 : i32
        %convert_element_type3A_237 = arith.extui %ge3A_236 : i1 to i32
        %cond3A_238 = arith.constant 0 : i32
        %cond3A_239 = arith.cmpi ne, %convert_element_type3A_237, %cond3A_238 : i32
        scf.if %cond3A_239 {
          %sub3A_263 = arith.constant 2 : i32
          %sub3A_264 = arith.subi %add3A_202, %sub3A_263 : i32
          %dma_wait3A_265 = arith.constant 1 : i32
          %dma_wait3A_266 = arith.constant 1 : i32
          %dma_wait3A_267 = arith.constant 0 : i32
          %dma_wait3A_268 = arith.constant 0 : i32
          %dma_wait3A_269 = tpu.memref_slice %arg11[%dma_wait3A_265, %dma_wait3A_267, %dma_wait3A_268] : memref<2x128x32xf32, #tpu.memory_space<vmem>> -> memref<1x128x32xf32, #tpu.memory_space<vmem>>
          %dma_wait3A_270 = tpu.memref_squeeze %dma_wait3A_269 : memref<1x128x32xf32, #tpu.memory_space<vmem>> -> memref<128x32xf32, #tpu.memory_space<vmem>>
          %dma_wait3A_271 = arith.constant 0 : i32
          %dma_wait3A_272 = tpu.memref_slice %arg8[%sub3A_264, %dma_wait3A_271] : memref<79x128xi32, #tpu.memory_space<vmem>> -> memref<1x128xi32, #tpu.memory_space<vmem>>
          %dma_wait3A_273 = tpu.memref_squeeze %dma_wait3A_272 : memref<1x128xi32, #tpu.memory_space<vmem>> -> memref<128xi32, #tpu.memory_space<vmem>>
          %dma_wait3A_274 = arith.constant 0 : i32
          %dma_wait3A_275 = arith.constant 0 : i32
          %dma_wait3A_276 = tpu.memref_slice %arg13[%dma_wait3A_274, %dma_wait3A_275] : memref<10240x32xf32, #tpu.memory_space<vmem_shared>> -> memref<10240x32xf32, #tpu.memory_space<vmem_shared>>
          %dma_wait3A_277 = tpu.memref_slice %arg15[%dma_wait3A_266] : memref<2x!tpu.dma_semaphore, #tpu.memory_space<semaphore_mem>> -> memref<1x!tpu.dma_semaphore, #tpu.memory_space<semaphore_mem>>
          %dma_wait3A_278 = tpu.memref_squeeze %dma_wait3A_277 : memref<1x!tpu.dma_semaphore, #tpu.memory_space<semaphore_mem>> -> memref<!tpu.dma_semaphore, #tpu.memory_space<semaphore_mem>>
          tpu.wait_indirect_dma semaphore(%dma_wait3A_278 : memref<!tpu.dma_semaphore, #tpu.memory_space<semaphore_mem>>) src(%dma_wait3A_270 : memref<128x32xf32, #tpu.memory_space<vmem>>) dst(%dma_wait3A_276 : memref<10240x32xf32, #tpu.memory_space<vmem_shared>>)
        } else {
        }
        %parallel_loop3A_240 = arith.constant 0 : i32
        %parallel_loop3A_241 = arith.constant 128 : i32
        %parallel_loop3A_242 = arith.constant 1 : i32
        scf.for %parallel_loop3A_263 = %parallel_loop3A_240 to %parallel_loop3A_241 step %parallel_loop3A_242  : i32 {
          %parallel_loop3A_264 = arith.constant 1 : i32
          %parallel_loop3A_265 = arith.index_cast %parallel_loop3A_264 : i32 to index
          %parallel_loop3A_266 = arith.index_cast %parallel_loop3A_263 : i32 to index
          %parallel_loop3A_267 = arith.constant 16 : index
          %parallel_loop3A_268 = tpu.vector_load %arg9[%parallel_loop3A_265, %parallel_loop3A_266, %parallel_loop3A_267] {strides = array<i32>} : memref<2x128x32xf32, #tpu.memory_space<vmem>>, vector<16xf32>,
          %parallel_loop3A_269 = arith.constant 1 : i32
          %parallel_loop3A_270 = arith.index_cast %parallel_loop3A_269 : i32 to index
          %parallel_loop3A_271 = arith.index_cast %parallel_loop3A_263 : i32 to index
          %parallel_loop3A_272 = arith.constant 0 : index
          %parallel_loop3A_273 = tpu.vector_load %arg10[%parallel_loop3A_270, %parallel_loop3A_271, %parallel_loop3A_272] {strides = array<i32>} : memref<2x128x16xf32, #tpu.memory_space<vmem>>, vector<16xf32>,
          %parallel_loop3A_274 = arith.addf %parallel_loop3A_268, %parallel_loop3A_273 : vector<16xf32>
          %parallel_loop3A_275 = arith.constant 2.000000e-01 : f32
          %parallel_loop3A_276 = vector.broadcast %parallel_loop3A_275 : f32 to vector<16xf32>
          %parallel_loop3A_277 = arith.mulf %parallel_loop3A_276, %parallel_loop3A_274 : vector<16xf32>
          %parallel_loop3A_278 = arith.maximumf %parallel_loop3A_274, %parallel_loop3A_277 : vector<16xf32>
          %parallel_loop3A_279 = math.exp %parallel_loop3A_278 : vector<16xf32>
          %parallel_loop3A_280 = arith.constant 1 : i32
          %parallel_loop3A_281 = arith.index_cast %parallel_loop3A_280 : i32 to index
          %parallel_loop3A_282 = arith.index_cast %parallel_loop3A_263 : i32 to index
          %parallel_loop3A_283 = arith.constant 16 : index
          %parallel_loop3A_284 = tpu.vector_load %arg11[%parallel_loop3A_281, %parallel_loop3A_282, %parallel_loop3A_283] {strides = array<i32>} : memref<2x128x32xf32, #tpu.memory_space<vmem>>, vector<16xf32>,
          tpu.vector_store %arg11[%parallel_loop3A_281, %parallel_loop3A_282, %parallel_loop3A_283], %parallel_loop3A_279 {strides = array<i32>} : memref<2x128x32xf32, #tpu.memory_space<vmem>>, vector<16xf32>,
          %parallel_loop3A_285 = arith.constant 1 : i32
          %parallel_loop3A_286 = arith.index_cast %parallel_loop3A_285 : i32 to index
          %parallel_loop3A_287 = arith.index_cast %parallel_loop3A_263 : i32 to index
          %parallel_loop3A_288 = arith.constant 0 : index
          %parallel_loop3A_289 = tpu.vector_load %arg9[%parallel_loop3A_286, %parallel_loop3A_287, %parallel_loop3A_288] {strides = array<i32>} : memref<2x128x32xf32, #tpu.memory_space<vmem>>, vector<16xf32>,
          %parallel_loop3A_290 = arith.mulf %parallel_loop3A_289, %parallel_loop3A_279 : vector<16xf32>
          %parallel_loop3A_291 = arith.constant 1 : i32
          %parallel_loop3A_292 = arith.index_cast %parallel_loop3A_291 : i32 to index
          %parallel_loop3A_293 = arith.index_cast %parallel_loop3A_263 : i32 to index
          %parallel_loop3A_294 = arith.constant 0 : index
          %parallel_loop3A_295 = tpu.vector_load %arg11[%parallel_loop3A_292, %parallel_loop3A_293, %parallel_loop3A_294] {strides = array<i32>} : memref<2x128x32xf32, #tpu.memory_space<vmem>>, vector<16xf32>,
          tpu.vector_store %arg11[%parallel_loop3A_292, %parallel_loop3A_293, %parallel_loop3A_294], %parallel_loop3A_290 {strides = array<i32>} : memref<2x128x32xf32, #tpu.memory_space<vmem>>, vector<16xf32>,
        } {sc.loop_unroll_factor = 1 : i64, sc.parallel_access}
        %dma_start3A_243 = arith.constant 1 : i32
        %dma_start3A_244 = arith.constant 1 : i32
        %dma_start3A_245 = arith.constant 0 : i32
        %dma_start3A_246 = arith.constant 0 : i32
        %dma_start3A_247 = tpu.memref_slice %arg11[%dma_start3A_243, %dma_start3A_245, %dma_start3A_246] : memref<2x128x32xf32, #tpu.memory_space<vmem>> -> memref<1x128x32xf32, #tpu.memory_space<vmem>>
        %dma_start3A_248 = tpu.memref_squeeze %dma_start3A_247 : memref<1x128x32xf32, #tpu.memory_space<vmem>> -> memref<128x32xf32, #tpu.memory_space<vmem>>
        %dma_start3A_249 = arith.constant 0 : i32
        %dma_start3A_250 = tpu.memref_slice %arg8[%add3A_202, %dma_start3A_249] : memref<79x128xi32, #tpu.memory_space<vmem>> -> memref<1x128xi32, #tpu.memory_space<vmem>>
        %dma_start3A_251 = tpu.memref_squeeze %dma_start3A_250 : memref<1x128xi32, #tpu.memory_space<vmem>> -> memref<128xi32, #tpu.memory_space<vmem>>
        %dma_start3A_252 = arith.constant 0 : i32
        %dma_start3A_253 = arith.constant 0 : i32
        %dma_start3A_254 = tpu.memref_slice %arg13[%dma_start3A_252, %dma_start3A_253] : memref<10240x32xf32, #tpu.memory_space<vmem_shared>> -> memref<10240x32xf32, #tpu.memory_space<vmem_shared>>
        %dma_start3A_255 = tpu.memref_slice %arg15[%dma_start3A_244] : memref<2x!tpu.dma_semaphore, #tpu.memory_space<semaphore_mem>> -> memref<1x!tpu.dma_semaphore, #tpu.memory_space<semaphore_mem>>
        %dma_start3A_256 = tpu.memref_squeeze %dma_start3A_255 : memref<1x!tpu.dma_semaphore, #tpu.memory_space<semaphore_mem>> -> memref<!tpu.dma_semaphore, #tpu.memory_space<semaphore_mem>>
        tpu.enqueue_indirect_dma source(%dma_start3A_248 : memref<128x32xf32, #tpu.memory_space<vmem>>) target(%dma_start3A_254 : memref<10240x32xf32, #tpu.memory_space<vmem_shared>>) offsets(%dma_start3A_251 : memref<128xi32, #tpu.memory_space<vmem>>) semaphore(%dma_start3A_256 : memref<!tpu.dma_semaphore, #tpu.memory_space<semaphore_mem>>) {add = true}
        %add3A_257 = arith.constant 2 : i32
        %add3A_258 = arith.addi %add3A_202, %add3A_257 : i32
        %lt3A_259 = arith.cmpi slt, %add3A_258, %add3A_3 : i32
        %convert_element_type3A_260 = arith.extui %lt3A_259 : i1 to i32
        %cond3A_261 = arith.constant 0 : i32
        %cond3A_262 = arith.cmpi ne, %convert_element_type3A_260, %cond3A_261 : i32
        scf.if %cond3A_262 {
          %add3A_263 = arith.constant 2 : i32
          %add3A_264 = arith.addi %add3A_202, %add3A_263 : i32
          %dma_start3A_265 = arith.constant 1 : i32
          %dma_start3A_266 = arith.constant 1 : i32
          %dma_start3A_267 = arith.constant 0 : i32
          %dma_start3A_268 = arith.constant 0 : i32
          %dma_start3A_269 = tpu.memref_slice %arg9[%dma_start3A_265, %dma_start3A_267, %dma_start3A_268] : memref<2x128x32xf32, #tpu.memory_space<vmem>> -> memref<1x128x32xf32, #tpu.memory_space<vmem>>
          %dma_start3A_270 = tpu.memref_squeeze %dma_start3A_269 : memref<1x128x32xf32, #tpu.memory_space<vmem>> -> memref<128x32xf32, #tpu.memory_space<vmem>>
          %dma_start3A_271 = arith.constant 0 : i32
          %dma_start3A_272 = tpu.memref_slice %arg7[%add3A_264, %dma_start3A_271] : memref<79x128xi32, #tpu.memory_space<vmem>> -> memref<1x128xi32, #tpu.memory_space<vmem>>
          %dma_start3A_273 = tpu.memref_squeeze %dma_start3A_272 : memref<1x128xi32, #tpu.memory_space<vmem>> -> memref<128xi32, #tpu.memory_space<vmem>>
          %dma_start3A_274 = arith.constant 0 : i32
          %dma_start3A_275 = arith.constant 0 : i32
          %dma_start3A_276 = tpu.memref_slice %arg2[%dma_start3A_274, %dma_start3A_275] : memref<10000x32xf32, #tpu.memory_space<hbm>> -> memref<10000x32xf32, #tpu.memory_space<hbm>>
          %dma_start3A_277 = tpu.memref_slice %arg14[%dma_start3A_266] : memref<2x!tpu.dma_semaphore, #tpu.memory_space<semaphore_mem>> -> memref<1x!tpu.dma_semaphore, #tpu.memory_space<semaphore_mem>>
          %dma_start3A_278 = tpu.memref_squeeze %dma_start3A_277 : memref<1x!tpu.dma_semaphore, #tpu.memory_space<semaphore_mem>> -> memref<!tpu.dma_semaphore, #tpu.memory_space<semaphore_mem>>
          tpu.enqueue_indirect_dma source(%dma_start3A_276 : memref<10000x32xf32, #tpu.memory_space<hbm>>) target(%dma_start3A_270 : memref<128x32xf32, #tpu.memory_space<vmem>>) offsets(%dma_start3A_273 : memref<128xi32, #tpu.memory_space<vmem>>) semaphore(%dma_start3A_278 : memref<!tpu.dma_semaphore, #tpu.memory_space<semaphore_mem>>)
          %dma_start3A_279 = arith.constant 1 : i32
          %dma_start3A_280 = arith.constant 1 : i32
          %dma_start3A_281 = arith.constant 0 : i32
          %dma_start3A_282 = arith.constant 0 : i32
          %dma_start3A_283 = tpu.memref_slice %arg10[%dma_start3A_279, %dma_start3A_281, %dma_start3A_282] : memref<2x128x16xf32, #tpu.memory_space<vmem>> -> memref<1x128x16xf32, #tpu.memory_space<vmem>>
          %dma_start3A_284 = tpu.memref_squeeze %dma_start3A_283 : memref<1x128x16xf32, #tpu.memory_space<vmem>> -> memref<128x16xf32, #tpu.memory_space<vmem>>
          %dma_start3A_285 = arith.constant 0 : i32
          %dma_start3A_286 = tpu.memref_slice %arg8[%add3A_264, %dma_start3A_285] : memref<79x128xi32, #tpu.memory_space<vmem>> -> memref<1x128xi32, #tpu.memory_space<vmem>>
          %dma_start3A_287 = tpu.memref_squeeze %dma_start3A_286 : memref<1x128xi32, #tpu.memory_space<vmem>> -> memref<128xi32, #tpu.memory_space<vmem>>
          %dma_start3A_288 = arith.constant 0 : i32
          %dma_start3A_289 = arith.constant 0 : i32
          %dma_start3A_290 = tpu.memref_slice %arg3[%dma_start3A_288, %dma_start3A_289] : memref<10000x16xf32, #tpu.memory_space<hbm>> -> memref<10000x16xf32, #tpu.memory_space<hbm>>
          %dma_start3A_291 = tpu.memref_slice %arg14[%dma_start3A_280] : memref<2x!tpu.dma_semaphore, #tpu.memory_space<semaphore_mem>> -> memref<1x!tpu.dma_semaphore, #tpu.memory_space<semaphore_mem>>
          %dma_start3A_292 = tpu.memref_squeeze %dma_start3A_291 : memref<1x!tpu.dma_semaphore, #tpu.memory_space<semaphore_mem>> -> memref<!tpu.dma_semaphore, #tpu.memory_space<semaphore_mem>>
          tpu.enqueue_indirect_dma source(%dma_start3A_290 : memref<10000x16xf32, #tpu.memory_space<hbm>>) target(%dma_start3A_284 : memref<128x16xf32, #tpu.memory_space<vmem>>) offsets(%dma_start3A_287 : memref<128xi32, #tpu.memory_space<vmem>>) semaphore(%dma_start3A_292 : memref<!tpu.dma_semaphore, #tpu.memory_space<semaphore_mem>>)
        } else {
        }
      } else {
      }
    }
    %while3A_107 = arith.constant 1 : i32
    scf.for %while3A_143 = %while3A_105 to %while3A_101 step %while3A_107  : i32 {
      %mul3A_144 = arith.muli %while3A_143, %while3A : i32
      %add3A_145 = arith.addi %while3A_98, %mul3A_144 : i32
      %add3A_146 = arith.constant 0 : i32
      %add3A_147 = arith.addi %add3A_145, %add3A_146 : i32
      %dma_wait3A_148 = arith.constant 0 : i32
      %dma_wait3A_149 = arith.constant 0 : i32
      %dma_wait3A_150 = arith.constant 0 : i32
      %dma_wait3A_151 = arith.constant 0 : i32
      %dma_wait3A_152 = tpu.memref_slice %arg9[%dma_wait3A_148, %dma_wait3A_150, %dma_wait3A_151] : memref<2x128x32xf32, #tpu.memory_space<vmem>> -> memref<1x128x32xf32, #tpu.memory_space<vmem>>
      %dma_wait3A_153 = tpu.memref_squeeze %dma_wait3A_152 : memref<1x128x32xf32, #tpu.memory_space<vmem>> -> memref<128x32xf32, #tpu.memory_space<vmem>>
      %dma_wait3A_154 = arith.constant 0 : i32
      %dma_wait3A_155 = tpu.memref_slice %arg7[%add3A_147, %dma_wait3A_154] : memref<79x128xi32, #tpu.memory_space<vmem>> -> memref<1x128xi32, #tpu.memory_space<vmem>>
      %dma_wait3A_156 = tpu.memref_squeeze %dma_wait3A_155 : memref<1x128xi32, #tpu.memory_space<vmem>> -> memref<128xi32, #tpu.memory_space<vmem>>
      %dma_wait3A_157 = arith.constant 0 : i32
      %dma_wait3A_158 = arith.constant 0 : i32
      %dma_wait3A_159 = tpu.memref_slice %arg2[%dma_wait3A_157, %dma_wait3A_158] : memref<10000x32xf32, #tpu.memory_space<hbm>> -> memref<10000x32xf32, #tpu.memory_space<hbm>>
      %dma_wait3A_160 = tpu.memref_slice %arg14[%dma_wait3A_149] : memref<2x!tpu.dma_semaphore, #tpu.memory_space<semaphore_mem>> -> memref<1x!tpu.dma_semaphore, #tpu.memory_space<semaphore_mem>>
      %dma_wait3A_161 = tpu.memref_squeeze %dma_wait3A_160 : memref<1x!tpu.dma_semaphore, #tpu.memory_space<semaphore_mem>> -> memref<!tpu.dma_semaphore, #tpu.memory_space<semaphore_mem>>
      tpu.wait_indirect_dma semaphore(%dma_wait3A_161 : memref<!tpu.dma_semaphore, #tpu.memory_space<semaphore_mem>>) src(%dma_wait3A_159 : memref<10000x32xf32, #tpu.memory_space<hbm>>) dst(%dma_wait3A_153 : memref<128x32xf32, #tpu.memory_space<vmem>>)
      %dma_wait3A_162 = arith.constant 0 : i32
      %dma_wait3A_163 = arith.constant 0 : i32
      %dma_wait3A_164 = arith.constant 0 : i32
      %dma_wait3A_165 = arith.constant 0 : i32
      %dma_wait3A_166 = tpu.memref_slice %arg10[%dma_wait3A_162, %dma_wait3A_164, %dma_wait3A_165] : memref<2x128x16xf32, #tpu.memory_space<vmem>> -> memref<1x128x16xf32, #tpu.memory_space<vmem>>
      %dma_wait3A_167 = tpu.memref_squeeze %dma_wait3A_166 : memref<1x128x16xf32, #tpu.memory_space<vmem>> -> memref<128x16xf32, #tpu.memory_space<vmem>>
      %dma_wait3A_168 = arith.constant 0 : i32
      %dma_wait3A_169 = tpu.memref_slice %arg8[%add3A_147, %dma_wait3A_168] : memref<79x128xi32, #tpu.memory_space<vmem>> -> memref<1x128xi32, #tpu.memory_space<vmem>>
      %dma_wait3A_170 = tpu.memref_squeeze %dma_wait3A_169 : memref<1x128xi32, #tpu.memory_space<vmem>> -> memref<128xi32, #tpu.memory_space<vmem>>
      %dma_wait3A_171 = arith.constant 0 : i32
      %dma_wait3A_172 = arith.constant 0 : i32
      %dma_wait3A_173 = tpu.memref_slice %arg3[%dma_wait3A_171, %dma_wait3A_172] : memref<10000x16xf32, #tpu.memory_space<hbm>> -> memref<10000x16xf32, #tpu.memory_space<hbm>>
      %dma_wait3A_174 = tpu.memref_slice %arg14[%dma_wait3A_163] : memref<2x!tpu.dma_semaphore, #tpu.memory_space<semaphore_mem>> -> memref<1x!tpu.dma_semaphore, #tpu.memory_space<semaphore_mem>>
      %dma_wait3A_175 = tpu.memref_squeeze %dma_wait3A_174 : memref<1x!tpu.dma_semaphore, #tpu.memory_space<semaphore_mem>> -> memref<!tpu.dma_semaphore, #tpu.memory_space<semaphore_mem>>
      tpu.wait_indirect_dma semaphore(%dma_wait3A_175 : memref<!tpu.dma_semaphore, #tpu.memory_space<semaphore_mem>>) src(%dma_wait3A_173 : memref<10000x16xf32, #tpu.memory_space<hbm>>) dst(%dma_wait3A_167 : memref<128x16xf32, #tpu.memory_space<vmem>>)
      %ge3A_176 = arith.constant 2 : i32
      %ge3A_177 = arith.cmpi sge, %add3A_147, %ge3A_176 : i32
      %convert_element_type3A_178 = arith.extui %ge3A_177 : i1 to i32
      %cond3A = arith.constant 0 : i32
      %cond3A_179 = arith.cmpi ne, %convert_element_type3A_178, %cond3A : i32
      scf.if %cond3A_179 {
        %sub3A_207 = arith.constant 2 : i32
        %sub3A_208 = arith.subi %add3A_147, %sub3A_207 : i32
        %dma_wait3A_209 = arith.constant 0 : i32
        %dma_wait3A_210 = arith.constant 0 : i32
        %dma_wait3A_211 = arith.constant 0 : i32
        %dma_wait3A_212 = arith.constant 0 : i32
        %dma_wait3A_213 = tpu.memref_slice %arg11[%dma_wait3A_209, %dma_wait3A_211, %dma_wait3A_212] : memref<2x128x32xf32, #tpu.memory_space<vmem>> -> memref<1x128x32xf32, #tpu.memory_space<vmem>>
        %dma_wait3A_214 = tpu.memref_squeeze %dma_wait3A_213 : memref<1x128x32xf32, #tpu.memory_space<vmem>> -> memref<128x32xf32, #tpu.memory_space<vmem>>
        %dma_wait3A_215 = arith.constant 0 : i32
        %dma_wait3A_216 = tpu.memref_slice %arg8[%sub3A_208, %dma_wait3A_215] : memref<79x128xi32, #tpu.memory_space<vmem>> -> memref<1x128xi32, #tpu.memory_space<vmem>>
        %dma_wait3A_217 = tpu.memref_squeeze %dma_wait3A_216 : memref<1x128xi32, #tpu.memory_space<vmem>> -> memref<128xi32, #tpu.memory_space<vmem>>
        %dma_wait3A_218 = arith.constant 0 : i32
        %dma_wait3A_219 = arith.constant 0 : i32
        %dma_wait3A_220 = tpu.memref_slice %arg13[%dma_wait3A_218, %dma_wait3A_219] : memref<10240x32xf32, #tpu.memory_space<vmem_shared>> -> memref<10240x32xf32, #tpu.memory_space<vmem_shared>>
        %dma_wait3A_221 = tpu.memref_slice %arg15[%dma_wait3A_210] : memref<2x!tpu.dma_semaphore, #tpu.memory_space<semaphore_mem>> -> memref<1x!tpu.dma_semaphore, #tpu.memory_space<semaphore_mem>>
        %dma_wait3A_222 = tpu.memref_squeeze %dma_wait3A_221 : memref<1x!tpu.dma_semaphore, #tpu.memory_space<semaphore_mem>> -> memref<!tpu.dma_semaphore, #tpu.memory_space<semaphore_mem>>
        tpu.wait_indirect_dma semaphore(%dma_wait3A_222 : memref<!tpu.dma_semaphore, #tpu.memory_space<semaphore_mem>>) src(%dma_wait3A_214 : memref<128x32xf32, #tpu.memory_space<vmem>>) dst(%dma_wait3A_220 : memref<10240x32xf32, #tpu.memory_space<vmem_shared>>)
      } else {
      }
      %parallel_loop3A = arith.constant 0 : i32
      %parallel_loop3A_180 = arith.constant 128 : i32
      %parallel_loop3A_181 = arith.constant 1 : i32
      scf.for %parallel_loop3A_207 = %parallel_loop3A to %parallel_loop3A_180 step %parallel_loop3A_181  : i32 {
        %parallel_loop3A_208 = arith.constant 0 : i32
        %parallel_loop3A_209 = arith.index_cast %parallel_loop3A_208 : i32 to index
        %parallel_loop3A_210 = arith.index_cast %parallel_loop3A_207 : i32 to index
        %parallel_loop3A_211 = arith.constant 16 : index
        %parallel_loop3A_212 = tpu.vector_load %arg9[%parallel_loop3A_209, %parallel_loop3A_210, %parallel_loop3A_211] {strides = array<i32>} : memref<2x128x32xf32, #tpu.memory_space<vmem>>, vector<16xf32>,
        %parallel_loop3A_213 = arith.constant 0 : i32
        %parallel_loop3A_214 = arith.index_cast %parallel_loop3A_213 : i32 to index
        %parallel_loop3A_215 = arith.index_cast %parallel_loop3A_207 : i32 to index
        %parallel_loop3A_216 = arith.constant 0 : index
        %parallel_loop3A_217 = tpu.vector_load %arg10[%parallel_loop3A_214, %parallel_loop3A_215, %parallel_loop3A_216] {strides = array<i32>} : memref<2x128x16xf32, #tpu.memory_space<vmem>>, vector<16xf32>,
        %parallel_loop3A_218 = arith.addf %parallel_loop3A_212, %parallel_loop3A_217 : vector<16xf32>
        %parallel_loop3A_219 = arith.constant 2.000000e-01 : f32
        %parallel_loop3A_220 = vector.broadcast %parallel_loop3A_219 : f32 to vector<16xf32>
        %parallel_loop3A_221 = arith.mulf %parallel_loop3A_220, %parallel_loop3A_218 : vector<16xf32>
        %parallel_loop3A_222 = arith.maximumf %parallel_loop3A_218, %parallel_loop3A_221 : vector<16xf32>
        %parallel_loop3A_223 = math.exp %parallel_loop3A_222 : vector<16xf32>
        %parallel_loop3A_224 = arith.constant 0 : i32
        %parallel_loop3A_225 = arith.index_cast %parallel_loop3A_224 : i32 to index
        %parallel_loop3A_226 = arith.index_cast %parallel_loop3A_207 : i32 to index
        %parallel_loop3A_227 = arith.constant 16 : index
        %parallel_loop3A_228 = tpu.vector_load %arg11[%parallel_loop3A_225, %parallel_loop3A_226, %parallel_loop3A_227] {strides = array<i32>} : memref<2x128x32xf32, #tpu.memory_space<vmem>>, vector<16xf32>,
        tpu.vector_store %arg11[%parallel_loop3A_225, %parallel_loop3A_226, %parallel_loop3A_227], %parallel_loop3A_223 {strides = array<i32>} : memref<2x128x32xf32, #tpu.memory_space<vmem>>, vector<16xf32>,
        %parallel_loop3A_229 = arith.constant 0 : i32
        %parallel_loop3A_230 = arith.index_cast %parallel_loop3A_229 : i32 to index
        %parallel_loop3A_231 = arith.index_cast %parallel_loop3A_207 : i32 to index
        %parallel_loop3A_232 = arith.constant 0 : index
        %parallel_loop3A_233 = tpu.vector_load %arg9[%parallel_loop3A_230, %parallel_loop3A_231, %parallel_loop3A_232] {strides = array<i32>} : memref<2x128x32xf32, #tpu.memory_space<vmem>>, vector<16xf32>,
        %parallel_loop3A_234 = arith.mulf %parallel_loop3A_233, %parallel_loop3A_223 : vector<16xf32>
        %parallel_loop3A_235 = arith.constant 0 : i32
        %parallel_loop3A_236 = arith.index_cast %parallel_loop3A_235 : i32 to index
        %parallel_loop3A_237 = arith.index_cast %parallel_loop3A_207 : i32 to index
        %parallel_loop3A_238 = arith.constant 0 : index
        %parallel_loop3A_239 = tpu.vector_load %arg11[%parallel_loop3A_236, %parallel_loop3A_237, %parallel_loop3A_238] {strides = array<i32>} : memref<2x128x32xf32, #tpu.memory_space<vmem>>, vector<16xf32>,
        tpu.vector_store %arg11[%parallel_loop3A_236, %parallel_loop3A_237, %parallel_loop3A_238], %parallel_loop3A_234 {strides = array<i32>} : memref<2x128x32xf32, #tpu.memory_space<vmem>>, vector<16xf32>,
      } {sc.loop_unroll_factor = 1 : i64, sc.parallel_access}
      %dma_start3A_182 = arith.constant 0 : i32
      %dma_start3A_183 = arith.constant 0 : i32
      %dma_start3A_184 = arith.constant 0 : i32
      %dma_start3A_185 = arith.constant 0 : i32
      %dma_start3A_186 = tpu.memref_slice %arg11[%dma_start3A_182, %dma_start3A_184, %dma_start3A_185] : memref<2x128x32xf32, #tpu.memory_space<vmem>> -> memref<1x128x32xf32, #tpu.memory_space<vmem>>
      %dma_start3A_187 = tpu.memref_squeeze %dma_start3A_186 : memref<1x128x32xf32, #tpu.memory_space<vmem>> -> memref<128x32xf32, #tpu.memory_space<vmem>>
      %dma_start3A_188 = arith.constant 0 : i32
      %dma_start3A_189 = tpu.memref_slice %arg8[%add3A_147, %dma_start3A_188] : memref<79x128xi32, #tpu.memory_space<vmem>> -> memref<1x128xi32, #tpu.memory_space<vmem>>
      %dma_start3A_190 = tpu.memref_squeeze %dma_start3A_189 : memref<1x128xi32, #tpu.memory_space<vmem>> -> memref<128xi32, #tpu.memory_space<vmem>>
      %dma_start3A_191 = arith.constant 0 : i32
      %dma_start3A_192 = arith.constant 0 : i32
      %dma_start3A_193 = tpu.memref_slice %arg13[%dma_start3A_191, %dma_start3A_192] : memref<10240x32xf32, #tpu.memory_space<vmem_shared>> -> memref<10240x32xf32, #tpu.memory_space<vmem_shared>>
      %dma_start3A_194 = tpu.memref_slice %arg15[%dma_start3A_183] : memref<2x!tpu.dma_semaphore, #tpu.memory_space<semaphore_mem>> -> memref<1x!tpu.dma_semaphore, #tpu.memory_space<semaphore_mem>>
      %dma_start3A_195 = tpu.memref_squeeze %dma_start3A_194 : memref<1x!tpu.dma_semaphore, #tpu.memory_space<semaphore_mem>> -> memref<!tpu.dma_semaphore, #tpu.memory_space<semaphore_mem>>
      tpu.enqueue_indirect_dma source(%dma_start3A_187 : memref<128x32xf32, #tpu.memory_space<vmem>>) target(%dma_start3A_193 : memref<10240x32xf32, #tpu.memory_space<vmem_shared>>) offsets(%dma_start3A_190 : memref<128xi32, #tpu.memory_space<vmem>>) semaphore(%dma_start3A_195 : memref<!tpu.dma_semaphore, #tpu.memory_space<semaphore_mem>>) {add = true}
      %add3A_196 = arith.constant 2 : i32
      %add3A_197 = arith.addi %add3A_147, %add3A_196 : i32
      %lt3A = arith.cmpi slt, %add3A_197, %add3A_3 : i32
      %convert_element_type3A_198 = arith.extui %lt3A : i1 to i32
      %cond3A_199 = arith.constant 0 : i32
      %cond3A_200 = arith.cmpi ne, %convert_element_type3A_198, %cond3A_199 : i32
      scf.if %cond3A_200 {
        %add3A_207 = arith.constant 2 : i32
        %add3A_208 = arith.addi %add3A_147, %add3A_207 : i32
        %dma_start3A_209 = arith.constant 0 : i32
        %dma_start3A_210 = arith.constant 0 : i32
        %dma_start3A_211 = arith.constant 0 : i32
        %dma_start3A_212 = arith.constant 0 : i32
        %dma_start3A_213 = tpu.memref_slice %arg9[%dma_start3A_209, %dma_start3A_211, %dma_start3A_212] : memref<2x128x32xf32, #tpu.memory_space<vmem>> -> memref<1x128x32xf32, #tpu.memory_space<vmem>>
        %dma_start3A_214 = tpu.memref_squeeze %dma_start3A_213 : memref<1x128x32xf32, #tpu.memory_space<vmem>> -> memref<128x32xf32, #tpu.memory_space<vmem>>
        %dma_start3A_215 = arith.constant 0 : i32
        %dma_start3A_216 = tpu.memref_slice %arg7[%add3A_208, %dma_start3A_215] : memref<79x128xi32, #tpu.memory_space<vmem>> -> memref<1x128xi32, #tpu.memory_space<vmem>>
        %dma_start3A_217 = tpu.memref_squeeze %dma_start3A_216 : memref<1x128xi32, #tpu.memory_space<vmem>> -> memref<128xi32, #tpu.memory_space<vmem>>
        %dma_start3A_218 = arith.constant 0 : i32
        %dma_start3A_219 = arith.constant 0 : i32
        %dma_start3A_220 = tpu.memref_slice %arg2[%dma_start3A_218, %dma_start3A_219] : memref<10000x32xf32, #tpu.memory_space<hbm>> -> memref<10000x32xf32, #tpu.memory_space<hbm>>
        %dma_start3A_221 = tpu.memref_slice %arg14[%dma_start3A_210] : memref<2x!tpu.dma_semaphore, #tpu.memory_space<semaphore_mem>> -> memref<1x!tpu.dma_semaphore, #tpu.memory_space<semaphore_mem>>
        %dma_start3A_222 = tpu.memref_squeeze %dma_start3A_221 : memref<1x!tpu.dma_semaphore, #tpu.memory_space<semaphore_mem>> -> memref<!tpu.dma_semaphore, #tpu.memory_space<semaphore_mem>>
        tpu.enqueue_indirect_dma source(%dma_start3A_220 : memref<10000x32xf32, #tpu.memory_space<hbm>>) target(%dma_start3A_214 : memref<128x32xf32, #tpu.memory_space<vmem>>) offsets(%dma_start3A_217 : memref<128xi32, #tpu.memory_space<vmem>>) semaphore(%dma_start3A_222 : memref<!tpu.dma_semaphore, #tpu.memory_space<semaphore_mem>>)
        %dma_start3A_223 = arith.constant 0 : i32
        %dma_start3A_224 = arith.constant 0 : i32
        %dma_start3A_225 = arith.constant 0 : i32
        %dma_start3A_226 = arith.constant 0 : i32
        %dma_start3A_227 = tpu.memref_slice %arg10[%dma_start3A_223, %dma_start3A_225, %dma_start3A_226] : memref<2x128x16xf32, #tpu.memory_space<vmem>> -> memref<1x128x16xf32, #tpu.memory_space<vmem>>
        %dma_start3A_228 = tpu.memref_squeeze %dma_start3A_227 : memref<1x128x16xf32, #tpu.memory_space<vmem>> -> memref<128x16xf32, #tpu.memory_space<vmem>>
        %dma_start3A_229 = arith.constant 0 : i32
        %dma_start3A_230 = tpu.memref_slice %arg8[%add3A_208, %dma_start3A_229] : memref<79x128xi32, #tpu.memory_space<vmem>> -> memref<1x128xi32, #tpu.memory_space<vmem>>
        %dma_start3A_231 = tpu.memref_squeeze %dma_start3A_230 : memref<1x128xi32, #tpu.memory_space<vmem>> -> memref<128xi32, #tpu.memory_space<vmem>>
        %dma_start3A_232 = arith.constant 0 : i32
        %dma_start3A_233 = arith.constant 0 : i32
        %dma_start3A_234 = tpu.memref_slice %arg3[%dma_start3A_232, %dma_start3A_233] : memref<10000x16xf32, #tpu.memory_space<hbm>> -> memref<10000x16xf32, #tpu.memory_space<hbm>>
        %dma_start3A_235 = tpu.memref_slice %arg14[%dma_start3A_224] : memref<2x!tpu.dma_semaphore, #tpu.memory_space<semaphore_mem>> -> memref<1x!tpu.dma_semaphore, #tpu.memory_space<semaphore_mem>>
        %dma_start3A_236 = tpu.memref_squeeze %dma_start3A_235 : memref<1x!tpu.dma_semaphore, #tpu.memory_space<semaphore_mem>> -> memref<!tpu.dma_semaphore, #tpu.memory_space<semaphore_mem>>
        tpu.enqueue_indirect_dma source(%dma_start3A_234 : memref<10000x16xf32, #tpu.memory_space<hbm>>) target(%dma_start3A_228 : memref<128x16xf32, #tpu.memory_space<vmem>>) offsets(%dma_start3A_231 : memref<128xi32, #tpu.memory_space<vmem>>) semaphore(%dma_start3A_236 : memref<!tpu.dma_semaphore, #tpu.memory_space<semaphore_mem>>)
      } else {
      }
      %add3A_201 = arith.constant 1 : i32
      %add3A_202 = arith.addi %add3A_145, %add3A_201 : i32
      %lt3A_203 = arith.cmpi slt, %add3A_202, %add3A_3 : i32
      %convert_element_type3A_204 = arith.extui %lt3A_203 : i1 to i32
      %cond3A_205 = arith.constant 0 : i32
      %cond3A_206 = arith.cmpi ne, %convert_element_type3A_204, %cond3A_205 : i32
      scf.if %cond3A_206 {
        %dma_wait3A_207 = arith.constant 1 : i32
        %dma_wait3A_208 = arith.constant 1 : i32
        %dma_wait3A_209 = arith.constant 0 : i32
        %dma_wait3A_210 = arith.constant 0 : i32
        %dma_wait3A_211 = tpu.memref_slice %arg9[%dma_wait3A_207, %dma_wait3A_209, %dma_wait3A_210] : memref<2x128x32xf32, #tpu.memory_space<vmem>> -> memref<1x128x32xf32, #tpu.memory_space<vmem>>
        %dma_wait3A_212 = tpu.memref_squeeze %dma_wait3A_211 : memref<1x128x32xf32, #tpu.memory_space<vmem>> -> memref<128x32xf32, #tpu.memory_space<vmem>>
        %dma_wait3A_213 = arith.constant 0 : i32
        %dma_wait3A_214 = tpu.memref_slice %arg7[%add3A_202, %dma_wait3A_213] : memref<79x128xi32, #tpu.memory_space<vmem>> -> memref<1x128xi32, #tpu.memory_space<vmem>>
        %dma_wait3A_215 = tpu.memref_squeeze %dma_wait3A_214 : memref<1x128xi32, #tpu.memory_space<vmem>> -> memref<128xi32, #tpu.memory_space<vmem>>
        %dma_wait3A_216 = arith.constant 0 : i32
        %dma_wait3A_217 = arith.constant 0 : i32
        %dma_wait3A_218 = tpu.memref_slice %arg2[%dma_wait3A_216, %dma_wait3A_217] : memref<10000x32xf32, #tpu.memory_space<hbm>> -> memref<10000x32xf32, #tpu.memory_space<hbm>>
        %dma_wait3A_219 = tpu.memref_slice %arg14[%dma_wait3A_208] : memref<2x!tpu.dma_semaphore, #tpu.memory_space<semaphore_mem>> -> memref<1x!tpu.dma_semaphore, #tpu.memory_space<semaphore_mem>>
        %dma_wait3A_220 = tpu.memref_squeeze %dma_wait3A_219 : memref<1x!tpu.dma_semaphore, #tpu.memory_space<semaphore_mem>> -> memref<!tpu.dma_semaphore, #tpu.memory_space<semaphore_mem>>
        tpu.wait_indirect_dma semaphore(%dma_wait3A_220 : memref<!tpu.dma_semaphore, #tpu.memory_space<semaphore_mem>>) src(%dma_wait3A_218 : memref<10000x32xf32, #tpu.memory_space<hbm>>) dst(%dma_wait3A_212 : memref<128x32xf32, #tpu.memory_space<vmem>>)
        %dma_wait3A_221 = arith.constant 1 : i32
        %dma_wait3A_222 = arith.constant 1 : i32
        %dma_wait3A_223 = arith.constant 0 : i32
        %dma_wait3A_224 = arith.constant 0 : i32
        %dma_wait3A_225 = tpu.memref_slice %arg10[%dma_wait3A_221, %dma_wait3A_223, %dma_wait3A_224] : memref<2x128x16xf32, #tpu.memory_space<vmem>> -> memref<1x128x16xf32, #tpu.memory_space<vmem>>
        %dma_wait3A_226 = tpu.memref_squeeze %dma_wait3A_225 : memref<1x128x16xf32, #tpu.memory_space<vmem>> -> memref<128x16xf32, #tpu.memory_space<vmem>>
        %dma_wait3A_227 = arith.constant 0 : i32
        %dma_wait3A_228 = tpu.memref_slice %arg8[%add3A_202, %dma_wait3A_227] : memref<79x128xi32, #tpu.memory_space<vmem>> -> memref<1x128xi32, #tpu.memory_space<vmem>>
        %dma_wait3A_229 = tpu.memref_squeeze %dma_wait3A_228 : memref<1x128xi32, #tpu.memory_space<vmem>> -> memref<128xi32, #tpu.memory_space<vmem>>
        %dma_wait3A_230 = arith.constant 0 : i32
        %dma_wait3A_231 = arith.constant 0 : i32
        %dma_wait3A_232 = tpu.memref_slice %arg3[%dma_wait3A_230, %dma_wait3A_231] : memref<10000x16xf32, #tpu.memory_space<hbm>> -> memref<10000x16xf32, #tpu.memory_space<hbm>>
        %dma_wait3A_233 = tpu.memref_slice %arg14[%dma_wait3A_222] : memref<2x!tpu.dma_semaphore, #tpu.memory_space<semaphore_mem>> -> memref<1x!tpu.dma_semaphore, #tpu.memory_space<semaphore_mem>>
        %dma_wait3A_234 = tpu.memref_squeeze %dma_wait3A_233 : memref<1x!tpu.dma_semaphore, #tpu.memory_space<semaphore_mem>> -> memref<!tpu.dma_semaphore, #tpu.memory_space<semaphore_mem>>
        tpu.wait_indirect_dma semaphore(%dma_wait3A_234 : memref<!tpu.dma_semaphore, #tpu.memory_space<semaphore_mem>>) src(%dma_wait3A_232 : memref<10000x16xf32, #tpu.memory_space<hbm>>) dst(%dma_wait3A_226 : memref<128x16xf32, #tpu.memory_space<vmem>>)
        %ge3A_235 = arith.constant 2 : i32
        %ge3A_236 = arith.cmpi sge, %add3A_202, %ge3A_235 : i32
        %convert_element_type3A_237 = arith.extui %ge3A_236 : i1 to i32
        %cond3A_238 = arith.constant 0 : i32
        %cond3A_239 = arith.cmpi ne, %convert_element_type3A_237, %cond3A_238 : i32
        scf.if %cond3A_239 {
          %sub3A_263 = arith.constant 2 : i32
          %sub3A_264 = arith.subi %add3A_202, %sub3A_263 : i32
          %dma_wait3A_265 = arith.constant 1 : i32
          %dma_wait3A_266 = arith.constant 1 : i32
          %dma_wait3A_267 = arith.constant 0 : i32
          %dma_wait3A_268 = arith.constant 0 : i32
          %dma_wait3A_269 = tpu.memref_slice %arg11[%dma_wait3A_265, %dma_wait3A_267, %dma_wait3A_268] : memref<2x128x32xf32, #tpu.memory_space<vmem>> -> memref<1x128x32xf32, #tpu.memory_space<vmem>>
          %dma_wait3A_270 = tpu.memref_squeeze %dma_wait3A_269 : memref<1x128x32xf32, #tpu.memory_space<vmem>> -> memref<128x32xf32, #tpu.memory_space<vmem>>
          %dma_wait3A_271 = arith.constant 0 : i32
          %dma_wait3A_272 = tpu.memref_slice %arg8[%sub3A_264, %dma_wait3A_271] : memref<79x128xi32, #tpu.memory_space<vmem>> -> memref<1x128xi32, #tpu.memory_space<vmem>>
          %dma_wait3A_273 = tpu.memref_squeeze %dma_wait3A_272 : memref<1x128xi32, #tpu.memory_space<vmem>> -> memref<128xi32, #tpu.memory_space<vmem>>
          %dma_wait3A_274 = arith.constant 0 : i32
          %dma_wait3A_275 = arith.constant 0 : i32
          %dma_wait3A_276 = tpu.memref_slice %arg13[%dma_wait3A_274, %dma_wait3A_275] : memref<10240x32xf32, #tpu.memory_space<vmem_shared>> -> memref<10240x32xf32, #tpu.memory_space<vmem_shared>>
          %dma_wait3A_277 = tpu.memref_slice %arg15[%dma_wait3A_266] : memref<2x!tpu.dma_semaphore, #tpu.memory_space<semaphore_mem>> -> memref<1x!tpu.dma_semaphore, #tpu.memory_space<semaphore_mem>>
          %dma_wait3A_278 = tpu.memref_squeeze %dma_wait3A_277 : memref<1x!tpu.dma_semaphore, #tpu.memory_space<semaphore_mem>> -> memref<!tpu.dma_semaphore, #tpu.memory_space<semaphore_mem>>
          tpu.wait_indirect_dma semaphore(%dma_wait3A_278 : memref<!tpu.dma_semaphore, #tpu.memory_space<semaphore_mem>>) src(%dma_wait3A_270 : memref<128x32xf32, #tpu.memory_space<vmem>>) dst(%dma_wait3A_276 : memref<10240x32xf32, #tpu.memory_space<vmem_shared>>)
        } else {
        }
        %parallel_loop3A_240 = arith.constant 0 : i32
        %parallel_loop3A_241 = arith.constant 128 : i32
        %parallel_loop3A_242 = arith.constant 1 : i32
        scf.for %parallel_loop3A_263 = %parallel_loop3A_240 to %parallel_loop3A_241 step %parallel_loop3A_242  : i32 {
          %parallel_loop3A_264 = arith.constant 1 : i32
          %parallel_loop3A_265 = arith.index_cast %parallel_loop3A_264 : i32 to index
          %parallel_loop3A_266 = arith.index_cast %parallel_loop3A_263 : i32 to index
          %parallel_loop3A_267 = arith.constant 16 : index
          %parallel_loop3A_268 = tpu.vector_load %arg9[%parallel_loop3A_265, %parallel_loop3A_266, %parallel_loop3A_267] {strides = array<i32>} : memref<2x128x32xf32, #tpu.memory_space<vmem>>, vector<16xf32>,
          %parallel_loop3A_269 = arith.constant 1 : i32
          %parallel_loop3A_270 = arith.index_cast %parallel_loop3A_269 : i32 to index
          %parallel_loop3A_271 = arith.index_cast %parallel_loop3A_263 : i32 to index
          %parallel_loop3A_272 = arith.constant 0 : index
          %parallel_loop3A_273 = tpu.vector_load %arg10[%parallel_loop3A_270, %parallel_loop3A_271, %parallel_loop3A_272] {strides = array<i32>} : memref<2x128x16xf32, #tpu.memory_space<vmem>>, vector<16xf32>,
          %parallel_loop3A_274 = arith.addf %parallel_loop3A_268, %parallel_loop3A_273 : vector<16xf32>
          %parallel_loop3A_275 = arith.constant 2.000000e-01 : f32
          %parallel_loop3A_276 = vector.broadcast %parallel_loop3A_275 : f32 to vector<16xf32>
          %parallel_loop3A_277 = arith.mulf %parallel_loop3A_276, %parallel_loop3A_274 : vector<16xf32>
          %parallel_loop3A_278 = arith.maximumf %parallel_loop3A_274, %parallel_loop3A_277 : vector<16xf32>
          %parallel_loop3A_279 = math.exp %parallel_loop3A_278 : vector<16xf32>
          %parallel_loop3A_280 = arith.constant 1 : i32
          %parallel_loop3A_281 = arith.index_cast %parallel_loop3A_280 : i32 to index
          %parallel_loop3A_282 = arith.index_cast %parallel_loop3A_263 : i32 to index
          %parallel_loop3A_283 = arith.constant 16 : index
          %parallel_loop3A_284 = tpu.vector_load %arg11[%parallel_loop3A_281, %parallel_loop3A_282, %parallel_loop3A_283] {strides = array<i32>} : memref<2x128x32xf32, #tpu.memory_space<vmem>>, vector<16xf32>,
          tpu.vector_store %arg11[%parallel_loop3A_281, %parallel_loop3A_282, %parallel_loop3A_283], %parallel_loop3A_279 {strides = array<i32>} : memref<2x128x32xf32, #tpu.memory_space<vmem>>, vector<16xf32>,
          %parallel_loop3A_285 = arith.constant 1 : i32
          %parallel_loop3A_286 = arith.index_cast %parallel_loop3A_285 : i32 to index
          %parallel_loop3A_287 = arith.index_cast %parallel_loop3A_263 : i32 to index
          %parallel_loop3A_288 = arith.constant 0 : index
          %parallel_loop3A_289 = tpu.vector_load %arg9[%parallel_loop3A_286, %parallel_loop3A_287, %parallel_loop3A_288] {strides = array<i32>} : memref<2x128x32xf32, #tpu.memory_space<vmem>>, vector<16xf32>,
          %parallel_loop3A_290 = arith.mulf %parallel_loop3A_289, %parallel_loop3A_279 : vector<16xf32>
          %parallel_loop3A_291 = arith.constant 1 : i32
          %parallel_loop3A_292 = arith.index_cast %parallel_loop3A_291 : i32 to index
          %parallel_loop3A_293 = arith.index_cast %parallel_loop3A_263 : i32 to index
          %parallel_loop3A_294 = arith.constant 0 : index
          %parallel_loop3A_295 = tpu.vector_load %arg11[%parallel_loop3A_292, %parallel_loop3A_293, %parallel_loop3A_294] {strides = array<i32>} : memref<2x128x32xf32, #tpu.memory_space<vmem>>, vector<16xf32>,
          tpu.vector_store %arg11[%parallel_loop3A_292, %parallel_loop3A_293, %parallel_loop3A_294], %parallel_loop3A_290 {strides = array<i32>} : memref<2x128x32xf32, #tpu.memory_space<vmem>>, vector<16xf32>,
        } {sc.loop_unroll_factor = 1 : i64, sc.parallel_access}
        %dma_start3A_243 = arith.constant 1 : i32
        %dma_start3A_244 = arith.constant 1 : i32
        %dma_start3A_245 = arith.constant 0 : i32
        %dma_start3A_246 = arith.constant 0 : i32
        %dma_start3A_247 = tpu.memref_slice %arg11[%dma_start3A_243, %dma_start3A_245, %dma_start3A_246] : memref<2x128x32xf32, #tpu.memory_space<vmem>> -> memref<1x128x32xf32, #tpu.memory_space<vmem>>
        %dma_start3A_248 = tpu.memref_squeeze %dma_start3A_247 : memref<1x128x32xf32, #tpu.memory_space<vmem>> -> memref<128x32xf32, #tpu.memory_space<vmem>>
        %dma_start3A_249 = arith.constant 0 : i32
        %dma_start3A_250 = tpu.memref_slice %arg8[%add3A_202, %dma_start3A_249] : memref<79x128xi32, #tpu.memory_space<vmem>> -> memref<1x128xi32, #tpu.memory_space<vmem>>
        %dma_start3A_251 = tpu.memref_squeeze %dma_start3A_250 : memref<1x128xi32, #tpu.memory_space<vmem>> -> memref<128xi32, #tpu.memory_space<vmem>>
        %dma_start3A_252 = arith.constant 0 : i32
        %dma_start3A_253 = arith.constant 0 : i32
        %dma_start3A_254 = tpu.memref_slice %arg13[%dma_start3A_252, %dma_start3A_253] : memref<10240x32xf32, #tpu.memory_space<vmem_shared>> -> memref<10240x32xf32, #tpu.memory_space<vmem_shared>>
        %dma_start3A_255 = tpu.memref_slice %arg15[%dma_start3A_244] : memref<2x!tpu.dma_semaphore, #tpu.memory_space<semaphore_mem>> -> memref<1x!tpu.dma_semaphore, #tpu.memory_space<semaphore_mem>>
        %dma_start3A_256 = tpu.memref_squeeze %dma_start3A_255 : memref<1x!tpu.dma_semaphore, #tpu.memory_space<semaphore_mem>> -> memref<!tpu.dma_semaphore, #tpu.memory_space<semaphore_mem>>
        tpu.enqueue_indirect_dma source(%dma_start3A_248 : memref<128x32xf32, #tpu.memory_space<vmem>>) target(%dma_start3A_254 : memref<10240x32xf32, #tpu.memory_space<vmem_shared>>) offsets(%dma_start3A_251 : memref<128xi32, #tpu.memory_space<vmem>>) semaphore(%dma_start3A_256 : memref<!tpu.dma_semaphore, #tpu.memory_space<semaphore_mem>>) {add = true}
        %add3A_257 = arith.constant 2 : i32
        %add3A_258 = arith.addi %add3A_202, %add3A_257 : i32
        %lt3A_259 = arith.cmpi slt, %add3A_258, %add3A_3 : i32
        %convert_element_type3A_260 = arith.extui %lt3A_259 : i1 to i32
        %cond3A_261 = arith.constant 0 : i32
        %cond3A_262 = arith.cmpi ne, %convert_element_type3A_260, %cond3A_261 : i32
        scf.if %cond3A_262 {
          %add3A_263 = arith.constant 2 : i32
          %add3A_264 = arith.addi %add3A_202, %add3A_263 : i32
          %dma_start3A_265 = arith.constant 1 : i32
          %dma_start3A_266 = arith.constant 1 : i32
          %dma_start3A_267 = arith.constant 0 : i32
          %dma_start3A_268 = arith.constant 0 : i32
          %dma_start3A_269 = tpu.memref_slice %arg9[%dma_start3A_265, %dma_start3A_267, %dma_start3A_268] : memref<2x128x32xf32, #tpu.memory_space<vmem>> -> memref<1x128x32xf32, #tpu.memory_space<vmem>>
          %dma_start3A_270 = tpu.memref_squeeze %dma_start3A_269 : memref<1x128x32xf32, #tpu.memory_space<vmem>> -> memref<128x32xf32, #tpu.memory_space<vmem>>
          %dma_start3A_271 = arith.constant 0 : i32
          %dma_start3A_272 = tpu.memref_slice %arg7[%add3A_264, %dma_start3A_271] : memref<79x128xi32, #tpu.memory_space<vmem>> -> memref<1x128xi32, #tpu.memory_space<vmem>>
          %dma_start3A_273 = tpu.memref_squeeze %dma_start3A_272 : memref<1x128xi32, #tpu.memory_space<vmem>> -> memref<128xi32, #tpu.memory_space<vmem>>
          %dma_start3A_274 = arith.constant 0 : i32
          %dma_start3A_275 = arith.constant 0 : i32
          %dma_start3A_276 = tpu.memref_slice %arg2[%dma_start3A_274, %dma_start3A_275] : memref<10000x32xf32, #tpu.memory_space<hbm>> -> memref<10000x32xf32, #tpu.memory_space<hbm>>
          %dma_start3A_277 = tpu.memref_slice %arg14[%dma_start3A_266] : memref<2x!tpu.dma_semaphore, #tpu.memory_space<semaphore_mem>> -> memref<1x!tpu.dma_semaphore, #tpu.memory_space<semaphore_mem>>
          %dma_start3A_278 = tpu.memref_squeeze %dma_start3A_277 : memref<1x!tpu.dma_semaphore, #tpu.memory_space<semaphore_mem>> -> memref<!tpu.dma_semaphore, #tpu.memory_space<semaphore_mem>>
          tpu.enqueue_indirect_dma source(%dma_start3A_276 : memref<10000x32xf32, #tpu.memory_space<hbm>>) target(%dma_start3A_270 : memref<128x32xf32, #tpu.memory_space<vmem>>) offsets(%dma_start3A_273 : memref<128xi32, #tpu.memory_space<vmem>>) semaphore(%dma_start3A_278 : memref<!tpu.dma_semaphore, #tpu.memory_space<semaphore_mem>>)
          %dma_start3A_279 = arith.constant 1 : i32
          %dma_start3A_280 = arith.constant 1 : i32
          %dma_start3A_281 = arith.constant 0 : i32
          %dma_start3A_282 = arith.constant 0 : i32
          %dma_start3A_283 = tpu.memref_slice %arg10[%dma_start3A_279, %dma_start3A_281, %dma_start3A_282] : memref<2x128x16xf32, #tpu.memory_space<vmem>> -> memref<1x128x16xf32, #tpu.memory_space<vmem>>
          %dma_start3A_284 = tpu.memref_squeeze %dma_start3A_283 : memref<1x128x16xf32, #tpu.memory_space<vmem>> -> memref<128x16xf32, #tpu.memory_space<vmem>>
          %dma_start3A_285 = arith.constant 0 : i32
          %dma_start3A_286 = tpu.memref_slice %arg8[%add3A_264, %dma_start3A_285] : memref<79x128xi32, #tpu.memory_space<vmem>> -> memref<1x128xi32, #tpu.memory_space<vmem>>
          %dma_start3A_287 = tpu.memref_squeeze %dma_start3A_286 : memref<1x128xi32, #tpu.memory_space<vmem>> -> memref<128xi32, #tpu.memory_space<vmem>>
          %dma_start3A_288 = arith.constant 0 : i32
          %dma_start3A_289 = arith.constant 0 : i32
          %dma_start3A_290 = tpu.memref_slice %arg3[%dma_start3A_288, %dma_start3A_289] : memref<10000x16xf32, #tpu.memory_space<hbm>> -> memref<10000x16xf32, #tpu.memory_space<hbm>>
          %dma_start3A_291 = tpu.memref_slice %arg14[%dma_start3A_280] : memref<2x!tpu.dma_semaphore, #tpu.memory_space<semaphore_mem>> -> memref<1x!tpu.dma_semaphore, #tpu.memory_space<semaphore_mem>>
          %dma_start3A_292 = tpu.memref_squeeze %dma_start3A_291 : memref<1x!tpu.dma_semaphore, #tpu.memory_space<semaphore_mem>> -> memref<!tpu.dma_semaphore, #tpu.memory_space<semaphore_mem>>
          tpu.enqueue_indirect_dma source(%dma_start3A_290 : memref<10000x16xf32, #tpu.memory_space<hbm>>) target(%dma_start3A_284 : memref<128x16xf32, #tpu.memory_space<vmem>>) offsets(%dma_start3A_287 : memref<128xi32, #tpu.memory_space<vmem>>) semaphore(%dma_start3A_292 : memref<!tpu.dma_semaphore, #tpu.memory_space<semaphore_mem>>)
        } else {
        }
      } else {
      }
    }
    %dma_wait3A = arith.constant 0 : i32
    %dma_wait3A_108 = arith.constant 0 : i32
    %dma_wait3A_109 = arith.constant 0 : i32
    %dma_wait3A_110 = arith.constant 0 : i32
    %dma_wait3A_111 = arith.constant 0 : i32
    %dma_wait3A_112 = tpu.memref_slice %arg11[%dma_wait3A, %dma_wait3A_110, %dma_wait3A_111] : memref<2x128x32xf32, #tpu.memory_space<vmem>> -> memref<1x128x32xf32, #tpu.memory_space<vmem>>
    %dma_wait3A_113 = tpu.memref_squeeze %dma_wait3A_112 : memref<1x128x32xf32, #tpu.memory_space<vmem>> -> memref<128x32xf32, #tpu.memory_space<vmem>>
    %dma_wait3A_114 = arith.constant 0 : i32
    %dma_wait3A_115 = tpu.memref_slice %arg8[%dma_wait3A_108, %dma_wait3A_114] : memref<79x128xi32, #tpu.memory_space<vmem>> -> memref<1x128xi32, #tpu.memory_space<vmem>>
    %dma_wait3A_116 = tpu.memref_squeeze %dma_wait3A_115 : memref<1x128xi32, #tpu.memory_space<vmem>> -> memref<128xi32, #tpu.memory_space<vmem>>
    %dma_wait3A_117 = arith.constant 0 : i32
    %dma_wait3A_118 = arith.constant 0 : i32
    %dma_wait3A_119 = tpu.memref_slice %arg13[%dma_wait3A_117, %dma_wait3A_118] : memref<10240x32xf32, #tpu.memory_space<vmem_shared>> -> memref<10240x32xf32, #tpu.memory_space<vmem_shared>>
    %dma_wait3A_120 = tpu.memref_slice %arg15[%dma_wait3A_109] : memref<2x!tpu.dma_semaphore, #tpu.memory_space<semaphore_mem>> -> memref<1x!tpu.dma_semaphore, #tpu.memory_space<semaphore_mem>>
    %dma_wait3A_121 = tpu.memref_squeeze %dma_wait3A_120 : memref<1x!tpu.dma_semaphore, #tpu.memory_space<semaphore_mem>> -> memref<!tpu.dma_semaphore, #tpu.memory_space<semaphore_mem>>
    tpu.wait_indirect_dma semaphore(%dma_wait3A_121 : memref<!tpu.dma_semaphore, #tpu.memory_space<semaphore_mem>>) src(%dma_wait3A_113 : memref<128x32xf32, #tpu.memory_space<vmem>>) dst(%dma_wait3A_119 : memref<10240x32xf32, #tpu.memory_space<vmem_shared>>)
    %dma_wait3A_122 = arith.constant 1 : i32
    %dma_wait3A_123 = arith.constant 1 : i32
    %dma_wait3A_124 = arith.constant 1 : i32
    %dma_wait3A_125 = arith.constant 0 : i32
    %dma_wait3A_126 = arith.constant 0 : i32
    %dma_wait3A_127 = tpu.memref_slice %arg11[%dma_wait3A_122, %dma_wait3A_125, %dma_wait3A_126] : memref<2x128x32xf32, #tpu.memory_space<vmem>> -> memref<1x128x32xf32, #tpu.memory_space<vmem>>
    %dma_wait3A_128 = tpu.memref_squeeze %dma_wait3A_127 : memref<1x128x32xf32, #tpu.memory_space<vmem>> -> memref<128x32xf32, #tpu.memory_space<vmem>>
    %dma_wait3A_129 = arith.constant 0 : i32
    %dma_wait3A_130 = tpu.memref_slice %arg8[%dma_wait3A_123, %dma_wait3A_129] : memref<79x128xi32, #tpu.memory_space<vmem>> -> memref<1x128xi32, #tpu.memory_space<vmem>>
    %dma_wait3A_131 = tpu.memref_squeeze %dma_wait3A_130 : memref<1x128xi32, #tpu.memory_space<vmem>> -> memref<128xi32, #tpu.memory_space<vmem>>
    %dma_wait3A_132 = arith.constant 0 : i32
    %dma_wait3A_133 = arith.constant 0 : i32
    %dma_wait3A_134 = tpu.memref_slice %arg13[%dma_wait3A_132, %dma_wait3A_133] : memref<10240x32xf32, #tpu.memory_space<vmem_shared>> -> memref<10240x32xf32, #tpu.memory_space<vmem_shared>>
    %dma_wait3A_135 = tpu.memref_slice %arg15[%dma_wait3A_124] : memref<2x!tpu.dma_semaphore, #tpu.memory_space<semaphore_mem>> -> memref<1x!tpu.dma_semaphore, #tpu.memory_space<semaphore_mem>>
    %dma_wait3A_136 = tpu.memref_squeeze %dma_wait3A_135 : memref<1x!tpu.dma_semaphore, #tpu.memory_space<semaphore_mem>> -> memref<!tpu.dma_semaphore, #tpu.memory_space<semaphore_mem>>
    tpu.wait_indirect_dma semaphore(%dma_wait3A_136 : memref<!tpu.dma_semaphore, #tpu.memory_space<semaphore_mem>>) src(%dma_wait3A_128 : memref<128x32xf32, #tpu.memory_space<vmem>>) dst(%dma_wait3A_134 : memref<10240x32xf32, #tpu.memory_space<vmem_shared>>)
    %barrier3A_137 = arith.constant 0 : index
    tpu.barrier barrier_id(%barrier3A_137)
    %scan3A_138 = arith.constant 0 : i32
    %scan3A_139 = arith.constant 8 : i32
    %scan3A_140 = arith.addi %scan3A_138, %scan3A_139 : i32
    %scan3A_141 = arith.constant 1 : i32
    scf.for %scan3A_143 = %scan3A_138 to %scan3A_140 step %scan3A_141  : i32 {
      %mul3A_144 = arith.constant 1 : i32
      %mul3A_145 = arith.muli %scan3A_143, %mul3A_144 : i32
      %add3A_146 = arith.constant 0 : i32
      %add3A_147 = arith.addi %add3A_146, %mul3A_145 : i32
      %mul3A_148 = arith.constant 80 : i32
      %mul3A_149 = arith.muli %add3A_147, %mul3A_148 : i32
      %add3A_150 = arith.addi %mul3A_18, %mul3A_149 : i32
      %mul3A_151 = arith.constant 80 : i32
      %mul3A_152 = arith.muli %add3A_147, %mul3A_151 : i32
      %add3A_153 = arith.addi %mul3A_18, %mul3A_152 : i32
      "tpu.region"() ({
        %run_scoped3A = tpu.sem_alloc : memref<!tpu.dma_semaphore, #tpu.memory_space<semaphore_mem>>
        %dma_start3A_154 = arith.constant 0 : i32
        %dma_start3A_155 = tpu.memref_slice %arg6[%arg0, %add3A_153, %dma_start3A_154] : memref<2x10240x32xf32, #tpu.memory_space<hbm>> -> memref<1x80x32xf32, #tpu.memory_space<hbm>>
        %dma_start3A_156 = tpu.memref_squeeze %dma_start3A_155 : memref<1x80x32xf32, #tpu.memory_space<hbm>> -> memref<80x32xf32, #tpu.memory_space<hbm>>
        %dma_start3A_157 = arith.constant 0 : i32
        %dma_start3A_158 = tpu.memref_slice %arg13[%add3A_150, %dma_start3A_157] : memref<10240x32xf32, #tpu.memory_space<vmem_shared>> -> memref<80x32xf32, #tpu.memory_space<vmem_shared>>
        tpu.enqueue_dma source(%dma_start3A_158 : memref<80x32xf32, #tpu.memory_space<vmem_shared>>) target(%dma_start3A_156 : memref<80x32xf32, #tpu.memory_space<hbm>>) target_semaphore(%run_scoped3A : memref<!tpu.dma_semaphore, #tpu.memory_space<semaphore_mem>>)
        %dma_wait3A_159 = arith.constant 0 : i32
        %dma_wait3A_160 = tpu.memref_slice %arg6[%arg0, %add3A_153, %dma_wait3A_159] : memref<2x10240x32xf32, #tpu.memory_space<hbm>> -> memref<1x80x32xf32, #tpu.memory_space<hbm>>
        %dma_wait3A_161 = tpu.memref_squeeze %dma_wait3A_160 : memref<1x80x32xf32, #tpu.memory_space<hbm>> -> memref<80x32xf32, #tpu.memory_space<hbm>>
        %dma_wait3A_162 = arith.constant 0 : i32
        %dma_wait3A_163 = tpu.memref_slice %arg13[%add3A_150, %dma_wait3A_162] : memref<10240x32xf32, #tpu.memory_space<vmem_shared>> -> memref<80x32xf32, #tpu.memory_space<vmem_shared>>
        tpu.wait_dma2 semaphore(%run_scoped3A : memref<!tpu.dma_semaphore, #tpu.memory_space<semaphore_mem>>) src(%dma_wait3A_163 : memref<80x32xf32, #tpu.memory_space<vmem_shared>>) dst(%dma_wait3A_161 : memref<80x32xf32, #tpu.memory_space<hbm>>)
        tpu.yield
      }) : () -> ()
    }
    %scan3A_142 = arith.constant 8 : i32
    return
  }
}

module attributes {stable_mosaic.version = 14 : i64} {
  func.func @_tc1_body(%arg0: i32, %arg1: memref<2000x128xf32, #tpu.memory_space<vmem>>, %arg2: memref<128x64xf32, #tpu.memory_space<vmem>>, %arg3: memref<64x8xf32, #tpu.memory_space<vmem>>, %arg4: memref<64x8xf32, #tpu.memory_space<vmem>>, %arg5: memref<2000x80xf32, #tpu.memory_space<vmem>>, %arg6: memref<2000x16xf32, #tpu.memory_space<vmem>>) attributes {dimension_semantics = [#tpu.dimension_semantics<arbitrary>], iteration_bounds = array<i64: 5>, scalar_prefetch = 0 : i64, scratch_operands = 0 : i64, tpu.core_type = #tpu.core_type<tc>, window_params = [{transform_indices = @transform_0, window_bounds = array<i64: 2000, 128>}, {pipeline_mode = #tpu.pipeline_mode<synchronous>, transform_indices = @transform_1, window_bounds = array<i64: 128, 64>}, {pipeline_mode = #tpu.pipeline_mode<synchronous>, transform_indices = @transform_2, window_bounds = array<i64: 64, 8>}, {pipeline_mode = #tpu.pipeline_mode<synchronous>, transform_indices = @transform_3, window_bounds = array<i64: 64, 8>}, {transform_indices = @transform_4, window_bounds = array<i64: 2000, 80>}, {transform_indices = @transform_5, window_bounds = array<i64: 2000, 16>}]} {
    %get3A = arith.constant 0 : index
    %get3A_0 = arith.constant 0 : index
    %get3A_1 = vector.load %arg1[%get3A, %get3A_0] : memref<2000x128xf32, #tpu.memory_space<vmem>>, vector<2000x128xf32>
    %get3A_2 = arith.constant 0 : index
    %get3A_3 = arith.constant 0 : index
    %get3A_4 = vector.load %arg2[%get3A_2, %get3A_3] : memref<128x64xf32, #tpu.memory_space<vmem>>, vector<128x64xf32>
    %dot_general3A = arith.constant dense<0.000000e+00> : vector<2000x64xf32>
    %dot_general3A_5 = tpu.matmul %get3A_1, %get3A_4, %dot_general3A {dimension_numbers = #tpu.dot_dimension_numbers<[1], [0], [0], [1], [0, 0, 1, 1], [], []>, transpose_lhs_hint = false} : vector<2000x128xf32>, vector<128x64xf32>, vector<2000x64xf32> -> vector<2000x64xf32>
    %get3A_6 = arith.constant 0 : index
    %get3A_7 = arith.constant 0 : index
    %get3A_8 = vector.load %arg3[%get3A_6, %get3A_7] : memref<64x8xf32, #tpu.memory_space<vmem>>, vector<64x8xf32>
    %dot_general3A_9 = arith.constant dense<0.000000e+00> : vector<2000x8xf32>
    %dot_general3A_10 = tpu.matmul %dot_general3A_5, %get3A_8, %dot_general3A_9 {dimension_numbers = #tpu.dot_dimension_numbers<[1], [0], [0], [1], [0, 0, 1, 1], [], []>, transpose_lhs_hint = false} : vector<2000x64xf32>, vector<64x8xf32>, vector<2000x8xf32> -> vector<2000x8xf32>
    %get3A_11 = arith.constant 0 : index
    %get3A_12 = arith.constant 0 : index
    %get3A_13 = vector.load %arg4[%get3A_11, %get3A_12] : memref<64x8xf32, #tpu.memory_space<vmem>>, vector<64x8xf32>
    %dot_general3A_14 = arith.constant dense<0.000000e+00> : vector<2000x8xf32>
    %dot_general3A_15 = tpu.matmul %dot_general3A_5, %get3A_13, %dot_general3A_14 {dimension_numbers = #tpu.dot_dimension_numbers<[1], [0], [0], [1], [0, 0, 1, 1], [], []>, transpose_lhs_hint = false} : vector<2000x64xf32>, vector<64x8xf32>, vector<2000x8xf32> -> vector<2000x8xf32>
    %swap3A = arith.constant 0 : index
    %swap3A_16 = arith.constant 0 : index
    %swap3A_17 = vector.load %arg5[%swap3A, %swap3A_16] : memref<2000x80xf32, #tpu.memory_space<vmem>>, vector<2000x64xf32>
    tpu.vector_store %arg5[%swap3A, %swap3A_16], %dot_general3A_5 {strides = array<i32>} : memref<2000x80xf32, #tpu.memory_space<vmem>>, vector<2000x64xf32>,
    %swap3A_18 = arith.constant 0 : index
    %swap3A_19 = arith.constant 64 : index
    %swap3A_20 = vector.load %arg5[%swap3A_18, %swap3A_19] : memref<2000x80xf32, #tpu.memory_space<vmem>>, vector<2000x8xf32>
    tpu.vector_store %arg5[%swap3A_18, %swap3A_19], %dot_general3A_10 {strides = array<i32>} : memref<2000x80xf32, #tpu.memory_space<vmem>>, vector<2000x8xf32>,
    %swap3A_21 = arith.constant 0 : index
    %swap3A_22 = arith.constant 72 : index
    %swap3A_23 = vector.load %arg5[%swap3A_21, %swap3A_22] : memref<2000x80xf32, #tpu.memory_space<vmem>>, vector<2000x8xf32>
    tpu.vector_store %arg5[%swap3A_21, %swap3A_22], %dot_general3A_15 {strides = array<i32>} : memref<2000x80xf32, #tpu.memory_space<vmem>>, vector<2000x8xf32>,
    %swap3A_24 = arith.constant 0 : index
    %swap3A_25 = arith.constant 0 : index
    %swap3A_26 = vector.load %arg6[%swap3A_24, %swap3A_25] : memref<2000x16xf32, #tpu.memory_space<vmem>>, vector<2000x8xf32>
    tpu.vector_store %arg6[%swap3A_24, %swap3A_25], %dot_general3A_15 {strides = array<i32>} : memref<2000x16xf32, #tpu.memory_space<vmem>>, vector<2000x8xf32>,
    %swap3A_27 = arith.constant 0 : index
    %swap3A_28 = arith.constant 8 : index
    %swap3A_29 = vector.load %arg6[%swap3A_27, %swap3A_28] : memref<2000x16xf32, #tpu.memory_space<vmem>>, vector<2000x8xf32>
    tpu.vector_store %arg6[%swap3A_27, %swap3A_28], %dot_general3A_10 {strides = array<i32>} : memref<2000x16xf32, #tpu.memory_space<vmem>>, vector<2000x8xf32>,
    return
  }
  func.func @transform_0(%arg0: i32) -> (i32, i32) {
    %c0_i32 = arith.constant 0 : i32
    %c0_i32_0 = arith.constant 0 : i32
    return %arg0, %c0_i32 : i32, i32
  }
  func.func @transform_1(%arg0: i32) -> (i32, i32) {
    %c0_i32 = arith.constant 0 : i32
    %c0_i32_0 = arith.constant 0 : i32
    %c0_i32_1 = arith.constant 0 : i32
    return %c0_i32, %c0_i32_0 : i32, i32
  }
  func.func @transform_2(%arg0: i32) -> (i32, i32) {
    %c0_i32 = arith.constant 0 : i32
    %c0_i32_0 = arith.constant 0 : i32
    %c0_i32_1 = arith.constant 0 : i32
    return %c0_i32, %c0_i32_0 : i32, i32
  }
  func.func @transform_3(%arg0: i32) -> (i32, i32) {
    %c0_i32 = arith.constant 0 : i32
    %c0_i32_0 = arith.constant 0 : i32
    %c0_i32_1 = arith.constant 0 : i32
    return %c0_i32, %c0_i32_0 : i32, i32
  }
  func.func @transform_4(%arg0: i32) -> (i32, i32) {
    %c0_i32 = arith.constant 0 : i32
    %c0_i32_0 = arith.constant 0 : i32
    return %arg0, %c0_i32 : i32, i32
  }
  func.func @transform_5(%arg0: i32) -> (i32, i32) {
    %c0_i32 = arith.constant 0 : i32
    %c0_i32_0 = arith.constant 0 : i32
    return %arg0, %c0_i32 : i32, i32
  }
}

module attributes {stable_mosaic.version = 14 : i64} {
  func.func @_tc2_body(%arg0: i32, %arg1: memref<2x2000x80xf32, #tpu.memory_space<vmem>>, %arg2: memref<2000x80xf32, #tpu.memory_space<vmem>>, %arg3: memref<1x64xf32, #tpu.memory_space<vmem>>, %arg4: memref<64x16xf32, #tpu.memory_space<vmem>>, %arg5: memref<1x16xf32, #tpu.memory_space<vmem>>, %arg6: memref<1x16xf32, #tpu.memory_space<vmem>>, %arg7: memref<8x64xf32, #tpu.memory_space<vmem>>, %arg8: memref<2000x32xf32, #tpu.memory_space<vmem>>, %arg9: memref<2000x16xf32, #tpu.memory_space<vmem>>) attributes {dimension_semantics = [#tpu.dimension_semantics<arbitrary>], iteration_bounds = array<i64: 5>, scalar_prefetch = 0 : i64, scratch_operands = 0 : i64, tpu.core_type = #tpu.core_type<tc>, window_params = [{transform_indices = @transform_0, window_bounds = array<i64: 2, 2000, 80>}, {transform_indices = @transform_1, window_bounds = array<i64: 2000, 80>}, {pipeline_mode = #tpu.pipeline_mode<synchronous>, transform_indices = @transform_2, window_bounds = array<i64: 1, 64>}, {pipeline_mode = #tpu.pipeline_mode<synchronous>, transform_indices = @transform_3, window_bounds = array<i64: 64, 16>}, {pipeline_mode = #tpu.pipeline_mode<synchronous>, transform_indices = @transform_4, window_bounds = array<i64: 1, 16>}, {pipeline_mode = #tpu.pipeline_mode<synchronous>, transform_indices = @transform_5, window_bounds = array<i64: 1, 16>}, {pipeline_mode = #tpu.pipeline_mode<synchronous>, transform_indices = @transform_6, window_bounds = array<i64: 8, 64>}, {transform_indices = @transform_7, window_bounds = array<i64: 2000, 32>}, {transform_indices = @transform_8, window_bounds = array<i64: 2000, 16>}]} {
    %get3A = arith.constant 0 : index
    %get3A_0 = arith.constant 0 : index
    %get3A_1 = vector.load %arg2[%get3A, %get3A_0] : memref<2000x80xf32, #tpu.memory_space<vmem>>, vector<2000x64xf32>
    %get3A_2 = arith.constant 0 : index
    %get3A_3 = arith.constant 64 : index
    %get3A_4 = vector.load %arg2[%get3A_2, %get3A_3] : memref<2000x80xf32, #tpu.memory_space<vmem>>, vector<2000x8xf32>
    %get3A_5 = arith.constant 0 : index
    %get3A_6 = arith.constant 72 : index
    %get3A_7 = vector.load %arg2[%get3A_5, %get3A_6] : memref<2000x80xf32, #tpu.memory_space<vmem>>, vector<2000x8xf32>
    %add3A = arith.addf %get3A_4, %get3A_7 : vector<2000x8xf32>
    %mul3A = arith.constant 2.000000e-01 : f32
    %mul3A_8 = vector.broadcast %mul3A : f32 to vector<2000x8xf32>
    %mul3A_9 = arith.mulf %mul3A_8, %add3A : vector<2000x8xf32>
    %max3A = arith.maximumf %add3A, %mul3A_9 : vector<2000x8xf32>
    %exp3A = math.exp %max3A : vector<2000x8xf32>
    %get3A_10 = arith.constant 0 : index
    %get3A_11 = arith.constant 0 : index
    %get3A_12 = vector.load %arg7[%get3A_10, %get3A_11] : memref<8x64xf32, #tpu.memory_space<vmem>>, vector<8x64xf32>
    %get3A_13 = arith.constant 0 : index
    %get3A_14 = arith.constant 0 : index
    %get3A_15 = arith.constant 0 : index
    %get3A_16 = vector.load %arg1[%get3A_13, %get3A_14, %get3A_15] : memref<2x2000x80xf32, #tpu.memory_space<vmem>>, vector<1x2000x64xf32>
    %get3A_17 = vector.shape_cast %get3A_16 : vector<1x2000x64xf32> to vector<2000x64xf32>
    %get3A_18 = arith.constant 1 : index
    %get3A_19 = arith.constant 0 : index
    %get3A_20 = arith.constant 0 : index
    %get3A_21 = vector.load %arg1[%get3A_18, %get3A_19, %get3A_20] : memref<2x2000x80xf32, #tpu.memory_space<vmem>>, vector<1x2000x64xf32>
    %get3A_22 = vector.shape_cast %get3A_21 : vector<1x2000x64xf32> to vector<2000x64xf32>
    %add3A_23 = arith.addf %get3A_17, %get3A_22 : vector<2000x64xf32>
    %dot_general3A = arith.constant dense<0.000000e+00> : vector<2000x64xf32>
    %dot_general3A_24 = tpu.matmul %exp3A, %get3A_12, %dot_general3A {dimension_numbers = #tpu.dot_dimension_numbers<[1], [0], [0], [1], [0, 0, 1, 1], [], []>, precision = #tpu.contract_precision<fp32>, transpose_lhs_hint = false} : vector<2000x8xf32>, vector<8x64xf32>, vector<2000x64xf32> -> vector<2000x64xf32>
    %mul3A_25 = arith.mulf %dot_general3A_24, %get3A_1 : vector<2000x64xf32>
    %add3A_26 = arith.addf %add3A_23, %mul3A_25 : vector<2000x64xf32>
    %get3A_27 = arith.constant 0 : index
    %get3A_28 = arith.constant 0 : index
    %get3A_29 = arith.constant 64 : index
    %get3A_30 = vector.load %arg1[%get3A_27, %get3A_28, %get3A_29] : memref<2x2000x80xf32, #tpu.memory_space<vmem>>, vector<1x2000x8xf32>
    %get3A_31 = vector.shape_cast %get3A_30 : vector<1x2000x8xf32> to vector<2000x8xf32>
    %get3A_32 = arith.constant 1 : index
    %get3A_33 = arith.constant 0 : index
    %get3A_34 = arith.constant 64 : index
    %get3A_35 = vector.load %arg1[%get3A_32, %get3A_33, %get3A_34] : memref<2x2000x80xf32, #tpu.memory_space<vmem>>, vector<1x2000x8xf32>
    %get3A_36 = vector.shape_cast %get3A_35 : vector<1x2000x8xf32> to vector<2000x8xf32>
    %add3A_37 = arith.addf %get3A_31, %get3A_36 : vector<2000x8xf32>
    %add3A_38 = arith.addf %add3A_37, %exp3A : vector<2000x8xf32>
    %dot_general3A_39 = arith.constant dense<0.000000e+00> : vector<2000x64xf32>
    %dot_general3A_40 = tpu.matmul %add3A_38, %get3A_12, %dot_general3A_39 {dimension_numbers = #tpu.dot_dimension_numbers<[1], [0], [0], [1], [0, 0, 1, 1], [], []>, precision = #tpu.contract_precision<fp32>, transpose_lhs_hint = false} : vector<2000x8xf32>, vector<8x64xf32>, vector<2000x64xf32> -> vector<2000x64xf32>
    %add3A_41 = arith.constant 1.000000e-16 : f32
    %add3A_42 = vector.broadcast %add3A_41 : f32 to vector<2000x64xf32>
    %add3A_43 = arith.addf %dot_general3A_40, %add3A_42 : vector<2000x64xf32>
    %div3A = arith.divf %add3A_26, %add3A_43 : vector<2000x64xf32>
    %get3A_44 = arith.constant 0 : index
    %get3A_45 = arith.constant 0 : index
    %get3A_46 = vector.load %arg3[%get3A_44, %get3A_45] : memref<1x64xf32, #tpu.memory_space<vmem>>, vector<1x64xf32>
    %add3A_47 = vector.broadcast %get3A_46 : vector<1x64xf32> to vector<2000x64xf32>
    %add3A_48 = arith.addf %div3A, %add3A_47 : vector<2000x64xf32>
    %gt3A = arith.constant 0.000000e+00 : f32
    %gt3A_49 = vector.broadcast %gt3A : f32 to vector<2000x64xf32>
    %gt3A_50 = arith.cmpf ogt, %add3A_48, %gt3A_49 : vector<2000x64xf32>
    %min3A = arith.constant 0.000000e+00 : f32
    %min3A_51 = vector.broadcast %min3A : f32 to vector<2000x64xf32>
    %min3A_52 = arith.minimumf %add3A_48, %min3A_51 : vector<2000x64xf32>
    %exp3A_53 = math.exp %min3A_52 : vector<2000x64xf32>
    %sub3A = arith.constant 1.000000e+00 : f32
    %sub3A_54 = vector.broadcast %sub3A : f32 to vector<2000x64xf32>
    %sub3A_55 = arith.subf %exp3A_53, %sub3A_54 : vector<2000x64xf32>
    %select_n3A = arith.select %gt3A_50, %add3A_48, %sub3A_55 : vector<2000x64xi1>, vector<2000x64xf32>
    %get3A_56 = arith.constant 0 : index
    %get3A_57 = arith.constant 0 : index
    %get3A_58 = vector.load %arg4[%get3A_56, %get3A_57] : memref<64x16xf32, #tpu.memory_space<vmem>>, vector<64x16xf32>
    %dot_general3A_59 = arith.constant dense<0.000000e+00> : vector<2000x16xf32>
    %dot_general3A_60 = tpu.matmul %select_n3A, %get3A_58, %dot_general3A_59 {dimension_numbers = #tpu.dot_dimension_numbers<[1], [0], [0], [1], [0, 0, 1, 1], [], []>, transpose_lhs_hint = false} : vector<2000x64xf32>, vector<64x16xf32>, vector<2000x16xf32> -> vector<2000x16xf32>
    %get3A_61 = arith.constant 0 : index
    %get3A_62 = arith.constant 0 : index
    %get3A_63 = vector.load %arg5[%get3A_61, %get3A_62] : memref<1x16xf32, #tpu.memory_space<vmem>>, vector<1x16xf32>
    %mul3A_64 = vector.broadcast %get3A_63 : vector<1x16xf32> to vector<2000x16xf32>
    %mul3A_65 = arith.mulf %dot_general3A_60, %mul3A_64 : vector<2000x16xf32>
    %reduce_sum3A = arith.constant dense<0.000000e+00> : vector<2000xf32>
    %reduce_sum3A_66 = vector.multi_reduction <add>, %mul3A_65, %reduce_sum3A [1] : vector<2000x16xf32> to vector<2000xf32>
    %broadcast_in_dim3A = vector.shape_cast %reduce_sum3A_66 : vector<2000xf32> to vector<2000x1xf32>
    %get3A_67 = arith.constant 0 : index
    %get3A_68 = arith.constant 0 : index
    %get3A_69 = vector.load %arg6[%get3A_67, %get3A_68] : memref<1x16xf32, #tpu.memory_space<vmem>>, vector<1x16xf32>
    %mul3A_70 = vector.broadcast %get3A_69 : vector<1x16xf32> to vector<2000x16xf32>
    %mul3A_71 = arith.mulf %dot_general3A_60, %mul3A_70 : vector<2000x16xf32>
    %reduce_sum3A_72 = arith.constant dense<0.000000e+00> : vector<2000xf32>
    %reduce_sum3A_73 = vector.multi_reduction <add>, %mul3A_71, %reduce_sum3A_72 [1] : vector<2000x16xf32> to vector<2000xf32>
    %broadcast_in_dim3A_74 = vector.shape_cast %reduce_sum3A_73 : vector<2000xf32> to vector<2000x1xf32>
    %swap3A = arith.constant 0 : index
    %swap3A_75 = arith.constant 0 : index
    %swap3A_76 = vector.load %arg8[%swap3A, %swap3A_75] : memref<2000x32xf32, #tpu.memory_space<vmem>>, vector<2000x16xf32>
    tpu.vector_store %arg8[%swap3A, %swap3A_75], %dot_general3A_60 {strides = array<i32>} : memref<2000x32xf32, #tpu.memory_space<vmem>>, vector<2000x16xf32>,
    %broadcast_in_dim3A_77 = vector.shape_cast %broadcast_in_dim3A : vector<2000x1xf32> to vector<2000x1xf32>
    %broadcast_in_dim3A_78 = vector.broadcast %broadcast_in_dim3A_77 : vector<2000x1xf32> to vector<2000x16xf32>
    %swap3A_79 = arith.constant 0 : index
    %swap3A_80 = arith.constant 16 : index
    %swap3A_81 = vector.load %arg8[%swap3A_79, %swap3A_80] : memref<2000x32xf32, #tpu.memory_space<vmem>>, vector<2000x16xf32>
    tpu.vector_store %arg8[%swap3A_79, %swap3A_80], %broadcast_in_dim3A_78 {strides = array<i32>} : memref<2000x32xf32, #tpu.memory_space<vmem>>, vector<2000x16xf32>,
    %broadcast_in_dim3A_82 = vector.shape_cast %broadcast_in_dim3A_74 : vector<2000x1xf32> to vector<2000x1xf32>
    %broadcast_in_dim3A_83 = vector.broadcast %broadcast_in_dim3A_82 : vector<2000x1xf32> to vector<2000x16xf32>
    %swap3A_84 = arith.constant 0 : index
    %swap3A_85 = arith.constant 0 : index
    %swap3A_86 = vector.load %arg9[%swap3A_84, %swap3A_85] : memref<2000x16xf32, #tpu.memory_space<vmem>>, vector<2000x16xf32>
    tpu.vector_store %arg9[%swap3A_84, %swap3A_85], %broadcast_in_dim3A_83 {strides = array<i32>} : memref<2000x16xf32, #tpu.memory_space<vmem>>, vector<2000x16xf32>,
    return
  }
  func.func @transform_0(%arg0: i32) -> (i32, i32, i32) {
    %c0_i32 = arith.constant 0 : i32
    %c0_i32_0 = arith.constant 0 : i32
    %c0_i32_1 = arith.constant 0 : i32
    return %c0_i32, %arg0, %c0_i32_0 : i32, i32, i32
  }
  func.func @transform_1(%arg0: i32) -> (i32, i32) {
    %c0_i32 = arith.constant 0 : i32
    %c0_i32_0 = arith.constant 0 : i32
    return %arg0, %c0_i32 : i32, i32
  }
  func.func @transform_2(%arg0: i32) -> (i32, i32) {
    %c0_i32 = arith.constant 0 : i32
    %c0_i32_0 = arith.constant 0 : i32
    %c0_i32_1 = arith.constant 0 : i32
    return %c0_i32, %c0_i32_0 : i32, i32
  }
  func.func @transform_3(%arg0: i32) -> (i32, i32) {
    %c0_i32 = arith.constant 0 : i32
    %c0_i32_0 = arith.constant 0 : i32
    %c0_i32_1 = arith.constant 0 : i32
    return %c0_i32, %c0_i32_0 : i32, i32
  }
  func.func @transform_4(%arg0: i32) -> (i32, i32) {
    %c0_i32 = arith.constant 0 : i32
    %c0_i32_0 = arith.constant 0 : i32
    %c0_i32_1 = arith.constant 0 : i32
    return %c0_i32, %c0_i32_0 : i32, i32
  }
  func.func @transform_5(%arg0: i32) -> (i32, i32) {
    %c0_i32 = arith.constant 0 : i32
    %c0_i32_0 = arith.constant 0 : i32
    %c0_i32_1 = arith.constant 0 : i32
    return %c0_i32, %c0_i32_0 : i32, i32
  }
  func.func @transform_6(%arg0: i32) -> (i32, i32) {
    %c0_i32 = arith.constant 0 : i32
    %c0_i32_0 = arith.constant 0 : i32
    %c0_i32_1 = arith.constant 0 : i32
    return %c0_i32, %c0_i32_0 : i32, i32
  }
  func.func @transform_7(%arg0: i32) -> (i32, i32) {
    %c0_i32 = arith.constant 0 : i32
    %c0_i32_0 = arith.constant 0 : i32
    return %arg0, %c0_i32 : i32, i32
  }
  func.func @transform_8(%arg0: i32) -> (i32, i32) {
    %c0_i32 = arith.constant 0 : i32
    %c0_i32_0 = arith.constant 0 : i32
    return %arg0, %c0_i32 : i32, i32
  }
}

module attributes {stable_mosaic.version = 14 : i64} {
  func.func @_tc3_body(%arg0: i32, %arg1: memref<2x2000x32xf32, #tpu.memory_space<vmem>>, %arg2: memref<2000x32xf32, #tpu.memory_space<vmem>>, %arg3: memref<2000x16xf32, #tpu.memory_space<vmem>>, %arg4: memref<1x16xf32, #tpu.memory_space<vmem>>, %arg5: memref<2000x16xf32, #tpu.memory_space<vmem>>) attributes {dimension_semantics = [#tpu.dimension_semantics<arbitrary>], iteration_bounds = array<i64: 5>, scalar_prefetch = 0 : i64, scratch_operands = 0 : i64, tpu.core_type = #tpu.core_type<tc>, window_params = [{transform_indices = @transform_0, window_bounds = array<i64: 2, 2000, 32>}, {transform_indices = @transform_1, window_bounds = array<i64: 2000, 32>}, {transform_indices = @transform_2, window_bounds = array<i64: 2000, 16>}, {pipeline_mode = #tpu.pipeline_mode<synchronous>, transform_indices = @transform_3, window_bounds = array<i64: 1, 16>}, {transform_indices = @transform_4, window_bounds = array<i64: 2000, 16>}]} {
    %get3A = arith.constant 0 : index
    %get3A_0 = arith.constant 0 : index
    %get3A_1 = vector.load %arg2[%get3A, %get3A_0] : memref<2000x32xf32, #tpu.memory_space<vmem>>, vector<2000x16xf32>
    %get3A_2 = arith.constant 0 : index
    %get3A_3 = arith.constant 16 : index
    %get3A_4 = vector.load %arg2[%get3A_2, %get3A_3] : memref<2000x32xf32, #tpu.memory_space<vmem>>, vector<2000x16xf32>
    %get3A_5 = arith.constant 0 : index
    %get3A_6 = arith.constant 0 : index
    %get3A_7 = vector.load %arg3[%get3A_5, %get3A_6] : memref<2000x16xf32, #tpu.memory_space<vmem>>, vector<2000x16xf32>
    %add3A = arith.addf %get3A_4, %get3A_7 : vector<2000x16xf32>
    %mul3A = arith.constant 2.000000e-01 : f32
    %mul3A_8 = vector.broadcast %mul3A : f32 to vector<2000x16xf32>
    %mul3A_9 = arith.mulf %mul3A_8, %add3A : vector<2000x16xf32>
    %max3A = arith.maximumf %add3A, %mul3A_9 : vector<2000x16xf32>
    %exp3A = math.exp %max3A : vector<2000x16xf32>
    %get3A_10 = arith.constant 0 : index
    %get3A_11 = arith.constant 0 : index
    %get3A_12 = arith.constant 0 : index
    %get3A_13 = vector.load %arg1[%get3A_10, %get3A_11, %get3A_12] : memref<2x2000x32xf32, #tpu.memory_space<vmem>>, vector<1x2000x16xf32>
    %get3A_14 = vector.shape_cast %get3A_13 : vector<1x2000x16xf32> to vector<2000x16xf32>
    %get3A_15 = arith.constant 1 : index
    %get3A_16 = arith.constant 0 : index
    %get3A_17 = arith.constant 0 : index
    %get3A_18 = vector.load %arg1[%get3A_15, %get3A_16, %get3A_17] : memref<2x2000x32xf32, #tpu.memory_space<vmem>>, vector<1x2000x16xf32>
    %get3A_19 = vector.shape_cast %get3A_18 : vector<1x2000x16xf32> to vector<2000x16xf32>
    %add3A_20 = arith.addf %get3A_14, %get3A_19 : vector<2000x16xf32>
    %mul3A_21 = arith.mulf %exp3A, %get3A_1 : vector<2000x16xf32>
    %add3A_22 = arith.addf %add3A_20, %mul3A_21 : vector<2000x16xf32>
    %get3A_23 = arith.constant 0 : index
    %get3A_24 = arith.constant 0 : index
    %get3A_25 = arith.constant 16 : index
    %get3A_26 = vector.load %arg1[%get3A_23, %get3A_24, %get3A_25] : memref<2x2000x32xf32, #tpu.memory_space<vmem>>, vector<1x2000x16xf32>
    %get3A_27 = vector.shape_cast %get3A_26 : vector<1x2000x16xf32> to vector<2000x16xf32>
    %get3A_28 = arith.constant 1 : index
    %get3A_29 = arith.constant 0 : index
    %get3A_30 = arith.constant 16 : index
    %get3A_31 = vector.load %arg1[%get3A_28, %get3A_29, %get3A_30] : memref<2x2000x32xf32, #tpu.memory_space<vmem>>, vector<1x2000x16xf32>
    %get3A_32 = vector.shape_cast %get3A_31 : vector<1x2000x16xf32> to vector<2000x16xf32>
    %add3A_33 = arith.addf %get3A_27, %get3A_32 : vector<2000x16xf32>
    %add3A_34 = arith.addf %add3A_33, %exp3A : vector<2000x16xf32>
    %add3A_35 = arith.constant 1.000000e-16 : f32
    %add3A_36 = vector.broadcast %add3A_35 : f32 to vector<2000x16xf32>
    %add3A_37 = arith.addf %add3A_34, %add3A_36 : vector<2000x16xf32>
    %div3A = arith.divf %add3A_22, %add3A_37 : vector<2000x16xf32>
    %get3A_38 = arith.constant 0 : index
    %get3A_39 = arith.constant 0 : index
    %get3A_40 = vector.load %arg4[%get3A_38, %get3A_39] : memref<1x16xf32, #tpu.memory_space<vmem>>, vector<1x16xf32>
    %add3A_41 = vector.broadcast %get3A_40 : vector<1x16xf32> to vector<2000x16xf32>
    %add3A_42 = arith.addf %div3A, %add3A_41 : vector<2000x16xf32>
    %reduce_max3A = arith.constant dense<0xFF800000> : vector<2000xf32>
    %reduce_max3A_43 = vector.multi_reduction <maximumf>, %add3A_42, %reduce_max3A [1] : vector<2000x16xf32> to vector<2000xf32>
    %broadcast_in_dim3A = vector.shape_cast %reduce_max3A_43 : vector<2000xf32> to vector<2000x1xf32>
    %sub3A = vector.broadcast %broadcast_in_dim3A : vector<2000x1xf32> to vector<2000x16xf32>
    %sub3A_44 = arith.subf %add3A_42, %sub3A : vector<2000x16xf32>
    %exp3A_45 = math.exp %sub3A_44 : vector<2000x16xf32>
    %reduce_sum3A = arith.constant dense<0.000000e+00> : vector<2000xf32>
    %reduce_sum3A_46 = vector.multi_reduction <add>, %exp3A_45, %reduce_sum3A [1] : vector<2000x16xf32> to vector<2000xf32>
    %broadcast_in_dim3A_47 = vector.shape_cast %reduce_sum3A_46 : vector<2000xf32> to vector<2000x1xf32>
    %log3A = math.log %broadcast_in_dim3A_47 : vector<2000x1xf32>
    %sub3A_48 = vector.broadcast %broadcast_in_dim3A : vector<2000x1xf32> to vector<2000x16xf32>
    %sub3A_49 = arith.subf %add3A_42, %sub3A_48 : vector<2000x16xf32>
    %sub3A_50 = vector.broadcast %log3A : vector<2000x1xf32> to vector<2000x16xf32>
    %sub3A_51 = arith.subf %sub3A_49, %sub3A_50 : vector<2000x16xf32>
    %swap3A = arith.constant 0 : index
    %swap3A_52 = arith.constant 0 : index
    %swap3A_53 = vector.load %arg5[%swap3A, %swap3A_52] : memref<2000x16xf32, #tpu.memory_space<vmem>>, vector<2000x16xf32>
    tpu.vector_store %arg5[%swap3A, %swap3A_52], %sub3A_51 {strides = array<i32>} : memref<2000x16xf32, #tpu.memory_space<vmem>>, vector<2000x16xf32>,
    return
  }
  func.func @transform_0(%arg0: i32) -> (i32, i32, i32) {
    %c0_i32 = arith.constant 0 : i32
    %c0_i32_0 = arith.constant 0 : i32
    %c0_i32_1 = arith.constant 0 : i32
    return %c0_i32, %arg0, %c0_i32_0 : i32, i32, i32
  }
  func.func @transform_1(%arg0: i32) -> (i32, i32) {
    %c0_i32 = arith.constant 0 : i32
    %c0_i32_0 = arith.constant 0 : i32
    return %arg0, %c0_i32 : i32, i32
  }
  func.func @transform_2(%arg0: i32) -> (i32, i32) {
    %c0_i32 = arith.constant 0 : i32
    %c0_i32_0 = arith.constant 0 : i32
    return %arg0, %c0_i32 : i32, i32
  }
  func.func @transform_3(%arg0: i32) -> (i32, i32) {
    %c0_i32 = arith.constant 0 : i32
    %c0_i32_0 = arith.constant 0 : i32
    %c0_i32_1 = arith.constant 0 : i32
    return %c0_i32, %c0_i32_0 : i32, i32
  }
  func.func @transform_4(%arg0: i32) -> (i32, i32) {
    %c0_i32 = arith.constant 0 : i32
    %c0_i32_0 = arith.constant 0 : i32
    return %arg0, %c0_i32 : i32, i32
  }
}

</mosaic_0001>

<sc_bundles>
// kernel: kernel.10.cloned.1.call-start
scs
__scs_entry_jumppad:
0x0: {  	(pc) =	sbr.rel $0x88, $3  }
0x1: {  	(tag) =	ssettag $0x0;
	lr =	simm.s32 $0x1  }
0x2: {  	[smem:$0x3F97] =	sst lr;
	_ =	strace $0xD0000000  }
0x3: {  	_ = 	snop  }
0x4: {  	_ = 	snop  }
0x5: {  	_ = 	snop  }
0x6: {  	_ = 	snop  }
0x7: {  	_ = 	snop  }
__scs_overlays_trampoline_lowered:
0x8: {  	[smem:$0x3FA6] =	sst s0  }
0x9: {  	[smem:$0x3FA7] =	sst s1  }
0xa: {  	[smem:$0x3FA8] =	sst s2  }
0xb: {  	[smem:$0x3FA9] =	sst s3  }
0xc: {  	[smem:$0x3FAA] =	sst s4  }
0xd: {  	[smem:$0x3FAB] =	sst s5  }
0xe: {  	[smem:$0x3FAC] =	sst s6  }
0xf: {  	[smem:$0x3FAD] =	sst s7  }
0x10: {  	[smem:$0x3FAE] =	sst s8  }
0x11: {  	[smem:$0x3FAF] =	sst s9;
	s0 =	simm.s32 @!p0 $0x0  }
0x12: {  	s1 =	sld [smem:$0x3F95];
	s0 =	simm.s32 @p0 $0x1  }
0x13: {  	[smem:$0x3FB0] =	sst s0;
	s0 =	simm.s32 @!p1 $0x0  }
0x14: {  	s2 =	sld [smem:$0x3F94];
	s0 =	simm.s32 @p1 $0x1  }
0x15: {  	[smem:$0x3FB1] =	sst s0;
	s0 =	simm.s32 @!p2 $0x0  }
0x16: {  	s3 =	sld [smem:$0x3FDB];
	s0 =	simm.s32 @p2 $0x1  }
0x17: {  	s4 =	simm.s32 $0x1BF5;
	[smem:$0x3FB3] =	sst s0  }
0x18: {  	s0 =	sld [smem:$0x3F96];
	_ =	swait.ge [sflag:s4], $0x0  }
0x19: {  	s7 =	sld [smem:$0x3F97]  }
0x1a: {  	s8 =	sadd.s32 $0xFFFFE003, lr  }
0x1b: {  	s9 =	sadd.s32 $0xFFFFFEF7, lr;
	s5 =	simm.s32 $0xFFFFFFFF;
	p2 =	slt.u32 s8, $0xFFFFF086  }
0x1c: {  	p1 =	slt.u32 s9, $0xF7A;
	s5 =	simm.s32 @!p2 $0x0  }
0x1d: {  	s5 =	simm.s32 @p1 $0x1;
	p0 =	seq.s32 s7, s2  }
0x1e: {  	s7 =	smul.u32 @!p0 $0xF7A, s2;
	p2 =	seq.s32 @!p0 s5, $0x0  }
0x1f: {  	s9 =	smul.u32 $0xF7A, s1;
	s8 =	simm.s32 @!p0 $0x1BF5;
	p2 =	por !p2, p0  }
0x20: {  	[sflag:s8] =	ssyncset.s32 @!p0 $0xFFFFF086;
	s6 =	sadd.s32 @!p0 s3, s7;
	s7 =	simm.s32 @!p0 $0x108  }
0x21: {  	s3 =	sadd.s32 s3, s9;
	s6 =	sadd.s32 @!p0 $0x88, s6;
	s7 =	simm.s32 @p2 $0x1082  }
0x22: {  	[simem:s7], [sflag:s8] =	dma.local @!p0 [hbm:s6], $0xF7A  }
0x23: {  	s9 =	sor.u32 $0xD0000000, s2;
	s6 =	simm.s32 $0x108;
	_ =	swait.ge @!p0 [sflag:s8], $0x0  }
0x24: {  	s3 =	sadd.s32 $0x88, s3;
	s6 =	simm.s32 @!p1 $0x1082;
	[sflag:s4] =	ssyncset.s32 $0xFFFFF086  }
0x25: {  	[simem:s6], [sflag:s4] =	dma.local [hbm:s3], $0xF7A  }
0x26: {  	[smem:$0x3F97] =	sst s1;
	(tag) =	ssettag s2;
	_ =	strace s9  }
0x27: {  	s1 =	sld [smem:$0x3FA7]  }
0x28: {  	s2 =	sld [smem:$0x3FA8]  }
0x29: {  	s4 =	sld [smem:$0x3FAA]  }
0x2a: {  	p0 =	seq.s32 s5, $0x0;
	s5 =	sld [smem:$0x3FAB]  }
0x2b: {  	s6 =	sld [smem:$0x3FAC]  }
0x2c: {  	s7 =	sld [smem:$0x3FAD]  }
0x2d: {  	s3 =	simm.s32 $0x108;
	s8 =	sld [smem:$0x3FAE]  }
0x2e: {  	s3 =	simm.s32 @!p0 $0x1082;
	s9 =	sld [smem:$0x3FAF]  }
0x2f: {  	lr =	sadd.s32 s0, s3;
	s0 =	sld [smem:$0x3FA6]  }
0x30: {  	s3 =	sld [smem:$0x3FA9]  }
0x31: {  	[smem:$0x3FB2] =	sst s10  }
0x32: {  	s10 =	sld [smem:$0x3FB0];
	_ =	sdelay $0x3  }
0x33: {  	p0 =	seq.s32 s10, $0x1;
	s10 =	sld [smem:$0x3FB2];
	_ =	sdelay $0x3  }
0x34: {  	[smem:$0x3FB2] =	sst s10  }
0x35: {  	s10 =	sld [smem:$0x3FB1];
	_ =	sdelay $0x3  }
0x36: {  	p1 =	seq.s32 s10, $0x1;
	s10 =	sld [smem:$0x3FB2];
	_ =	sdelay $0x3  }
0x37: {  	[smem:$0x3FB2] =	sst s10  }
0x38: {  	s10 =	sld [smem:$0x3FB3]  }
0x39: {  	_ = 	snop;
	(pc) =	sbr.ind lr, $3  }
0x3a: {  	_ = 	snop  }
0x3b: {  	_ = 	snop  }
0x3c: {  	p2 =	seq.s32 s10, $0x1;
	s10 =	sld [smem:$0x3FB2]  }
0x3d: {  	_ =	shalt  }
0x3e: {  	_ =	shalt  }
0x3f: {  	_ =	shalt  }
0x40: {  	_ =	shalt  }
0x41: {  	_ =	shalt  }
0x42: {  	_ =	shalt  }
0x43: {  	_ =	shalt  }
0x44: {  	_ =	shalt  }
0x45: {  	_ =	shalt  }
0x46: {  	_ =	shalt  }
0x47: {  	_ =	shalt  }
0x48: {  	_ =	shalt  }
0x49: {  	_ =	shalt  }
0x4a: {  	_ =	shalt  }
0x4b: {  	_ =	shalt  }
0x4c: {  	_ =	shalt  }
0x4d: {  	_ =	shalt  }
0x4e: {  	_ =	shalt  }
0x4f: {  	_ =	shalt  }
0x50: {  	_ =	shalt  }
0x51: {  	_ =	shalt  }
0x52: {  	_ =	shalt  }
0x53: {  	_ =	shalt  }
0x54: {  	_ =	shalt  }
0x55: {  	_ =	shalt  }
0x56: {  	_ =	shalt  }
0x57: {  	_ =	shalt  }
0x58: {  	_ =	shalt  }
0x59: {  	_ =	shalt  }
0x5a: {  	_ =	shalt  }
0x5b: {  	_ =	shalt  }
0x5c: {  	_ =	shalt  }
0x5d: {  	_ =	shalt  }
0x5e: {  	_ =	shalt  }
0x5f: {  	_ =	shalt  }
0x60: {  	_ =	shalt  }
0x61: {  	_ =	shalt  }
0x62: {  	_ =	shalt  }
0x63: {  	_ =	shalt  }
0x64: {  	_ =	shalt  }
0x65: {  	_ =	shalt  }
0x66: {  	_ =	shalt  }
0x67: {  	_ =	shalt  }
0x68: {  	_ =	shalt  }
0x69: {  	_ =	shalt  }
0x6a: {  	_ =	shalt  }
0x6b: {  	_ =	shalt  }
0x6c: {  	_ =	shalt  }
0x6d: {  	_ =	shalt  }
0x6e: {  	_ =	shalt  }
0x6f: {  	_ =	shalt  }
0x70: {  	_ =	shalt  }
0x71: {  	_ =	shalt  }
0x72: {  	_ =	shalt  }
0x73: {  	_ =	shalt  }
0x74: {  	_ =	shalt  }
0x75: {  	_ =	shalt  }
0x76: {  	_ =	shalt  }
0x77: {  	_ =	shalt  }
0x78: {  	_ =	shalt  }
0x79: {  	_ =	shalt  }
0x7a: {  	_ =	shalt  }
0x7b: {  	_ =	shalt  }
0x7c: {  	_ =	shalt  }
0x7d: {  	_ =	shalt  }
0x7e: {  	_ =	shalt  }
0x7f: {  	_ =	shalt  }
0x80: {  	_ =	shalt  }
0x81: {  	_ =	shalt  }
0x82: {  	_ =	shalt  }
0x83: {  	_ =	shalt  }
0x84: {  	_ =	shalt  }
0x85: {  	_ =	shalt  }
0x86: {  	_ =	shalt  }
0x87: {  	_ =	shalt  }
.Lfunc_end0:
.L_simem_size_0:
called_computation.1_lowered:
.L_overlay_start_0:
0x88: {  	s2 =	sld [smem:$0x3FD9]  }
0x89: {  	s3 =	sld [smem:$0x3FFE];
	_ =	sdelay $0x1  }
0x8a: {  	s1 =	srdreg.scid  }
0x8b: {  	s0 =	sand.u32 $0x1, s1  }
0x8c: {  	s17 =	sshll.u32 s0, $0xA;
	s2 =	sadd.s32 s3, s2  }
0x8d: {  	s2 =	sadd.s32 s2, s17  }
0x8e: {  	[smem:$0x3FBE] =	sst s2  }
0x8f: {  	_ = 	snop  }
0x90: {  	s2 =	sld [smem:$0x3FD0];
	(tm) =	ssettm $0x1  }
0x91: {  	s18 =	sld [smem:$0x3FFB];
	_ =	sdelay $0x3  }
0x92: {  	_ =	strace s18  }
0x93: {  	s3 =	sld [smem:$0x3FFC];
	_ =	sdelay $0x3  }
0x94: {  	_ =	strace s3  }
0x95: {  	s3 =	sld [smem:$0x3FFD];
	_ =	sdelay $0x3  }
0x96: {  	_ =	strace s3  }
0x97: {  	_ =	strace $0x8FFFFFFF  }
0x98: {  	s19 =	sld [smem:$0x3FDB];
	_ =	sdelay $0x1  }
0x99: {  	s4 =	simm.s32 $_scs_section_size  }
0x9a: {  	s5 =	simm.s32 $_size__tile_overlayer_lowered;
	s6 =	simm.s32 $_tile_overlayer_lowered  }
0x9b: {  	s22 =	simm.s32 $0x1BFF;
	s21 =	sshll.u32 s6, $0x1;
	s3 =	sadd.s32 s4, s19  }
0x9c: {  	s7 =	simm.s32 $0x0;
	s20 =	sshll.u32 s5, $0x1;
	s5 =	sadd.s32 s21, s3  }
0x9d: {  	[timem:s7], [sflag:s22] =	dma.local [hbm:s5], s20  }
0x9e: {  	_ =	swait.ge [sflag:s22], s20  }
0x9f: {  	s4 =	ssub.s32 $0x0, s20;
	[sflag:s22] =	ssyncset.done $0x0  }
0xa0: {  	[sflag:s22] =	ssyncadd.s32 s4;
	_ =	sdelay $0x1  }
0xa1: {  	s23 =	simm.s32 $0x1B8B  }
0xa2: {  	_ =	swait.ge [sflag:s23], $0x1  }
0xa3: {  	[sflag:s23] =	ssyncset.done $0x0  }
0xa4: {  	s25 =	simm.s32 $0x1B8E;
	s24 =	sld [smem:$0x3FFE];
	[sflag:s23] =	ssyncadd.s32 $0xFFFFFFFF  }
0xa5: {  	s26 =	simm.s32 $execute0_lowered;
	[smem:$0x3FD2] =	sst s25  }
0xa6: {  	s5 =	sshll.u32 s26, $0x1;
	_ =	strace $0x80000049;
	[dreg:$0x1] =	wrdreg $0xFFFFFFFF  }
0xa7: {  	s28 =	simm.s32 $_size_execute0_lowered;
	s3 =	sadd.s32 s3, s5;
	[dreg:$0x0] =	wrdreg $0x0  }
0xa8: {  	s5 =	sshll.u32 s28, $0x1;
	[dreg:$0x2] =	wrdreg s3  }
0xa9: {  	[dreg:$0x3] =	wrdreg s5  }
0xaa: {  	[dreg:$0x4] =	wrdreg $0xC0  }
0xab: {  	_ =	task [dreg:s7], $0x5FFFF  }
0xac: {  	[dreg:$0x1] =	wrdreg $0xFFFFFFFF  }
0xad: {  	[dreg:$0x0] =	wrdreg $0x60  }
0xae: {  	[dreg:$0x2] =	wrdreg s24  }
0xaf: {  	[dreg:$0x3] =	wrdreg s2  }
0xb0: {  	[dreg:$0x4] =	wrdreg $0x9F000  }
0xb1: {  	[dreg:$0x5] =	wrdreg $0x9  }
0xb2: {  	_ =	task.clear_ibuf [dreg:s7], $0x6FFFF;
	_ =	strace $0x90000049  }
0xb3: {  	s29 =	simm.s32 $0x9;
	_ =	strace $0x8000004B  }
0xb4: {  	_ =	swait.ge [sflag:s29], $0x1  }
0xb5: {  	[sflag:s29] =	ssyncadd.s32 $0xFFFFFFFF  }
0xb6: {  	_ =	strace $0x9000004B  }
0xb7: {  	_ =	sfence  }
0xb8: {  	s30 =	sld [smem:$0x0];
	_ =	sdelay $0x2  }
0xb9: {  	s31 =	sshll.u32 s1, $0xD;
	s1 =	sshrl.u32 s1, $0x2  }
0xba: {  	s3 =	sand.u32 $0x4000, s31;
	s1 =	sadd.s32 s1, s30  }
0xbb: {  	s0 =	sor.u32 s3, s0;
	s1 =	sshll.u32 s1, $0x11  }
0xbc: {  	s0 =	sor.u32 s1, s0  }
0xbd: {  	s0 =	sadd.s32 $0x8F2B, s0  }
0xbe: {  	[sflag:s0] =	ssyncadd.remote.s32 $0x1  }
0xbf: {  	_ =	sfence.sel $0xFFFF  }
0xc0: {  	[dreg:$0x0] =	wrdreg $0xFFFFFFFF;
	(pc) =	sbr.abs _section_cstart, $3  }
0xc1: {  	[dreg:$0x1] =	wrdreg $0xFFFFFFFF  }
0xc2: {  	_ =	task.clear_ibuf [dreg:s7], $0x2FFFF;
	_ =	strace $0x9FFFFFFF  }
0xc3: {  	(tm) =	ssettm $0x7FFFFFFF  }
tec
execute0_lowered:
.L_overlay_start_1:
0x0: {  	(tag) =	ssettag $0x1  }
0x1: {  	s0 =	srdreg.scid;
	s1 =	rddreg [dreg:$0x0]  }
0x2: {  	s17 =	stileid.u32;
	s3 =	rddreg [dreg:$0x1]  }
0x3: {  	s7 =	simm.s32 $0x0;
	s29 =	simm.s32 $0x5;
	s31 =	simm.s32 $0x7F00  }
0x4: {  	s0 =	sand.u32 $0x1, s0;
	[smem:$0x7FF] =	sst s7;
	s7 =	smul.u32 $0x5000, s17  }
0x5: {  	s9 =	sadd.s32 $0x28A00, s1;
	s24 =	smul.u32 $0x14000, s17;
	s2 =	sshll.u32 s0, $0x4  }
0x6: {  	s25 =	smul.u32 $0x50000, s0;
	s0 =	ssub.s32 $0x2, s0;
	s4 =	sor.u32 s17, s2  }
0x7: {  	s2 =	rddreg [dreg:$0x2];
	_ =	strace $0x8000004A;
	s10 =	sshrl.u32 s0, $0x1  }
0x8: {  	s11 =	sadd.s32 $0x2800, s7;
	s13 =	sadd.s32 $0x3200, s7;
	s16 =	sadd.s32 $0x3C00, s7  }
0x9: {  	s18 =	sadd.s32 $0x4600, s7;
	s17 =	simm.s32 $0x28;
	s5 =	smul.u32 $0x4E, s4  }
0xa: {  	s6 =	smax.u32 s4, $0x1C;
	s0 =	ssub.s32 s0, s10;
	p0 =	sgt.u32 s4, $0x1B  }
0xb: {  	s26 =	sadd.s32 s25, s7;
	s4 =	simm.s32 $0x4F;
	s10 =	sadd.s32 $0x1E00, s7  }
0xc: {  	s15 =	sadd.s32 s25, s11;
	s21 =	sadd.s32 s25, s13;
	s22 =	sadd.s32 s25, s16  }
0xd: {  	s28 =	sshrl.u32 s26, $0x3;
	s14 =	sadd.s32 s25, s10;
	s19 =	sshrl.u32 s15, $0x3  }
0xe: {  	s23 =	sshrl.u32 s22, $0x3;
	s15 =	sadd.s32 $0xB200, s1;
	s4 =	simm.s32 @!p0 $0x4E  }
0xf: {  	s26 =	sshrl.u32 s24, $0x2;
	s17 =	simm.s32 @!p0 $0x27;
	s0 =	smax.u32 s0, $0x1  }
0x10: {  	s22 =	sadd.s32 s10, s2;
	s24 =	sadd.s32 s13, s2;
	s5 =	sadd.s32 s5, s6  }
0x11: {  	s14 =	sshrl.u32 s14, $0x3;
	s20 =	sadd.s32 s9, s19;
	s6 =	sadd.s32 s25, s18  }
0x12: {  	[dreg:$0xe] =	wrdreg s0;
	s5 =	sshll.u32 s5, $0x4;
	s6 =	sshrl.u32 s6, $0x3  }
0x13: {  	[dreg:$0x9] =	wrdreg s20;
	s5 =	sadd.s32 $0xFFFFFE40, s5;
	s6 =	sadd.s32 s9, s6  }
0x14: {  	s8 =	sadd.s32 s5, s1;
	s3 =	sadd.s32 s3, s5;
	[dreg:$0xc] =	wrdreg s6  }
0x15: {  	s5 =	sadd.s32 $0x1400, s7;
	s6 =	simm.s32 $0x3;
	[dreg:$0x4] =	wrdreg s3  }
0x16: {  	s3 =	sadd.s32 s9, s28;
	s30 =	sadd.s32 s25, s5;
	s28 =	sadd.s32 s26, s2  }
0x17: {  	s26 =	sadd.s32 s18, s2;
	[dreg:$0x5] =	wrdreg s3;
	s3 =	sor.u32 $0xA00, s7  }
0x18: {  	[dreg:$0xf] =	wrdreg s28;
	s12 =	sadd.s32 s25, s3;
	s25 =	sadd.s32 $0x1EC00, s8  }
0x19: {  	s20 =	sadd.s32 s3, s2;
	s3 =	simm.s32 $0x2;
	s12 =	sshrl.u32 s12, $0x3  }
0x1a: {  	s8 =	simm.s32 $0x0;
	[dreg:$0xd] =	wrdreg s25;
	s12 =	sadd.s32 s9, s12  }
0x1b: {  	s25 =	sadd.s32 s16, s2;
	[dreg:$0x6] =	wrdreg s12;
	s12 =	sshrl.u32 s30, $0x3  }
0x1c: {  	s30 =	sadd.s32 s7, s2;
	s7 =	simm.s32 $0x4;
	s12 =	sadd.s32 s9, s12  }
0x1d: {  	s0 =	sshrl.u32 s30, $0x3;
	[dreg:$0x7] =	wrdreg s12;
	s12 =	sadd.s32 s9, s14  }
.Ltmp0:
0x1e: {  	s14 =	sadd.s32 $0x1400, s1;
	[dreg:$0x10] =	wrdreg s0;
	(pc) =	sbr.rel .LBB2_1-.Ltmp0, $4  }
0x1f: {  	s1 =	simm.s32 $0x80;
	[dreg:$0x8] =	wrdreg s12;
	s12 =	sshrl.u32 s21, $0x3  }
0x20: {  	s0 =	simm.s32 $0x1;
	s21 =	sadd.s32 s5, s2;
	s12 =	sadd.s32 s9, s12  }
0x21: {  	s5 =	simm.s32 $0x8F00;
	[dreg:$0xa] =	wrdreg s12;
	s12 =	sadd.s32 s9, s23  }
0x22: {  	v0 =	vimm.f32 $0.0e+00;
	s23 =	sadd.s32 s11, s2;
	[dreg:$0xb] =	wrdreg s12;
	s12 =	simm.s32 $0x2780  }
.LBB2_11:
0x23: {  	_ =	swait.ge [sflag:s6], $0x1000  }
0x24: {  	[sflag:s6] =	ssyncset.done $0x0  }
0x25: {  	[sflag:s6] =	ssyncadd.s32 $0xFFFFF000  }
0x26: {  	_ =	swait.ge [sflag:s7], $0x1000  }
0x27: {  	[sflag:s7] =	ssyncset.done $0x0  }
0x28: {  	[sflag:s7] =	ssyncadd.s32 $0xFFFFF000  }
0x29: {  	s9 =	stileid.u32;
	[bflag:$0x0] =	sbarrier.arrive $0xFFFF  }
0x2a: {  	s9 =	sshll.u32 s9, $0x6;
	s10 =	rddreg [dreg:$0x5]  }
0x2b: {  	s9 =	sor.u32 $0x1C05, s9;
	s11 =	rddreg [dreg:$0x10]  }
0x2c: {  	[hbm:s10], [sflag:s9] =	dma.local [spmem:s11], $0x140  }
0x2d: {  	_ =	swait.ge [sflag:s29], $0x140  }
0x2e: {  	[sflag:s29] =	ssyncset.done $0x0  }
0x2f: {  	s11 =	sshrl.u32 s20, $0x3;
	s12 =	rddreg [dreg:$0x6];
	[sflag:s29] =	ssyncadd.s32 $0xFFFFFEC0  }
0x30: {  	[hbm:s12], [sflag:s9] =	dma.local [spmem:s11], $0x140  }
0x31: {  	_ =	swait.ge [sflag:s29], $0x140  }
0x32: {  	[sflag:s29] =	ssyncset.done $0x0  }
0x33: {  	s13 =	sshrl.u32 s21, $0x3;
	s16 =	rddreg [dreg:$0x7];
	[sflag:s29] =	ssyncadd.s32 $0xFFFFFEC0  }
0x34: {  	[hbm:s16], [sflag:s9] =	dma.local [spmem:s13], $0x140  }
0x35: {  	_ =	swait.ge [sflag:s29], $0x140  }
0x36: {  	[sflag:s29] =	ssyncset.done $0x0  }
0x37: {  	s18 =	sshrl.u32 s22, $0x3;
	s19 =	rddreg [dreg:$0x8];
	[sflag:s29] =	ssyncadd.s32 $0xFFFFFEC0  }
0x38: {  	[hbm:s19], [sflag:s9] =	dma.local [spmem:s18], $0x140  }
0x39: {  	_ =	swait.ge [sflag:s29], $0x140  }
0x3a: {  	[sflag:s29] =	ssyncset.done $0x0  }
0x3b: {  	s28 =	sshrl.u32 s23, $0x3;
	s30 =	rddreg [dreg:$0x9];
	[sflag:s29] =	ssyncadd.s32 $0xFFFFFEC0  }
0x3c: {  	[hbm:s30], [sflag:s9] =	dma.local [spmem:s28], $0x140  }
0x3d: {  	_ =	swait.ge [sflag:s29], $0x140  }
0x3e: {  	[sflag:s29] =	ssyncset.done $0x0  }
0x3f: {  	s12 =	sshrl.u32 s24, $0x3;
	s13 =	rddreg [dreg:$0xa];
	[sflag:s29] =	ssyncadd.s32 $0xFFFFFEC0  }
0x40: {  	[hbm:s13], [sflag:s9] =	dma.local [spmem:s12], $0x140  }
0x41: {  	_ =	swait.ge [sflag:s29], $0x140  }
0x42: {  	[sflag:s29] =	ssyncset.done $0x0  }
0x43: {  	s16 =	sshrl.u32 s25, $0x3;
	s18 =	rddreg [dreg:$0xb];
	[sflag:s29] =	ssyncadd.s32 $0xFFFFFEC0  }
0x44: {  	[hbm:s18], [sflag:s9] =	dma.local [spmem:s16], $0x140  }
0x45: {  	_ =	swait.ge [sflag:s29], $0x140  }
0x46: {  	[sflag:s29] =	ssyncset.done $0x0  }
0x47: {  	s19 =	sshrl.u32 s26, $0x3;
	s28 =	rddreg [dreg:$0xc];
	[sflag:s29] =	ssyncadd.s32 $0xFFFFFEC0  }
0x48: {  	[hbm:s28], [sflag:s9] =	dma.local [spmem:s19], $0x140  }
0x49: {  	_ =	swait.ge [sflag:s29], $0x140  }
0x4a: {  	s8 =	sadd.s32 $0x1, s8;
	s30 =	rddreg [dreg:$0xe]  }
0x4b: {  	p0 =	sne.s32 s8, s30  }
.Ltmp1:
0x4c: {  	_ = 	snop;
	(pc) =	sbr.rel @!p0 .LBB2_12-.Ltmp1, $3  }
0x4d: {  	_ =	sdelay $0x1  }
0x4e: {  	[sflag:s29] =	ssyncset.done $0x0  }
0x4f: {  	s12 =	simm.s32 $0x2780;
	[sflag:s29] =	ssyncadd.s32 $0xFFFFFEC0  }
.LBB2_1:
0x50: {  	s9 =	simm.s32 $0x0;
	s10 =	rddreg [dreg:$0xd]  }
0x51: {  	[tilespmem:s9], [sflag:$0x5] =	stream.linear.gather [hbm4b:s10+s9], $0x2780, $0x38;
	[tilespmem:$0xEF00] =	vst v63  }
0x52: {  	_ =	swait.ge [sflag:s29], $0x2780  }
0x53: {  	[sflag:s29] =	ssyncset.done $0x0  }
0x54: {  	s30 =	rddreg [dreg:$0x4];
	[sflag:s29] =	ssyncadd.s32 $0xFFFFD880  }
0x55: {  	[tilespmem:s12], [sflag:$0x5] =	stream.linear.gather [hbm4b:s30+s9], $0x2780, $0x38;
	[tilespmem:$0xEF00] =	vst v63  }
0x56: {  	_ =	swait.ge [sflag:s29], $0x2780  }
0x57: {  	[sflag:s29] =	ssyncset.done $0x0  }
0x58: {  	s10 =	simm.s32 $0x0;
	s9 =	simm.s32 $0x80;
	[sflag:s29] =	ssyncadd.s32 $0xFFFFD880  }
.LBB2_2:
0x59: {  	p0 =	sne.s32 s9, $0x2780;
	[tilespmem:s10+$0x7F00] =	vst v0;
	s11 =	smov.u32 s9;
	s9 =	sadd.s32 $0x80, s9  }
.Ltmp2:
0x5a: {  	[tilespmem:s10+$0x7F10] =	vst v0;
	(pc) =	sbr.rel @p0 .LBB2_2-.Ltmp2, $2  }
0x5b: {  	_ =	sdelay $0x2  }
0x5c: {  	s10 =	sshra.s32 s11, $0x2  }
0x5d: {  	[tilespmem:s10+$0x7F00] =	vst v0  }
0x5e: {  	[tilespmem:s10+$0x7F10] =	vst v0;
	s9 =	rddreg [dreg:$0xf]  }
0x5f: {  	[spmem:s9] =	stream.linear.scatter [tilespmem:s31], [sflag:$0x5], $0xA00, $0x38;
	[tilespmem:$0xEF00] =	vst v63  }
0x60: {  	_ =	swait.ge [sflag:s29], $0xA00  }
0x61: {  	[sflag:s29] =	ssyncset.done $0x0  }
0x62: {  	[sflag:s29] =	ssyncadd.s32 $0xFFFFF600  }
0x63: {  	[spmem:s20] =	stream.linear.scatter [tilespmem:s31], [sflag:$0x5], $0xA00, $0x38;
	[tilespmem:$0xEF00] =	vst v63  }
0x64: {  	_ =	swait.ge [sflag:s29], $0xA00  }
0x65: {  	[sflag:s29] =	ssyncset.done $0x0  }
0x66: {  	[sflag:s29] =	ssyncadd.s32 $0xFFFFF600  }
0x67: {  	[spmem:s21] =	stream.linear.scatter [tilespmem:s31], [sflag:$0x5], $0xA00, $0x38;
	[tilespmem:$0xEF00] =	vst v63  }
0x68: {  	_ =	swait.ge [sflag:s29], $0xA00  }
0x69: {  	[sflag:s29] =	ssyncset.done $0x0  }
0x6a: {  	[sflag:s29] =	ssyncadd.s32 $0xFFFFF600  }
0x6b: {  	[spmem:s22] =	stream.linear.scatter [tilespmem:s31], [sflag:$0x5], $0xA00, $0x38;
	[tilespmem:$0xEF00] =	vst v63  }
0x6c: {  	_ =	swait.ge [sflag:s29], $0xA00  }
0x6d: {  	[sflag:s29] =	ssyncset.done $0x0  }
0x6e: {  	[sflag:s29] =	ssyncadd.s32 $0xFFFFF600  }
0x6f: {  	[spmem:s23] =	stream.linear.scatter [tilespmem:s31], [sflag:$0x5], $0xA00, $0x38;
	[tilespmem:$0xEF00] =	vst v63  }
0x70: {  	_ =	swait.ge [sflag:s29], $0xA00  }
0x71: {  	[sflag:s29] =	ssyncset.done $0x0  }
0x72: {  	[sflag:s29] =	ssyncadd.s32 $0xFFFFF600  }
0x73: {  	[spmem:s24] =	stream.linear.scatter [tilespmem:s31], [sflag:$0x5], $0xA00, $0x38;
	[tilespmem:$0xEF00] =	vst v63  }
0x74: {  	_ =	swait.ge [sflag:s29], $0xA00  }
0x75: {  	[sflag:s29] =	ssyncset.done $0x0  }
0x76: {  	[sflag:s29] =	ssyncadd.s32 $0xFFFFF600  }
0x77: {  	[spmem:s25] =	stream.linear.scatter [tilespmem:s31], [sflag:$0x5], $0xA00, $0x38;
	[tilespmem:$0xEF00] =	vst v63  }
0x78: {  	_ =	swait.ge [sflag:s29], $0xA00  }
0x79: {  	[sflag:s29] =	ssyncset.done $0x0  }
0x7a: {  	[sflag:s29] =	ssyncadd.s32 $0xFFFFF600  }
0x7b: {  	[spmem:s26] =	stream.linear.scatter [tilespmem:s31], [sflag:$0x5], $0xA00, $0x38;
	[tilespmem:$0xEF00] =	vst v63  }
0x7c: {  	_ =	swait.ge [sflag:s29], $0xA00  }
0x7d: {  	[sflag:s29] =	ssyncset.done $0x0  }
0x7e: {  	[sflag:s29] =	ssyncadd.s32 $0xFFFFF600  }
0x7f: {  	s18 =	simm.s32 $0x4F00;
	s9 =	simm.s32 $0x0;
	[bflag:$0x0] =	sbarrier.arrive $0xFFFF  }
0x80: {  	[tilespmem:s18], [sflag:$0x1] =	stream.indirect.gather [hbm4b:s14+s1], $0x20, s9, s1, $0xb8;
	[tilespmem:$0xEF00] =	vst v63  }
0x81: {  	s19 =	simm.s32 $0x6F00  }
0x82: {  	[tilespmem:s19], [sflag:$0x1] =	stream.indirect.gather [hbm4b:s15+s1], $0x10, s12, s1, $0xb8;
	[tilespmem:$0xEF00] =	vst v63  }
.Ltmp3:
0x83: {  	_ = 	snop;
	(pc) =	sbr.rel .LBB2_4-.Ltmp3, $4  }
0x84: {  	s28 =	simm.s32 $0x5F00  }
0x85: {  	[tilespmem:s28], [sflag:$0x2] =	stream.indirect.gather [hbm4b:s14+s1], $0x20, s1, s1, $0xb8;
	[tilespmem:$0xEF00] =	vst v63  }
0x86: {  	s30 =	simm.s32 $0x2800;
	s11 =	simm.s32 $0x7700  }
0x87: {  	[tilespmem:s11], [sflag:$0x2] =	stream.indirect.gather [hbm4b:s15+s1], $0x10, s30, s1, $0xb8;
	[tilespmem:$0xEF00] =	vst v63  }
.LBB2_10:
0x88: {  	s9 =	sadd.s32 $0x1, s9  }
0x89: {  	p0 =	sne.s32 s9, s17  }
.Ltmp4:
0x8a: {  	_ = 	snop;
	(pc) =	sbr.rel @!p0 .LBB2_11-.Ltmp4, $1  }
0x8b: {  	_ =	sdelay $0x3  }
.LBB2_4:
0x8c: {  	_ =	swait.ge [sflag:s0], $0x1000  }
0x8d: {  	[sflag:s0] =	ssyncset.done $0x0  }
0x8e: {  	[sflag:s0] =	ssyncadd.s32 $0xFFFFF000  }
0x8f: {  	_ =	swait.ge [sflag:s0], $0x800  }
0x90: {  	p0 =	seq.s32 s9, $0x0;
	[sflag:s0] =	ssyncset.done $0x0  }
0x91: {  	s10 =	simm.s32 @!p0 $0x3;
	[sflag:s0] =	ssyncadd.s32 $0xFFFFF800  }
0x92: {  	_ =	swait.ge @!p0 [sflag:s10], $0x1000  }
0x93: {  	[sflag:s10] =	ssyncset.done @!p0 $0x0  }
0x94: {  	s18 =	simm.s32 $0x6F00;
	[sflag:s10] =	ssyncadd.s32 @!p0 $0xFFFFF000  }
0x95: {  	s11 =	simm.s32 $0x0;
	v1 =	vld [tilespmem:s18+$0x0]  }
0x96: {  	v2 =	vld [tilespmem:s11+$0x4F10];
	_ =	sdelay $0x4  }
0x97: {  	s19 =	simm.s32 $0x6F10;
	v1 =	vadd.f32 v1, v2  }
0x98: {  	s12 =	simm.s32 $0x20;
	v3 =	vld [tilespmem:s19+$0x0]  }
0x99: {  	v4 =	vld [tilespmem:s12+$0x4F10];
	v2 =	vmul.f32 $2.000000030e-01, v1;
	_ =	sdelay $0x1  }
0x9a: {  	s13 =	simm.s32 $0x40;
	v1 =	vmax.f32 v1, v2  }
0x9b: {  	s28 =	simm.s32 $0x6F20;
	v5 =	vld [tilespmem:s13+$0x4F10];
	v1 =	vmul.f32 $1.442695020e+00, v1  }
0x9c: {  	v2 =	vld [tilespmem:s28+$0x0]  }
0x9d: {  	(erf) = vpow2.f32 v1;
	v1 =	vadd.f32 v3, v4;
	_ =	sdelay $0x1  }
0x9e: {  	v3 =	vmul.f32 $2.000000030e-01, v1;
	_ =	sdelay $0x1  }
0x9f: {  	v5 =	vadd.f32 v2, v5;
	v1 =	vmax.f32 v1, v3  }
0xa0: {  	s30 =	simm.s32 $0x6F30;
	v4 =	vld [tilespmem:s11+$0x4F00];
	v1 =	vmul.f32 $1.442695020e+00, v1  }
0xa1: {  	s16 =	simm.s32 $0x60;
	v2 =	vld [tilespmem:s30+$0x0];
	v6 =	vmul.f32 $2.000000030e-01, v5  }
0xa2: {  	v3 =	vld [tilespmem:s16+$0x4F10];
	(erf) = vpow2.f32 v1;
	_ =	sdelay $0x2  }
0xa3: {  	v1 =	vmax.f32 v5, v6;
	v6 =	vpop (erf)  }
0xa4: {  	s10 =	sshll.u32 s9, $0x1;
	s18 =	simm.s32 $0x200;
	s19 =	simm.s32 $0x6F40;
	v5 =	vmul.f32 $1.442695020e+00, v1;
	v1 =	vld [tilespmem:s12+$0x4F00];
	[tilespmem:s11+$0x7F10] =	vst v6;
	v4 =	vmul.f32 v6, v4  }
.LBB2_5:
0xa5: {  	s30 =	sshra.s32 s18, $0x2;
	p1 =	sne.s32 s18, $0x3F80;
	s18 =	sadd.s32 $0x80, s18;
	v6 =	vadd.f32 v2, v3;
	v2 =	vld [tilespmem:s19+$0x0]  }
.Ltmp5:
0xa6: {  	v3 =	vld [tilespmem:s30+$0x4F10];
	(erf) = vpow2.f32 v5;
	[tilespmem:s11+$0x7F00] =	vst v4;
	s11 =	smov.u32 s12;
	s12 =	smov.u32 s13;
	(pc) =	sbr.rel @p1 .LBB2_5-.Ltmp5, $3  }
0xa7: {  	s13 =	smov.u32 s16;
	s16 =	smov.u32 s30;
	v4 =	vmul.f32 $2.000000030e-01, v6;
	_ =	sdelay $0x1  }
0xa8: {  	v4 =	vmax.f32 v6, v4;
	v6 =	vpop (erf)  }
0xa9: {  	s19 =	sadd.s32 $0x10, s19;
	v5 =	vmul.f32 $1.442695020e+00, v4;
	[tilespmem:s11+$0x7F10] =	vst v6;
	v4 =	vmul.f32 v6, v1;
	v1 =	vld [tilespmem:s12+$0x4F00]  }
0xaa: {  	v2 =	vadd.f32 v2, v3;
	_ =	sdelay $0x1  }
0xab: {  	v3 =	vmul.f32 $2.000000030e-01, v2;
	_ =	sdelay $0x1  }
0xac: {  	v2 =	vmax.f32 v2, v3  }
0xad: {  	(erf) = vpow2.f32 v5;
	v2 =	vmul.f32 $1.442695020e+00, v2;
	_ =	sdelay $0x1  }
0xae: {  	(erf) = vpow2.f32 v2;
	_ =	sdelay $0x2  }
0xaf: {  	v2 =	vld [tilespmem:s13+$0x4F00];
	_ =	sdelay $0x1  }
0xb0: {  	v63 =	vld [tilespmem:s16+$0x4F00];
	v3 =	vpop (erf)  }
0xb1: {  	[tilespmem:s11+$0x7F00] =	vst v4;
	v1 =	vmul.f32 v3, v1  }
0xb2: {  	[tilespmem:s12+$0x7F10] =	vst v3;
	v3 =	vpop (erf)  }
0xb3: {  	[tilespmem:s12+$0x7F00] =	vst v1;
	v1 =	vmul.f32 v3, v2  }
0xb4: {  	[tilespmem:s13+$0x7F10] =	vst v3;
	v2 =	vpop (erf)  }
0xb5: {  	s30 =	sshll.u32 s9, $0xA;
	[tilespmem:s13+$0x7F00] =	vst v1;
	v1 =	vmul.f32 v2, v63  }
0xb6: {  	s11 =	sshra.s32 s30, $0x2;
	[tilespmem:s16+$0x7F10] =	vst v2  }
0xb7: {  	s11 =	sadd.s32 $0x2780, s11;
	[tilespmem:s16+$0x7F00] =	vst v1  }
0xb8: {  	[spmem:s2] =	stream.indirect.scatter.add.f32 [tilespmem:s31], [sflag:$0x3], $0x20, s11, s1, $0xb8;
	[tilespmem:$0xEF00] =	vst v63  }
0xb9: {  	s11 =	sadd.s32 $0x2, s10  }
0xba: {  	p1 =	sge.u32 s11, s4  }
0xbb: {  	s11 =	sshll.u32 @!p1 s11, $0x7;
	s12 =	simm.s32 @!p1 $0x80;
	s13 =	simm.s32 @!p1 $0x4F00  }
0xbc: {  	[tilespmem:s13], [sflag:$0x1] =	stream.indirect.gather @!p1 [hbm4b:s14+s12], $0x20, s11, s12, $0xb8;
	[tilespmem:$0xEF00] =	vst v63  }
0xbd: {  	s11 =	sadd.s32 @!p1 $0x2780, s11;
	s13 =	simm.s32 @!p1 $0x6F00  }
0xbe: {  	[tilespmem:s13], [sflag:$0x1] =	stream.indirect.gather @!p1 [hbm4b:s15+s12], $0x10, s11, s12, $0xb8;
	[tilespmem:$0xEF00] =	vst v63  }
0xbf: {  	s11 =	sor.u32 $0x1, s10  }
0xc0: {  	p1 =	sge.u32 s11, s4  }
.Ltmp6:
0xc1: {  	_ = 	snop;
	(pc) =	sbr.rel @p1 .LBB2_10-.Ltmp6, $1  }
0xc2: {  	_ =	sdelay $0x3  }
0xc3: {  	_ =	swait.ge [sflag:s3], $0x1000  }
0xc4: {  	[sflag:s3] =	ssyncset.done $0x0  }
0xc5: {  	[sflag:s3] =	ssyncadd.s32 $0xFFFFF000  }
0xc6: {  	_ =	swait.ge [sflag:s3], $0x800  }
0xc7: {  	[sflag:s3] =	ssyncset.done $0x0  }
0xc8: {  	s12 =	simm.s32 @!p0 $0x4;
	[sflag:s3] =	ssyncadd.s32 $0xFFFFF800  }
0xc9: {  	_ =	swait.ge @!p0 [sflag:s12], $0x1000  }
0xca: {  	[sflag:s12] =	ssyncset.done @!p0 $0x0  }
0xcb: {  	s13 =	simm.s32 $0x7700;
	[sflag:s12] =	ssyncadd.s32 @!p0 $0xFFFFF000  }
0xcc: {  	s12 =	simm.s32 $0x0;
	v1 =	vld [tilespmem:s13+$0x0]  }
0xcd: {  	v2 =	vld [tilespmem:s12+$0x5F10];
	_ =	sdelay $0x4  }
0xce: {  	s16 =	simm.s32 $0x7710;
	v1 =	vadd.f32 v1, v2  }
0xcf: {  	s13 =	simm.s32 $0x20;
	v3 =	vld [tilespmem:s16+$0x0]  }
0xd0: {  	v4 =	vld [tilespmem:s13+$0x5F10];
	v2 =	vmul.f32 $2.000000030e-01, v1;
	_ =	sdelay $0x1  }
0xd1: {  	s16 =	simm.s32 $0x40;
	v1 =	vmax.f32 v1, v2  }
0xd2: {  	s18 =	simm.s32 $0x7720;
	v5 =	vld [tilespmem:s16+$0x5F10];
	v1 =	vmul.f32 $1.442695020e+00, v1  }
0xd3: {  	v2 =	vld [tilespmem:s18+$0x0]  }
0xd4: {  	(erf) = vpow2.f32 v1;
	v1 =	vadd.f32 v3, v4;
	_ =	sdelay $0x1  }
0xd5: {  	v3 =	vmul.f32 $2.000000030e-01, v1;
	_ =	sdelay $0x1  }
0xd6: {  	v5 =	vadd.f32 v2, v5;
	v1 =	vmax.f32 v1, v3  }
0xd7: {  	s19 =	simm.s32 $0x7730;
	v4 =	vld [tilespmem:s12+$0x5F00];
	v1 =	vmul.f32 $1.442695020e+00, v1  }
0xd8: {  	s18 =	simm.s32 $0x60;
	v2 =	vld [tilespmem:s19+$0x0];
	v6 =	vmul.f32 $2.000000030e-01, v5  }
0xd9: {  	v3 =	vld [tilespmem:s18+$0x5F10];
	(erf) = vpow2.f32 v1;
	_ =	sdelay $0x2  }
0xda: {  	v1 =	vmax.f32 v5, v6;
	v6 =	vpop (erf)  }
0xdb: {  	s30 =	simm.s32 $0x7740;
	s19 =	simm.s32 $0x200;
	v5 =	vmul.f32 $1.442695020e+00, v1;
	v1 =	vld [tilespmem:s13+$0x5F00];
	[tilespmem:s12+$0x8F10] =	vst v6;
	v4 =	vmul.f32 v6, v4  }
.LBB2_8:
0xdc: {  	s28 =	sshra.s32 s19, $0x2;
	p0 =	sne.s32 s19, $0x3F80;
	s19 =	sadd.s32 $0x80, s19;
	v6 =	vadd.f32 v2, v3;
	v2 =	vld [tilespmem:s30+$0x0]  }
.Ltmp7:
0xdd: {  	v3 =	vld [tilespmem:s28+$0x5F10];
	(erf) = vpow2.f32 v5;
	[tilespmem:s12+$0x8F00] =	vst v4;
	s12 =	smov.u32 s13;
	s13 =	smov.u32 s16;
	(pc) =	sbr.rel @p0 .LBB2_8-.Ltmp7, $3  }
0xde: {  	s16 =	smov.u32 s18;
	s18 =	smov.u32 s28;
	v4 =	vmul.f32 $2.000000030e-01, v6;
	_ =	sdelay $0x1  }
0xdf: {  	v4 =	vmax.f32 v6, v4;
	v6 =	vpop (erf)  }
0xe0: {  	s30 =	sadd.s32 $0x10, s30;
	v5 =	vmul.f32 $1.442695020e+00, v4;
	[tilespmem:s12+$0x8F10] =	vst v6;
	v4 =	vmul.f32 v6, v1;
	v1 =	vld [tilespmem:s13+$0x5F00]  }
0xe1: {  	v2 =	vadd.f32 v2, v3;
	_ =	sdelay $0x1  }
0xe2: {  	v3 =	vmul.f32 $2.000000030e-01, v2;
	_ =	sdelay $0x1  }
0xe3: {  	v2 =	vmax.f32 v2, v3  }
0xe4: {  	(erf) = vpow2.f32 v5;
	v2 =	vmul.f32 $1.442695020e+00, v2;
	_ =	sdelay $0x1  }
0xe5: {  	(erf) = vpow2.f32 v2;
	_ =	sdelay $0x2  }
0xe6: {  	v2 =	vld [tilespmem:s16+$0x5F00];
	_ =	sdelay $0x1  }
0xe7: {  	v63 =	vld [tilespmem:s18+$0x5F00];
	v3 =	vpop (erf)  }
0xe8: {  	[tilespmem:s12+$0x8F00] =	vst v4;
	v1 =	vmul.f32 v3, v1  }
0xe9: {  	[tilespmem:s13+$0x8F10] =	vst v3;
	v3 =	vpop (erf)  }
0xea: {  	[tilespmem:s13+$0x8F00] =	vst v1;
	v1 =	vmul.f32 v3, v2  }
0xeb: {  	[tilespmem:s16+$0x8F10] =	vst v3;
	v2 =	vpop (erf)  }
0xec: {  	s11 =	sshll.u32 s11, $0x7;
	[tilespmem:s16+$0x8F00] =	vst v1;
	v1 =	vmul.f32 v2, v63  }
0xed: {  	s11 =	sand.u32 $0x3FFFFF80, s11;
	[tilespmem:s18+$0x8F10] =	vst v2  }
0xee: {  	s10 =	sadd.s32 $0x3, s10;
	s11 =	sadd.s32 $0x2780, s11;
	[tilespmem:s18+$0x8F00] =	vst v1  }
0xef: {  	[spmem:s2] =	stream.indirect.scatter.add.f32 [tilespmem:s5], [sflag:$0x4], $0x20, s11, s1, $0xb8;
	[tilespmem:$0xEF00] =	vst v63  }
.Ltmp8:
0xf0: {  	p0 =	sge.u32 s10, s4;
	(pc) =	sbr.rel .LBB2_10-.Ltmp8, $4  }
0xf1: {  	s10 =	sshll.u32 @!p0 s10, $0x7;
	s12 =	simm.s32 @!p0 $0x5F00;
	s11 =	simm.s32 @!p0 $0x80  }
0xf2: {  	[tilespmem:s12], [sflag:$0x2] =	stream.indirect.gather @!p0 [hbm4b:s14+s11], $0x20, s10, s11, $0xb8;
	[tilespmem:$0xEF00] =	vst v63  }
0xf3: {  	s10 =	sadd.s32 @!p0 $0x2780, s10;
	s12 =	simm.s32 @!p0 $0x7700  }
0xf4: {  	[tilespmem:s12], [sflag:$0x2] =	stream.indirect.gather @!p0 [hbm4b:s15+s11], $0x10, s10, s11, $0xb8;
	[tilespmem:$0xEF00] =	vst v63  }
.LBB2_12:
0xf5: {  	_ =	sfence.sel $0x180000  }
0xf6: {  	[bflag:$0x0] =	sbarrier.arrive $0xFFFF  }
0xf7: {  	_ =	strace $0x9000004A  }
0xf8: {  	s0 =	stileid.u32;
	[bflag:$0x2] =	sbarrier.arrive $0xFFFF  }
0xf9: {  	p0 =	sne.s32 s0, $0x0;
	s0 =	rddreg [dreg:$0x3]  }
0xfa: {  	s0 =	sadd.s32 @!p0 $0x100000, s0  }
0xfb: {  	[sflag:s0] =	ssyncadd.tile.s32 @!p0 $0x1;
	_ =	shalt  }
.Lfunc_end2:
_tile_overlayer_lowered:
.L_overlay_start_2:
0xfc: {  	(tag) =	ssettag $0x2  }
0xfd: {  	s0 =	rddreg [dreg:$0x0];
	s2 =	stileid.u32  }
0xfe: {  	s1 =	rddreg [dreg:$0x1];
	p0 =	sne.s32 s2, $0x0  }
0xff: {  	s3 =	rddreg [dreg:$0x2];
	[bflag:$0x3] =	sbarrier.arrive $0xFFFF;
	s2 =	simm.s32 @!p0 $0x1C05  }
0x100: {  	[timem:s3], [sflag:s2] =	dma.local @!p0 [hbm:s0], s1  }
0x101: {  	s0 =	simm.s32 @!p0 $0x5  }
0x102: {  	_ =	swait.ge @!p0 [sflag:s0], s1  }
0x103: {  	s1 =	ssub.s32 @!p0 $0x0, s1;
	[sflag:s0] =	ssyncset.done @!p0 $0x0  }
0x104: {  	[sflag:s0] =	ssyncadd.s32 @!p0 s1  }
0x105: {  	[bflag:$0x3] =	sbarrier.arrive $0xFFFF  }
0x106: {  	_ =	shalt  }

// kernel: kernel.7.cloned.1.call-start
scs
__scs_entry_jumppad:
0x0: {  	(pc) =	sbr.rel $0x88, $3  }
0x1: {  	(tag) =	ssettag $0x0;
	lr =	simm.s32 $0x1  }
0x2: {  	[smem:$0x3F97] =	sst lr;
	_ =	strace $0xD0000000  }
0x3: {  	_ = 	snop  }
0x4: {  	_ = 	snop  }
0x5: {  	_ = 	snop  }
0x6: {  	_ = 	snop  }
0x7: {  	_ = 	snop  }
__scs_overlays_trampoline_lowered:
0x8: {  	[smem:$0x3FA6] =	sst s0  }
0x9: {  	[smem:$0x3FA7] =	sst s1  }
0xa: {  	[smem:$0x3FA8] =	sst s2  }
0xb: {  	[smem:$0x3FA9] =	sst s3  }
0xc: {  	[smem:$0x3FAA] =	sst s4  }
0xd: {  	[smem:$0x3FAB] =	sst s5  }
0xe: {  	[smem:$0x3FAC] =	sst s6  }
0xf: {  	[smem:$0x3FAD] =	sst s7  }
0x10: {  	[smem:$0x3FAE] =	sst s8  }
0x11: {  	[smem:$0x3FAF] =	sst s9;
	s0 =	simm.s32 @!p0 $0x0  }
0x12: {  	s1 =	sld [smem:$0x3F95];
	s0 =	simm.s32 @p0 $0x1  }
0x13: {  	[smem:$0x3FB0] =	sst s0;
	s0 =	simm.s32 @!p1 $0x0  }
0x14: {  	s2 =	sld [smem:$0x3F94];
	s0 =	simm.s32 @p1 $0x1  }
0x15: {  	[smem:$0x3FB1] =	sst s0;
	s0 =	simm.s32 @!p2 $0x0  }
0x16: {  	s3 =	sld [smem:$0x3FDB];
	s0 =	simm.s32 @p2 $0x1  }
0x17: {  	s4 =	simm.s32 $0x1BF5;
	[smem:$0x3FB3] =	sst s0  }
0x18: {  	s0 =	sld [smem:$0x3F96];
	_ =	swait.ge [sflag:s4], $0x0  }
0x19: {  	s7 =	sld [smem:$0x3F97]  }
0x1a: {  	s8 =	sadd.s32 $0xFFFFE003, lr  }
0x1b: {  	s9 =	sadd.s32 $0xFFFFFEF7, lr;
	s5 =	simm.s32 $0xFFFFFFFF;
	p2 =	slt.u32 s8, $0xFFFFF086  }
0x1c: {  	p1 =	slt.u32 s9, $0xF7A;
	s5 =	simm.s32 @!p2 $0x0  }
0x1d: {  	s5 =	simm.s32 @p1 $0x1;
	p0 =	seq.s32 s7, s2  }
0x1e: {  	s7 =	smul.u32 @!p0 $0xF7A, s2;
	p2 =	seq.s32 @!p0 s5, $0x0  }
0x1f: {  	s9 =	smul.u32 $0xF7A, s1;
	s8 =	simm.s32 @!p0 $0x1BF5;
	p2 =	por !p2, p0  }
0x20: {  	[sflag:s8] =	ssyncset.s32 @!p0 $0xFFFFF086;
	s6 =	sadd.s32 @!p0 s3, s7;
	s7 =	simm.s32 @!p0 $0x108  }
0x21: {  	s3 =	sadd.s32 s3, s9;
	s6 =	sadd.s32 @!p0 $0x88, s6;
	s7 =	simm.s32 @p2 $0x1082  }
0x22: {  	[simem:s7], [sflag:s8] =	dma.local @!p0 [hbm:s6], $0xF7A  }
0x23: {  	s9 =	sor.u32 $0xD0000000, s2;
	s6 =	simm.s32 $0x108;
	_ =	swait.ge @!p0 [sflag:s8], $0x0  }
0x24: {  	s3 =	sadd.s32 $0x88, s3;
	s6 =	simm.s32 @!p1 $0x1082;
	[sflag:s4] =	ssyncset.s32 $0xFFFFF086  }
0x25: {  	[simem:s6], [sflag:s4] =	dma.local [hbm:s3], $0xF7A  }
0x26: {  	[smem:$0x3F97] =	sst s1;
	(tag) =	ssettag s2;
	_ =	strace s9  }
0x27: {  	s1 =	sld [smem:$0x3FA7]  }
0x28: {  	s2 =	sld [smem:$0x3FA8]  }
0x29: {  	s4 =	sld [smem:$0x3FAA]  }
0x2a: {  	p0 =	seq.s32 s5, $0x0;
	s5 =	sld [smem:$0x3FAB]  }
0x2b: {  	s6 =	sld [smem:$0x3FAC]  }
0x2c: {  	s7 =	sld [smem:$0x3FAD]  }
0x2d: {  	s3 =	simm.s32 $0x108;
	s8 =	sld [smem:$0x3FAE]  }
0x2e: {  	s3 =	simm.s32 @!p0 $0x1082;
	s9 =	sld [smem:$0x3FAF]  }
0x2f: {  	lr =	sadd.s32 s0, s3;
	s0 =	sld [smem:$0x3FA6]  }
0x30: {  	s3 =	sld [smem:$0x3FA9]  }
0x31: {  	[smem:$0x3FB2] =	sst s10  }
0x32: {  	s10 =	sld [smem:$0x3FB0];
	_ =	sdelay $0x3  }
0x33: {  	p0 =	seq.s32 s10, $0x1;
	s10 =	sld [smem:$0x3FB2];
	_ =	sdelay $0x3  }
0x34: {  	[smem:$0x3FB2] =	sst s10  }
0x35: {  	s10 =	sld [smem:$0x3FB1];
	_ =	sdelay $0x3  }
0x36: {  	p1 =	seq.s32 s10, $0x1;
	s10 =	sld [smem:$0x3FB2];
	_ =	sdelay $0x3  }
0x37: {  	[smem:$0x3FB2] =	sst s10  }
0x38: {  	s10 =	sld [smem:$0x3FB3]  }
0x39: {  	_ = 	snop;
	(pc) =	sbr.ind lr, $3  }
0x3a: {  	_ = 	snop  }
0x3b: {  	_ = 	snop  }
0x3c: {  	p2 =	seq.s32 s10, $0x1;
	s10 =	sld [smem:$0x3FB2]  }
0x3d: {  	_ =	shalt  }
0x3e: {  	_ =	shalt  }
0x3f: {  	_ =	shalt  }
0x40: {  	_ =	shalt  }
0x41: {  	_ =	shalt  }
0x42: {  	_ =	shalt  }
0x43: {  	_ =	shalt  }
0x44: {  	_ =	shalt  }
0x45: {  	_ =	shalt  }
0x46: {  	_ =	shalt  }
0x47: {  	_ =	shalt  }
0x48: {  	_ =	shalt  }
0x49: {  	_ =	shalt  }
0x4a: {  	_ =	shalt  }
0x4b: {  	_ =	shalt  }
0x4c: {  	_ =	shalt  }
0x4d: {  	_ =	shalt  }
0x4e: {  	_ =	shalt  }
0x4f: {  	_ =	shalt  }
0x50: {  	_ =	shalt  }
0x51: {  	_ =	shalt  }
0x52: {  	_ =	shalt  }
0x53: {  	_ =	shalt  }
0x54: {  	_ =	shalt  }
0x55: {  	_ =	shalt  }
0x56: {  	_ =	shalt  }
0x57: {  	_ =	shalt  }
0x58: {  	_ =	shalt  }
0x59: {  	_ =	shalt  }
0x5a: {  	_ =	shalt  }
0x5b: {  	_ =	shalt  }
0x5c: {  	_ =	shalt  }
0x5d: {  	_ =	shalt  }
0x5e: {  	_ =	shalt  }
0x5f: {  	_ =	shalt  }
0x60: {  	_ =	shalt  }
0x61: {  	_ =	shalt  }
0x62: {  	_ =	shalt  }
0x63: {  	_ =	shalt  }
0x64: {  	_ =	shalt  }
0x65: {  	_ =	shalt  }
0x66: {  	_ =	shalt  }
0x67: {  	_ =	shalt  }
0x68: {  	_ =	shalt  }
0x69: {  	_ =	shalt  }
0x6a: {  	_ =	shalt  }
0x6b: {  	_ =	shalt  }
0x6c: {  	_ =	shalt  }
0x6d: {  	_ =	shalt  }
0x6e: {  	_ =	shalt  }
0x6f: {  	_ =	shalt  }
0x70: {  	_ =	shalt  }
0x71: {  	_ =	shalt  }
0x72: {  	_ =	shalt  }
0x73: {  	_ =	shalt  }
0x74: {  	_ =	shalt  }
0x75: {  	_ =	shalt  }
0x76: {  	_ =	shalt  }
0x77: {  	_ =	shalt  }
0x78: {  	_ =	shalt  }
0x79: {  	_ =	shalt  }
0x7a: {  	_ =	shalt  }
0x7b: {  	_ =	shalt  }
0x7c: {  	_ =	shalt  }
0x7d: {  	_ =	shalt  }
0x7e: {  	_ =	shalt  }
0x7f: {  	_ =	shalt  }
0x80: {  	_ =	shalt  }
0x81: {  	_ =	shalt  }
0x82: {  	_ =	shalt  }
0x83: {  	_ =	shalt  }
0x84: {  	_ =	shalt  }
0x85: {  	_ =	shalt  }
0x86: {  	_ =	shalt  }
0x87: {  	_ =	shalt  }
.Lfunc_end0:
.L_simem_size_0:
called_computation_lowered:
.L_overlay_start_0:
0x88: {  	s2 =	sld [smem:$0x3FD9]  }
0x89: {  	s3 =	sld [smem:$0x3FFE];
	_ =	sdelay $0x1  }
0x8a: {  	s1 =	srdreg.scid  }
0x8b: {  	s0 =	sand.u32 $0x1, s1  }
0x8c: {  	s17 =	sshll.u32 s0, $0xA;
	s2 =	sadd.s32 s3, s2  }
0x8d: {  	s2 =	sadd.s32 s2, s17  }
0x8e: {  	[smem:$0x3FBE] =	sst s2  }
0x8f: {  	_ = 	snop  }
0x90: {  	s2 =	sld [smem:$0x3FD0];
	(tm) =	ssettm $0x1  }
0x91: {  	s18 =	sld [smem:$0x3FFB];
	_ =	sdelay $0x3  }
0x92: {  	_ =	strace s18  }
0x93: {  	s3 =	sld [smem:$0x3FFC];
	_ =	sdelay $0x3  }
0x94: {  	_ =	strace s3  }
0x95: {  	s3 =	sld [smem:$0x3FFD];
	_ =	sdelay $0x3  }
0x96: {  	_ =	strace s3  }
0x97: {  	_ =	strace $0x8FFFFFFF  }
0x98: {  	s19 =	sld [smem:$0x3FDB];
	_ =	sdelay $0x1  }
0x99: {  	s4 =	simm.s32 $_scs_section_size  }
0x9a: {  	s5 =	simm.s32 $_size__tile_overlayer_lowered;
	s6 =	simm.s32 $_tile_overlayer_lowered  }
0x9b: {  	s22 =	simm.s32 $0x1BFF;
	s21 =	sshll.u32 s6, $0x1;
	s3 =	sadd.s32 s4, s19  }
0x9c: {  	s7 =	simm.s32 $0x0;
	s20 =	sshll.u32 s5, $0x1;
	s5 =	sadd.s32 s21, s3  }
0x9d: {  	[timem:s7], [sflag:s22] =	dma.local [hbm:s5], s20  }
0x9e: {  	_ =	swait.ge [sflag:s22], s20  }
0x9f: {  	s4 =	ssub.s32 $0x0, s20;
	[sflag:s22] =	ssyncset.done $0x0  }
0xa0: {  	[sflag:s22] =	ssyncadd.s32 s4;
	_ =	sdelay $0x1  }
0xa1: {  	s23 =	simm.s32 $0x1B8B  }
0xa2: {  	_ =	swait.ge [sflag:s23], $0x1  }
0xa3: {  	[sflag:s23] =	ssyncset.done $0x0  }
0xa4: {  	s25 =	simm.s32 $0x1B8E;
	s24 =	sld [smem:$0x3FFE];
	[sflag:s23] =	ssyncadd.s32 $0xFFFFFFFF  }
0xa5: {  	s26 =	simm.s32 $execute0_lowered;
	[smem:$0x3FD2] =	sst s25  }
0xa6: {  	s5 =	sshll.u32 s26, $0x1;
	_ =	strace $0x80000046;
	[dreg:$0x1] =	wrdreg $0xFFFFFFFF  }
0xa7: {  	s28 =	simm.s32 $_size_execute0_lowered;
	s3 =	sadd.s32 s3, s5;
	[dreg:$0x0] =	wrdreg $0x0  }
0xa8: {  	s5 =	sshll.u32 s28, $0x1;
	[dreg:$0x2] =	wrdreg s3  }
0xa9: {  	[dreg:$0x3] =	wrdreg s5  }
0xaa: {  	[dreg:$0x4] =	wrdreg $0xC0  }
0xab: {  	_ =	task [dreg:s7], $0x5FFFF  }
0xac: {  	[dreg:$0x1] =	wrdreg $0xFFFFFFFF  }
0xad: {  	[dreg:$0x0] =	wrdreg $0x60  }
0xae: {  	[dreg:$0x2] =	wrdreg s24  }
0xaf: {  	[dreg:$0x3] =	wrdreg s2  }
0xb0: {  	[dreg:$0x4] =	wrdreg $0xFF000  }
0xb1: {  	[dreg:$0x5] =	wrdreg $0x9  }
0xb2: {  	_ =	task.clear_ibuf [dreg:s7], $0x6FFFF;
	_ =	strace $0x90000046  }
0xb3: {  	s29 =	simm.s32 $0x9;
	_ =	strace $0x80000048  }
0xb4: {  	_ =	swait.ge [sflag:s29], $0x1  }
0xb5: {  	[sflag:s29] =	ssyncadd.s32 $0xFFFFFFFF  }
0xb6: {  	_ =	strace $0x90000048  }
0xb7: {  	_ =	sfence  }
0xb8: {  	s30 =	sld [smem:$0x0];
	_ =	sdelay $0x2  }
0xb9: {  	s31 =	sshll.u32 s1, $0xD;
	s1 =	sshrl.u32 s1, $0x2  }
0xba: {  	s3 =	sand.u32 $0x4000, s31;
	s1 =	sadd.s32 s1, s30  }
0xbb: {  	s0 =	sor.u32 s3, s0;
	s1 =	sshll.u32 s1, $0x11  }
0xbc: {  	s0 =	sor.u32 s1, s0  }
0xbd: {  	s0 =	sadd.s32 $0x8F2B, s0  }
0xbe: {  	[sflag:s0] =	ssyncadd.remote.s32 $0x1  }
0xbf: {  	_ =	sfence.sel $0xFFFF  }
0xc0: {  	[dreg:$0x0] =	wrdreg $0xFFFFFFFF;
	(pc) =	sbr.abs _section_cstart, $3  }
0xc1: {  	[dreg:$0x1] =	wrdreg $0xFFFFFFFF  }
0xc2: {  	_ =	task.clear_ibuf [dreg:s7], $0x2FFFF;
	_ =	strace $0x9FFFFFFF  }
0xc3: {  	(tm) =	ssettm $0x7FFFFFFF  }
tec
execute0_lowered:
.L_overlay_start_1:
0x0: {  	(tag) =	ssettag $0x1  }
0x1: {  	s0 =	srdreg.scid;
	s5 =	rddreg [dreg:$0x0]  }
0x2: {  	s22 =	stileid.u32;
	s6 =	rddreg [dreg:$0x1]  }
0x3: {  	s2 =	rddreg [dreg:$0x2];
	s29 =	simm.s32 $0x0;
	s0 =	sand.u32 $0x1, s0  }
0x4: {  	s14 =	smul.u32 $0x280, s22;
	s11 =	sadd.s32 $0x28A00, s5;
	[smem:$0x7FF] =	sst s29  }
0x5: {  	s1 =	sshll.u32 s0, $0x4;
	s8 =	smul.u32 $0xC8000, s0;
	s9 =	ssub.s32 $0x2, s0  }
0x6: {  	s0 =	smul.u32 $0xC800, s22;
	s4 =	sor.u32 s22, s1;
	s10 =	sor.u32 $0x50, s14  }
0x7: {  	s12 =	sshrl.u32 s9, $0x1;
	s17 =	sadd.s32 $0xA0, s14;
	s14 =	sadd.s32 $0x19C00, s5  }
0x8: {  	s1 =	smul.u32 $0x4E, s4;
	s3 =	smax.u32 s4, $0x1C;
	s15 =	sadd.s32 s8, s0  }
0x9: {  	s9 =	ssub.s32 s9, s12;
	p0 =	sgt.u32 s4, $0x1B;
	s12 =	sshrl.u32 s15, $0x3  }
0xa: {  	s15 =	simm.s32 $0x4F;
	s9 =	smax.u32 s9, $0x1;
	s1 =	sadd.s32 s1, s3  }
0xb: {  	s3 =	smul.u32 $0x50, s17;
	s16 =	sadd.s32 s11, s12;
	s15 =	simm.s32 @!p0 $0x4E  }
0xc: {  	s7 =	sshll.u32 s1, $0x4;
	s1 =	smul.u32 $0x50, s10;
	[dreg:$0x4] =	wrdreg s16  }
0xd: {  	s16 =	simm.s32 $0x28;
	s19 =	sadd.s32 s8, s3;
	s7 =	sadd.s32 $0xFFFFFE40, s7  }
0xe: {  	s16 =	simm.s32 @!p0 $0x27;
	s3 =	sadd.s32 s3, s2;
	s13 =	sadd.s32 s8, s1  }
0xf: {  	s12 =	sshrl.u32 s19, $0x3;
	s19 =	sadd.s32 $0x7D00, s0;
	s6 =	sadd.s32 s6, s7  }
0x10: {  	s1 =	sadd.s32 s1, s2;
	s30 =	sshrl.u32 s3, $0x3;
	s18 =	sshrl.u32 s13, $0x3  }
0x11: {  	s12 =	sadd.s32 s11, s12;
	s25 =	sadd.s32 s8, s19;
	s13 =	sadd.s32 $0x1400, s5  }
0x12: {  	s4 =	sadd.s32 s11, s18;
	s18 =	sadd.s32 $0x6400, s0;
	[dreg:$0x6] =	wrdreg s12  }
0x13: {  	[dreg:$0x5] =	wrdreg s4;
	s4 =	sadd.s32 $0x4B00, s0;
	s23 =	sadd.s32 s8, s18  }
0x14: {  	s20 =	sadd.s32 s8, s4;
	s24 =	sshrl.u32 s23, $0x3;
	s23 =	smul.u32 $0x32000, s22  }
0x15: {  	s4 =	sadd.s32 s4, s2;
	s21 =	sshrl.u32 s20, $0x3;
	s20 =	sadd.s32 $0x9600, s0  }
0x16: {  	s31 =	sshrl.u32 s4, $0x3;
	s12 =	sadd.s32 s11, s21;
	s26 =	sadd.s32 s8, s20  }
0x17: {  	s21 =	sadd.s32 $0xAF00, s0;
	s29 =	sadd.s32 $0x19000, s23;
	s0 =	sadd.s32 s0, s2  }
0x18: {  	[dreg:$0x7] =	wrdreg s12;
	s12 =	sadd.s32 s11, s24;
	s28 =	sshrl.u32 s26, $0x3  }
0x19: {  	s8 =	sadd.s32 s8, s21;
	s24 =	smul.u32 $0x140, s17;
	s0 =	sshrl.u32 s0, $0x3  }
0x1a: {  	[dreg:$0x8] =	wrdreg s12;
	s12 =	sshrl.u32 s25, $0x3;
	s8 =	sshrl.u32 s8, $0x3  }
0x1b: {  	s25 =	sshrl.u32 s23, $0x2;
	s12 =	sadd.s32 s11, s12;
	s8 =	sadd.s32 s11, s8  }
0x1c: {  	s26 =	sshrl.u32 s24, $0x2;
	s24 =	sadd.s32 s18, s2;
	[dreg:$0x9] =	wrdreg s12  }
0x1d: {  	s18 =	simm.s32 $0x0;
	s12 =	sadd.s32 s11, s28;
	[dreg:$0xb] =	wrdreg s8  }
0x1e: {  	s11 =	sadd.s32 s7, s5;
	s8 =	sadd.s32 s25, s2;
	s28 =	sadd.s32 $0x12C00, s23  }
0x1f: {  	s7 =	sadd.s32 $0x2BC00, s23;
	s25 =	sadd.s32 s19, s2;
	[dreg:$0xa] =	wrdreg s12  }
0x20: {  	s12 =	smul.u32 $0x140, s10;
	_ =	strace $0x80000047;
	[dreg:$0xc] =	wrdreg s6  }
0x21: {  	s22 =	sshrl.u32 s7, $0x2;
	s7 =	simm.s32 $0xAF00;
	[dreg:$0xe] =	wrdreg s9  }
0x22: {  	s6 =	sadd.s32 $0x1EC00, s11;
	[dreg:$0xf] =	wrdreg s8;
	s9 =	sshrl.u32 s29, $0x2  }
0x23: {  	s11 =	sadd.s32 $0x1F400, s23;
	[dreg:$0x17] =	wrdreg s0;
	s29 =	sshrl.u32 s1, $0x3  }
0x24: {  	s1 =	sshrl.u32 s24, $0x3;
	s0 =	sshrl.u32 s25, $0x3;
	s8 =	simm.s32 $0x80  }
0x25: {  	[dreg:$0xd] =	wrdreg s6;
	s5 =	sshrl.u32 s12, $0x2;
	s6 =	sshrl.u32 s28, $0x2  }
0x26: {  	s10 =	sadd.s32 s9, s2;
	s12 =	sadd.s32 $0x25800, s23;
	s23 =	sadd.s32 s22, s2  }
0x27: {  	s28 =	sadd.s32 s21, s2;
	[dreg:$0x18] =	wrdreg s29;
	s21 =	simm.s32 $0x2780  }
0x28: {  	s9 =	simm.s32 $0x1;
	s5 =	sadd.s32 s5, s2;
	[dreg:$0x13] =	wrdreg s10  }
0x29: {  	s17 =	sshrl.u32 s12, $0x2;
	[dreg:$0x16] =	wrdreg s23;
	s4 =	sshrl.u32 s28, $0x3  }
0x2a: {  	s10 =	simm.s32 $0x2;
	[dreg:$0x10] =	wrdreg s5;
	s5 =	sadd.s32 s26, s2  }
.Ltmp0:
0x2b: {  	[dreg:$0x11] =	wrdreg s5;
	s5 =	sadd.s32 s6, s2;
	(pc) =	sbr.rel .LBB2_1-.Ltmp0, $4  }
0x2c: {  	s26 =	sadd.s32 s20, s2;
	[dreg:$0x12] =	wrdreg s5;
	s5 =	sshrl.u32 s11, $0x2  }
0x2d: {  	v1 =	vlaneseq.u32;
	s12 =	simm.s32 $0x3;
	s3 =	sshrl.u32 s26, $0x3;
	s5 =	sadd.s32 s5, s2  }
0x2e: {  	v0 =	vimm.f32 $0.0e+00;
	v1 =	vshrl.u32 v1, $0x3;
	s11 =	simm.s32 $0xD700;
	[dreg:$0x14] =	wrdreg s5;
	s5 =	sadd.s32 s17, s2  }
0x2f: {  	v2 =	vor.u32 $0x2, v1;
	v3 =	vor.u32 $0x4, v1;
	v4 =	vor.u32 $0x6, v1;
	s17 =	simm.s32 $0x4;
	[dreg:$0x15] =	wrdreg s5;
	s5 =	simm.s32 $0x5  }
.LBB2_11:
0x30: {  	_ =	swait.ge [sflag:s12], $0x2800  }
0x31: {  	[sflag:s12] =	ssyncset.done $0x0  }
0x32: {  	[sflag:s12] =	ssyncadd.s32 $0xFFFFD800  }
0x33: {  	_ =	swait.ge [sflag:s17], $0x2800  }
0x34: {  	[sflag:s17] =	ssyncset.done $0x0  }
0x35: {  	[sflag:s17] =	ssyncadd.s32 $0xFFFFD800  }
0x36: {  	s6 =	stileid.u32;
	[bflag:$0x0] =	sbarrier.arrive $0xFFFF  }
0x37: {  	s6 =	sshll.u32 s6, $0x6;
	s19 =	rddreg [dreg:$0x4]  }
0x38: {  	s6 =	sor.u32 $0x1C05, s6;
	s20 =	rddreg [dreg:$0x17]  }
0x39: {  	[hbm:s19], [sflag:s6] =	dma.local [spmem:s20], $0x320  }
0x3a: {  	_ =	swait.ge [sflag:s5], $0x320  }
0x3b: {  	[sflag:s5] =	ssyncset.done $0x0;
	s20 =	rddreg [dreg:$0x5]  }
0x3c: {  	s21 =	rddreg [dreg:$0x18];
	[sflag:s5] =	ssyncadd.s32 $0xFFFFFCE0  }
0x3d: {  	[hbm:s20], [sflag:s6] =	dma.local [spmem:s21], $0x320  }
0x3e: {  	_ =	swait.ge [sflag:s5], $0x320  }
0x3f: {  	[sflag:s5] =	ssyncset.done $0x0  }
0x40: {  	s22 =	rddreg [dreg:$0x6];
	[sflag:s5] =	ssyncadd.s32 $0xFFFFFCE0  }
0x41: {  	[hbm:s22], [sflag:s6] =	dma.local [spmem:s30], $0x320  }
0x42: {  	_ =	swait.ge [sflag:s5], $0x320  }
0x43: {  	[sflag:s5] =	ssyncset.done $0x0  }
0x44: {  	s23 =	rddreg [dreg:$0x7];
	[sflag:s5] =	ssyncadd.s32 $0xFFFFFCE0  }
0x45: {  	[hbm:s23], [sflag:s6] =	dma.local [spmem:s31], $0x320  }
0x46: {  	_ =	swait.ge [sflag:s5], $0x320  }
0x47: {  	[sflag:s5] =	ssyncset.done $0x0  }
0x48: {  	s24 =	rddreg [dreg:$0x8];
	[sflag:s5] =	ssyncadd.s32 $0xFFFFFCE0  }
0x49: {  	[hbm:s24], [sflag:s6] =	dma.local [spmem:s1], $0x320  }
0x4a: {  	_ =	swait.ge [sflag:s5], $0x320  }
0x4b: {  	[sflag:s5] =	ssyncset.done $0x0  }
0x4c: {  	s25 =	rddreg [dreg:$0x9];
	[sflag:s5] =	ssyncadd.s32 $0xFFFFFCE0  }
0x4d: {  	[hbm:s25], [sflag:s6] =	dma.local [spmem:s0], $0x320  }
0x4e: {  	_ =	swait.ge [sflag:s5], $0x320  }
0x4f: {  	[sflag:s5] =	ssyncset.done $0x0  }
0x50: {  	s26 =	rddreg [dreg:$0xa];
	[sflag:s5] =	ssyncadd.s32 $0xFFFFFCE0  }
0x51: {  	[hbm:s26], [sflag:s6] =	dma.local [spmem:s3], $0x320  }
0x52: {  	_ =	swait.ge [sflag:s5], $0x320  }
0x53: {  	[sflag:s5] =	ssyncset.done $0x0  }
0x54: {  	s28 =	rddreg [dreg:$0xb];
	[sflag:s5] =	ssyncadd.s32 $0xFFFFFCE0  }
0x55: {  	[hbm:s28], [sflag:s6] =	dma.local [spmem:s4], $0x320  }
0x56: {  	_ =	swait.ge [sflag:s5], $0x320  }
0x57: {  	s18 =	sadd.s32 $0x1, s18;
	s29 =	rddreg [dreg:$0xe]  }
0x58: {  	p0 =	sne.s32 s18, s29  }
.Ltmp1:
0x59: {  	_ = 	snop;
	(pc) =	sbr.rel @!p0 .LBB2_12-.Ltmp1, $3  }
0x5a: {  	_ =	sdelay $0x1  }
0x5b: {  	[sflag:s5] =	ssyncset.done $0x0  }
0x5c: {  	s21 =	simm.s32 $0x2780;
	[sflag:s5] =	ssyncadd.s32 $0xFFFFFCE0  }
.LBB2_1:
0x5d: {  	s6 =	simm.s32 $0x0;
	s19 =	rddreg [dreg:$0xd]  }
0x5e: {  	[tilespmem:s6], [sflag:$0x5] =	stream.linear.gather [hbm4b:s19+s6], $0x2780, $0x38;
	[tilespmem:$0x1C700] =	vst v63  }
0x5f: {  	_ =	swait.ge [sflag:s5], $0x2780  }
0x60: {  	[sflag:s5] =	ssyncset.done $0x0  }
0x61: {  	s29 =	rddreg [dreg:$0xc];
	[sflag:s5] =	ssyncadd.s32 $0xFFFFD880  }
0x62: {  	[tilespmem:s21], [sflag:$0x5] =	stream.linear.gather [hbm4b:s29+s6], $0x2780, $0x38;
	[tilespmem:$0x1C700] =	vst v63  }
0x63: {  	_ =	swait.ge [sflag:s5], $0x2780  }
0x64: {  	[sflag:s5] =	ssyncset.done $0x0  }
0x65: {  	s19 =	simm.s32 $0x140;
	s6 =	simm.s32 $0x0;
	[sflag:s5] =	ssyncadd.s32 $0xFFFFD880  }
.LBB2_2:
0x66: {  	p0 =	sne.s32 s19, $0x62C0;
	[tilespmem:s6+$0xAF40] =	vst v0;
	s20 =	smov.u32 s19;
	s19 =	sadd.s32 $0x140, s19  }
.Ltmp2:
0x67: {  	[tilespmem:s6+$0xAF30] =	vst v0;
	(pc) =	sbr.rel @p0 .LBB2_2-.Ltmp2, $4  }
0x68: {  	[tilespmem:s6+$0xAF20] =	vst v0  }
0x69: {  	[tilespmem:s6+$0xAF00] =	vst v0  }
0x6a: {  	[tilespmem:s6+$0xAF10] =	vst v0  }
0x6b: {  	s6 =	sshra.s32 s20, $0x2  }
0x6c: {  	[tilespmem:s6+$0xAF40] =	vst v0  }
0x6d: {  	[tilespmem:s6+$0xAF30] =	vst v0  }
0x6e: {  	[tilespmem:s6+$0xAF20] =	vst v0  }
0x6f: {  	[tilespmem:s6+$0xAF00] =	vst v0  }
0x70: {  	[tilespmem:s6+$0xAF10] =	vst v0;
	s26 =	rddreg [dreg:$0xf]  }
0x71: {  	[spmem:s26] =	stream.linear.scatter [tilespmem:s7], [sflag:$0x5], $0x1900, $0x38;
	[tilespmem:$0x1C700] =	vst v63  }
0x72: {  	_ =	swait.ge [sflag:s5], $0x1900  }
0x73: {  	[sflag:s5] =	ssyncset.done $0x0  }
0x74: {  	s28 =	rddreg [dreg:$0x10];
	[sflag:s5] =	ssyncadd.s32 $0xFFFFE700  }
0x75: {  	[spmem:s28] =	stream.linear.scatter [tilespmem:s7], [sflag:$0x5], $0x1900, $0x38;
	[tilespmem:$0x1C700] =	vst v63  }
0x76: {  	_ =	swait.ge [sflag:s5], $0x1900  }
0x77: {  	[sflag:s5] =	ssyncset.done $0x0  }
0x78: {  	s29 =	rddreg [dreg:$0x11];
	[sflag:s5] =	ssyncadd.s32 $0xFFFFE700  }
0x79: {  	[spmem:s29] =	stream.linear.scatter [tilespmem:s7], [sflag:$0x5], $0x1900, $0x38;
	[tilespmem:$0x1C700] =	vst v63  }
0x7a: {  	_ =	swait.ge [sflag:s5], $0x1900  }
0x7b: {  	[sflag:s5] =	ssyncset.done $0x0  }
0x7c: {  	s19 =	rddreg [dreg:$0x12];
	[sflag:s5] =	ssyncadd.s32 $0xFFFFE700  }
0x7d: {  	[spmem:s19] =	stream.linear.scatter [tilespmem:s7], [sflag:$0x5], $0x1900, $0x38;
	[tilespmem:$0x1C700] =	vst v63  }
0x7e: {  	_ =	swait.ge [sflag:s5], $0x1900  }
0x7f: {  	[sflag:s5] =	ssyncset.done $0x0  }
0x80: {  	s20 =	rddreg [dreg:$0x13];
	[sflag:s5] =	ssyncadd.s32 $0xFFFFE700  }
0x81: {  	[spmem:s20] =	stream.linear.scatter [tilespmem:s7], [sflag:$0x5], $0x1900, $0x38;
	[tilespmem:$0x1C700] =	vst v63  }
0x82: {  	_ =	swait.ge [sflag:s5], $0x1900  }
0x83: {  	[sflag:s5] =	ssyncset.done $0x0  }
0x84: {  	s22 =	rddreg [dreg:$0x14];
	[sflag:s5] =	ssyncadd.s32 $0xFFFFE700  }
0x85: {  	[spmem:s22] =	stream.linear.scatter [tilespmem:s7], [sflag:$0x5], $0x1900, $0x38;
	[tilespmem:$0x1C700] =	vst v63  }
0x86: {  	_ =	swait.ge [sflag:s5], $0x1900  }
0x87: {  	[sflag:s5] =	ssyncset.done $0x0  }
0x88: {  	s23 =	rddreg [dreg:$0x15];
	[sflag:s5] =	ssyncadd.s32 $0xFFFFE700  }
0x89: {  	[spmem:s23] =	stream.linear.scatter [tilespmem:s7], [sflag:$0x5], $0x1900, $0x38;
	[tilespmem:$0x1C700] =	vst v63  }
0x8a: {  	_ =	swait.ge [sflag:s5], $0x1900  }
0x8b: {  	[sflag:s5] =	ssyncset.done $0x0  }
0x8c: {  	s24 =	rddreg [dreg:$0x16];
	[sflag:s5] =	ssyncadd.s32 $0xFFFFE700  }
0x8d: {  	[spmem:s24] =	stream.linear.scatter [tilespmem:s7], [sflag:$0x5], $0x1900, $0x38;
	[tilespmem:$0x1C700] =	vst v63  }
0x8e: {  	_ =	swait.ge [sflag:s5], $0x1900  }
0x8f: {  	[sflag:s5] =	ssyncset.done $0x0  }
0x90: {  	[sflag:s5] =	ssyncadd.s32 $0xFFFFE700  }
0x91: {  	s25 =	simm.s32 $0x4F00;
	s19 =	simm.s32 $0x0;
	[bflag:$0x0] =	sbarrier.arrive $0xFFFF  }
0x92: {  	[tilespmem:s25], [sflag:$0x1] =	stream.indirect.gather [hbm4b:s13+s8], $0x50, s19, s8, $0xb8;
	[tilespmem:$0x1C700] =	vst v63  }
0x93: {  	s26 =	simm.s32 $0x9F00  }
0x94: {  	[tilespmem:s26], [sflag:$0x1] =	stream.indirect.gather [hbm4b:s14+s8], $0x10, s21, s8, $0xb8;
	[tilespmem:$0x1C700] =	vst v63  }
.Ltmp3:
0x95: {  	_ = 	snop;
	(pc) =	sbr.rel .LBB2_4-.Ltmp3, $4  }
0x96: {  	s28 =	simm.s32 $0x7700  }
0x97: {  	[tilespmem:s28], [sflag:$0x2] =	stream.indirect.gather [hbm4b:s13+s8], $0x50, s8, s8, $0xb8;
	[tilespmem:$0x1C700] =	vst v63  }
0x98: {  	s29 =	simm.s32 $0x2800;
	s20 =	simm.s32 $0xA700  }
0x99: {  	[tilespmem:s20], [sflag:$0x2] =	stream.indirect.gather [hbm4b:s14+s8], $0x10, s29, s8, $0xb8;
	[tilespmem:$0x1C700] =	vst v63  }
.LBB2_10:
0x9a: {  	s19 =	sadd.s32 $0x1, s19  }
0x9b: {  	p0 =	sne.s32 s19, s16  }
.Ltmp4:
0x9c: {  	_ = 	snop;
	(pc) =	sbr.rel @!p0 .LBB2_11-.Ltmp4, $1  }
0x9d: {  	_ =	sdelay $0x3  }
.LBB2_4:
0x9e: {  	_ =	swait.ge [sflag:s9], $0x2800  }
0x9f: {  	[sflag:s9] =	ssyncset.done $0x0  }
0xa0: {  	[sflag:s9] =	ssyncadd.s32 $0xFFFFD800  }
0xa1: {  	_ =	swait.ge [sflag:s9], $0x800  }
0xa2: {  	p0 =	seq.s32 s19, $0x0;
	[sflag:s9] =	ssyncset.done $0x0  }
0xa3: {  	s6 =	simm.s32 @!p0 $0x3;
	[sflag:s9] =	ssyncadd.s32 $0xFFFFF800  }
0xa4: {  	_ =	swait.ge @!p0 [sflag:s6], $0x2800  }
0xa5: {  	[sflag:s6] =	ssyncset.done @!p0 $0x0  }
0xa6: {  	s25 =	simm.s32 $0x0;
	[sflag:s6] =	ssyncadd.s32 @!p0 $0xFFFFD800  }
0xa7: {  	s24 =	simm.s32 $0x9F00;
	v5 =	vld [tilespmem:s25+$0x4F40]  }
0xa8: {  	v6 =	vld [tilespmem:s24+$0x0];
	_ =	sdelay $0x4  }
0xa9: {  	s26 =	simm.s32 $0x9F10;
	v5 =	vadd.f32 v6, v5  }
0xaa: {  	s24 =	simm.s32 $0x50;
	v8 =	vld [tilespmem:s26+$0x0]  }
0xab: {  	v7 =	vld [tilespmem:s24+$0x4F40];
	v6 =	vmul.f32 $2.000000030e-01, v5;
	_ =	sdelay $0x1  }
0xac: {  	s23 =	simm.s32 $0xA0;
	v5 =	vmax.f32 v5, v6  }
0xad: {  	s28 =	simm.s32 $0x9F20;
	v9 =	vld [tilespmem:s23+$0x4F40];
	v5 =	vmul.f32 $1.442695020e+00, v5  }
0xae: {  	v10 =	vld [tilespmem:s28+$0x0]  }
0xaf: {  	(erf) = vpow2.f32 v5;
	v5 =	vadd.f32 v8, v7;
	_ =	sdelay $0x1  }
0xb0: {  	v8 =	vmul.f32 $2.000000030e-01, v5;
	_ =	sdelay $0x1  }
0xb1: {  	v16 =	vld [tilespmem:s25+$0x4F30];
	v12 =	vadd.f32 v10, v9;
	v5 =	vmax.f32 v5, v8  }
0xb2: {  	s22 =	simm.s32 $0xF0;
	v11 =	vld [tilespmem:s25+$0x4F20];
	v5 =	vmul.f32 $1.442695020e+00, v5  }
0xb3: {  	s29 =	simm.s32 $0x9F30;
	v13 =	vmul.f32 $2.000000030e-01, v12;
	v7 =	vld [tilespmem:s22+$0x4F40]  }
0xb4: {  	v8 =	vld [tilespmem:s29+$0x0];
	(erf) = vpow2.f32 v5  }
0xb5: {  	s21 =	simm.s32 $0x140;
	v10 =	vld [tilespmem:s25+$0x4F00];
	v5 =	vmax.f32 v12, v13  }
0xb6: {  	v9 =	vld [tilespmem:s21+$0x4F40];
	v18 =	vmul.f32 $1.442695020e+00, v5  }
0xb7: {  	v6 =	vld [tilespmem:s25+$0x4F10];
	v17 =	vpop (erf)  }
0xb8: {  	v5 =	vld [tilespmem:s24+$0x4F10];
	v19 =	vperm.xlane v17, v4;
	(erf) = vpow2.f32 v18  }
0xb9: {  	s26 =	simm.s32 $0x9F40;
	v13 =	vadd.f32 v8, v7;
	v8 =	vld [tilespmem:s24+$0x4F30];
	v15 =	vperm.xlane v17, v1  }
0xba: {  	v12 =	vld [tilespmem:s26+$0x0];
	v14 =	vperm.xlane v17, v2;
	v16 =	vmul.f32 v16, v19  }
0xbb: {  	s20 =	sshll.u32 s19, $0x1;
	s6 =	simm.s32 $0x640;
	v7 =	vld [tilespmem:s24+$0x4F20];
	[tilespmem:s25+$0xAF40] =	vst v17;
	v17 =	vperm.xlane v17, v3;
	v18 =	vmul.f32 $2.000000030e-01, v13  }
.LBB2_5:
0xbc: {  	s28 =	sshra.s32 s6, $0x2;
	p1 =	sne.s32 s6, $0x9EC0;
	s6 =	sadd.s32 $0x140, s6;
	v15 =	vmul.f32 v10, v15;
	v10 =	vld [tilespmem:s24+$0x4F00];
	v19 =	vmul.f32 v6, v14;
	[tilespmem:s25+$0xAF30] =	vst v16;
	v14 =	vmov v9  }
.Ltmp5:
0xbd: {  	v9 =	vld [tilespmem:s28+$0x4F40];
	v13 =	vmax.f32 v13, v18;
	v20 =	vpop (erf);
	v21 =	vmul.f32 v11, v17;
	v6 =	vmov v5;
	(pc) =	sbr.rel @p1 .LBB2_5-.Ltmp5, $4  }
0xbe: {  	v16 =	vmul.f32 $1.442695020e+00, v13;
	v5 =	vld [tilespmem:s23+$0x4F10];
	v17 =	vperm.xlane v20, v4;
	[tilespmem:s25+$0xAF00] =	vst v15;
	v18 =	vmov v8  }
0xbf: {  	s26 =	sadd.s32 $0x10, s26;
	v15 =	vperm.xlane v20, v1;
	v13 =	vadd.f32 v12, v14;
	v8 =	vld [tilespmem:s23+$0x4F30];
	v14 =	vperm.xlane v20, v2;
	[tilespmem:s25+$0xAF20] =	vst v21  }
0xc0: {  	v12 =	vld [tilespmem:s26+$0x0];
	(erf) = vpow2.f32 v16;
	v16 =	vmul.f32 v18, v17;
	[tilespmem:s25+$0xAF10] =	vst v19;
	v11 =	vmov v7;
	s25 =	smov.u32 s24;
	s24 =	smov.u32 s23;
	s23 =	smov.u32 s22  }
0xc1: {  	v17 =	vperm.xlane v20, v3;
	s22 =	smov.u32 s21;
	s21 =	smov.u32 s28;
	v18 =	vmul.f32 $2.000000030e-01, v13;
	v7 =	vld [tilespmem:s24+$0x4F20];
	[tilespmem:s25+$0xAF40] =	vst v20  }
0xc2: {  	_ = 	snop  }
0xc3: {  	v13 =	vmax.f32 v13, v18  }
0xc4: {  	v13 =	vmul.f32 $1.442695020e+00, v13;
	_ =	sdelay $0x1  }
0xc5: {  	v10 =	vmul.f32 v10, v15;
	v38 =	vpop (erf);
	v9 =	vadd.f32 v12, v9;
	(erf) = vpow2.f32 v13  }
0xc6: {  	v37 =	vld [tilespmem:s24+$0x4F00];
	v6 =	vmul.f32 v6, v14;
	[tilespmem:s25+$0xAF30] =	vst v16;
	v11 =	vmul.f32 v11, v17  }
0xc7: {  	v39 =	vperm.xlane v38, v4;
	[tilespmem:s24+$0xAF40] =	vst v38;
	v40 =	vmul.f32 $2.000000030e-01, v9  }
0xc8: {  	v43 =	vld [tilespmem:s23+$0x4F30];
	v41 =	vperm.xlane v38, v1;
	[tilespmem:s25+$0xAF10] =	vst v6;
	v6 =	vperm.xlane v38, v3  }
0xc9: {  	v44 =	vld [tilespmem:s23+$0x4F00];
	v42 =	vperm.xlane v38, v2;
	[tilespmem:s25+$0xAF00] =	vst v10;
	v8 =	vmul.f32 v8, v39;
	v9 =	vmax.f32 v9, v40  }
0xca: {  	v46 =	vld [tilespmem:s23+$0x4F20];
	[tilespmem:s25+$0xAF20] =	vst v11;
	v6 =	vmul.f32 v7, v6;
	v9 =	vmul.f32 $1.442695020e+00, v9  }
0xcb: {  	v5 =	vmul.f32 v5, v42;
	v7 =	vld [tilespmem:s23+$0x4F10];
	v45 =	vmul.f32 v37, v41;
	[tilespmem:s24+$0xAF30] =	vst v8;
	v47 =	vpop (erf)  }
0xcc: {  	[tilespmem:s24+$0xAF20] =	vst v6;
	v6 =	vld [tilespmem:s22+$0x4F30];
	v48 =	vperm.xlane v47, v4;
	(erf) = vpow2.f32 v9  }
0xcd: {  	[tilespmem:s24+$0xAF10] =	vst v5;
	v49 =	vperm.xlane v47, v1;
	v5 =	vperm.xlane v47, v3  }
0xce: {  	[tilespmem:s24+$0xAF00] =	vst v45;
	v50 =	vperm.xlane v47, v2;
	v11 =	vmul.f32 v43, v48;
	v53 =	vpop (erf)  }
0xcf: {  	v51 =	vld [tilespmem:s22+$0x4F00];
	[tilespmem:s23+$0xAF40] =	vst v47;
	v9 =	vmul.f32 v44, v49;
	v55 =	vperm.xlane v53, v4  }
0xd0: {  	v52 =	vld [tilespmem:s22+$0x4F20];
	v5 =	vmul.f32 v46, v5;
	[tilespmem:s23+$0xAF30] =	vst v11  }
0xd1: {  	v54 =	vld [tilespmem:s22+$0x4F10];
	v7 =	vmul.f32 v7, v50;
	[tilespmem:s23+$0xAF00] =	vst v9;
	v6 =	vmul.f32 v6, v55  }
0xd2: {  	[tilespmem:s23+$0xAF20] =	vst v5;
	v56 =	vperm.xlane v53, v1  }
0xd3: {  	v5 =	vld [tilespmem:s21+$0x4F30];
	[tilespmem:s23+$0xAF10] =	vst v7;
	v7 =	vperm.xlane v53, v3  }
0xd4: {  	v58 =	vld [tilespmem:s21+$0x4F00];
	v57 =	vperm.xlane v53, v2;
	[tilespmem:s22+$0xAF40] =	vst v53;
	v8 =	vmul.f32 v51, v56  }
0xd5: {  	v59 =	vld [tilespmem:s21+$0x4F20];
	v7 =	vmul.f32 v52, v7;
	[tilespmem:s22+$0xAF30] =	vst v6;
	v6 =	vpop (erf)  }
0xd6: {  	v60 =	vld [tilespmem:s21+$0x4F10];
	v12 =	vmul.f32 v54, v57;
	[tilespmem:s22+$0xAF00] =	vst v8;
	v61 =	vperm.xlane v6, v4  }
0xd7: {  	[tilespmem:s22+$0xAF20] =	vst v7;
	v62 =	vperm.xlane v6, v1  }
0xd8: {  	[tilespmem:s22+$0xAF10] =	vst v12;
	v7 =	vperm.xlane v6, v3;
	v5 =	vmul.f32 v5, v61  }
0xd9: {  	v63 =	vperm.xlane v6, v2;
	[tilespmem:s21+$0xAF40] =	vst v6;
	v6 =	vmul.f32 v58, v62  }
0xda: {  	[tilespmem:s21+$0xAF30] =	vst v5;
	v5 =	vmul.f32 v59, v7  }
0xdb: {  	s6 =	sshll.u32 s19, $0xA;
	v7 =	vmul.f32 v60, v63;
	[tilespmem:s21+$0xAF00] =	vst v6  }
0xdc: {  	s6 =	sshra.s32 s6, $0x2;
	[tilespmem:s21+$0xAF20] =	vst v5  }
0xdd: {  	s6 =	sadd.s32 $0x2780, s6;
	[tilespmem:s21+$0xAF10] =	vst v7  }
0xde: {  	[spmem:s2] =	stream.indirect.scatter.add.f32 [tilespmem:s7], [sflag:$0x3], $0x50, s6, s8, $0xb8;
	[tilespmem:$0x1C700] =	vst v63  }
0xdf: {  	s6 =	sadd.s32 $0x2, s20  }
0xe0: {  	p1 =	sge.u32 s6, s15  }
0xe1: {  	s6 =	sshll.u32 @!p1 s6, $0x7;
	s21 =	simm.s32 @!p1 $0x80;
	s22 =	simm.s32 @!p1 $0x4F00  }
0xe2: {  	[tilespmem:s22], [sflag:$0x1] =	stream.indirect.gather @!p1 [hbm4b:s13+s21], $0x50, s6, s21, $0xb8;
	[tilespmem:$0x1C700] =	vst v63  }
0xe3: {  	s6 =	sadd.s32 @!p1 $0x2780, s6;
	s22 =	simm.s32 @!p1 $0x9F00  }
0xe4: {  	[tilespmem:s22], [sflag:$0x1] =	stream.indirect.gather @!p1 [hbm4b:s14+s21], $0x10, s6, s21, $0xb8;
	[tilespmem:$0x1C700] =	vst v63  }
0xe5: {  	s21 =	sor.u32 $0x1, s20  }
0xe6: {  	p1 =	sge.u32 s21, s15  }
.Ltmp6:
0xe7: {  	_ = 	snop;
	(pc) =	sbr.rel @p1 .LBB2_10-.Ltmp6, $1  }
0xe8: {  	_ =	sdelay $0x3  }
0xe9: {  	_ =	swait.ge [sflag:s10], $0x2800  }
0xea: {  	[sflag:s10] =	ssyncset.done $0x0  }
0xeb: {  	[sflag:s10] =	ssyncadd.s32 $0xFFFFD800  }
0xec: {  	_ =	swait.ge [sflag:s10], $0x800  }
0xed: {  	[sflag:s10] =	ssyncset.done $0x0  }
0xee: {  	s6 =	simm.s32 @!p0 $0x4;
	[sflag:s10] =	ssyncadd.s32 $0xFFFFF800  }
0xef: {  	_ =	swait.ge @!p0 [sflag:s6], $0x2800  }
0xf0: {  	[sflag:s6] =	ssyncset.done @!p0 $0x0  }
0xf1: {  	s26 =	simm.s32 $0x0;
	[sflag:s6] =	ssyncadd.s32 @!p0 $0xFFFFD800  }
0xf2: {  	s29 =	simm.s32 $0xA700;
	v5 =	vld [tilespmem:s26+$0x7740]  }
0xf3: {  	v6 =	vld [tilespmem:s29+$0x0];
	_ =	sdelay $0x4  }
0xf4: {  	s25 =	simm.s32 $0x50;
	v5 =	vadd.f32 v6, v5  }
0xf5: {  	s22 =	simm.s32 $0xA710;
	v7 =	vld [tilespmem:s25+$0x7740]  }
0xf6: {  	v8 =	vld [tilespmem:s22+$0x0];
	v6 =	vmul.f32 $2.000000030e-01, v5;
	_ =	sdelay $0x1  }
0xf7: {  	s24 =	simm.s32 $0xA0;
	v5 =	vmax.f32 v5, v6  }
0xf8: {  	s23 =	simm.s32 $0xA720;
	v9 =	vld [tilespmem:s24+$0x7740];
	v5 =	vmul.f32 $1.442695020e+00, v5  }
0xf9: {  	v10 =	vld [tilespmem:s23+$0x0]  }
0xfa: {  	(erf) = vpow2.f32 v5;
	v5 =	vadd.f32 v8, v7;
	_ =	sdelay $0x1  }
0xfb: {  	v8 =	vmul.f32 $2.000000030e-01, v5;
	_ =	sdelay $0x1  }
0xfc: {  	v16 =	vld [tilespmem:s26+$0x7730];
	v12 =	vadd.f32 v10, v9;
	v5 =	vmax.f32 v5, v8  }
0xfd: {  	s23 =	simm.s32 $0xF0;
	v11 =	vld [tilespmem:s26+$0x7720];
	v5 =	vmul.f32 $1.442695020e+00, v5  }
0xfe: {  	s29 =	simm.s32 $0xA730;
	v13 =	vmul.f32 $2.000000030e-01, v12;
	v7 =	vld [tilespmem:s23+$0x7740]  }
0xff: {  	v8 =	vld [tilespmem:s29+$0x0];
	(erf) = vpow2.f32 v5  }
0x100: {  	s22 =	simm.s32 $0x140;
	v10 =	vld [tilespmem:s26+$0x7700];
	v5 =	vmax.f32 v12, v13  }
0x101: {  	v9 =	vld [tilespmem:s22+$0x7740];
	v18 =	vmul.f32 $1.442695020e+00, v5  }
0x102: {  	v6 =	vld [tilespmem:s26+$0x7710];
	v17 =	vpop (erf)  }
0x103: {  	v5 =	vld [tilespmem:s25+$0x7710];
	v19 =	vperm.xlane v17, v4;
	(erf) = vpow2.f32 v18  }
0x104: {  	s6 =	simm.s32 $0xA740;
	v13 =	vadd.f32 v8, v7;
	v8 =	vld [tilespmem:s25+$0x7730];
	v15 =	vperm.xlane v17, v1  }
0x105: {  	v12 =	vld [tilespmem:s6+$0x0];
	v14 =	vperm.xlane v17, v2;
	v16 =	vmul.f32 v16, v19  }
0x106: {  	s28 =	simm.s32 $0x640;
	v7 =	vld [tilespmem:s25+$0x7720];
	[tilespmem:s26+$0xD740] =	vst v17;
	v17 =	vperm.xlane v17, v3;
	v18 =	vmul.f32 $2.000000030e-01, v13  }
.LBB2_8:
0x107: {  	s29 =	sshra.s32 s28, $0x2;
	p0 =	sne.s32 s28, $0x9EC0;
	s28 =	sadd.s32 $0x140, s28;
	v15 =	vmul.f32 v10, v15;
	v10 =	vld [tilespmem:s25+$0x7700];
	v19 =	vmul.f32 v6, v14;
	[tilespmem:s26+$0xD730] =	vst v16;
	v14 =	vmov v9  }
.Ltmp7:
0x108: {  	v9 =	vld [tilespmem:s29+$0x7740];
	v13 =	vmax.f32 v13, v18;
	v20 =	vpop (erf);
	v21 =	vmul.f32 v11, v17;
	v6 =	vmov v5;
	(pc) =	sbr.rel @p0 .LBB2_8-.Ltmp7, $4  }
0x109: {  	v16 =	vmul.f32 $1.442695020e+00, v13;
	v5 =	vld [tilespmem:s24+$0x7710];
	v17 =	vperm.xlane v20, v4;
	[tilespmem:s26+$0xD700] =	vst v15;
	v18 =	vmov v8  }
0x10a: {  	s6 =	sadd.s32 $0x10, s6;
	v15 =	vperm.xlane v20, v1;
	v13 =	vadd.f32 v12, v14;
	v8 =	vld [tilespmem:s24+$0x7730];
	v14 =	vperm.xlane v20, v2;
	[tilespmem:s26+$0xD720] =	vst v21  }
0x10b: {  	v12 =	vld [tilespmem:s6+$0x0];
	(erf) = vpow2.f32 v16;
	v16 =	vmul.f32 v18, v17;
	[tilespmem:s26+$0xD710] =	vst v19;
	v11 =	vmov v7;
	s26 =	smov.u32 s25;
	s25 =	smov.u32 s24;
	s24 =	smov.u32 s23  }
0x10c: {  	v17 =	vperm.xlane v20, v3;
	s23 =	smov.u32 s22;
	s22 =	smov.u32 s29;
	v18 =	vmul.f32 $2.000000030e-01, v13;
	v7 =	vld [tilespmem:s25+$0x7720];
	[tilespmem:s26+$0xD740] =	vst v20  }
0x10d: {  	_ = 	snop  }
0x10e: {  	v13 =	vmax.f32 v13, v18  }
0x10f: {  	v13 =	vmul.f32 $1.442695020e+00, v13;
	_ =	sdelay $0x1  }
0x110: {  	v10 =	vmul.f32 v10, v15;
	v38 =	vpop (erf);
	v9 =	vadd.f32 v12, v9;
	(erf) = vpow2.f32 v13  }
0x111: {  	v37 =	vld [tilespmem:s25+$0x7700];
	v6 =	vmul.f32 v6, v14;
	[tilespmem:s26+$0xD730] =	vst v16;
	v11 =	vmul.f32 v11, v17  }
0x112: {  	v39 =	vperm.xlane v38, v4;
	[tilespmem:s25+$0xD740] =	vst v38;
	v40 =	vmul.f32 $2.000000030e-01, v9  }
0x113: {  	v43 =	vld [tilespmem:s24+$0x7730];
	v41 =	vperm.xlane v38, v1;
	[tilespmem:s26+$0xD710] =	vst v6;
	v6 =	vperm.xlane v38, v3  }
0x114: {  	v44 =	vld [tilespmem:s24+$0x7700];
	v42 =	vperm.xlane v38, v2;
	[tilespmem:s26+$0xD700] =	vst v10;
	v8 =	vmul.f32 v8, v39;
	v9 =	vmax.f32 v9, v40  }
0x115: {  	v46 =	vld [tilespmem:s24+$0x7720];
	[tilespmem:s26+$0xD720] =	vst v11;
	v6 =	vmul.f32 v7, v6;
	v9 =	vmul.f32 $1.442695020e+00, v9  }
0x116: {  	v5 =	vmul.f32 v5, v42;
	v7 =	vld [tilespmem:s24+$0x7710];
	v45 =	vmul.f32 v37, v41;
	[tilespmem:s25+$0xD730] =	vst v8;
	v47 =	vpop (erf)  }
0x117: {  	[tilespmem:s25+$0xD720] =	vst v6;
	v6 =	vld [tilespmem:s23+$0x7730];
	v48 =	vperm.xlane v47, v4;
	(erf) = vpow2.f32 v9  }
0x118: {  	[tilespmem:s25+$0xD710] =	vst v5;
	v49 =	vperm.xlane v47, v1;
	v5 =	vperm.xlane v47, v3  }
0x119: {  	[tilespmem:s25+$0xD700] =	vst v45;
	v50 =	vperm.xlane v47, v2;
	v11 =	vmul.f32 v43, v48;
	v53 =	vpop (erf)  }
0x11a: {  	v51 =	vld [tilespmem:s23+$0x7700];
	[tilespmem:s24+$0xD740] =	vst v47;
	v9 =	vmul.f32 v44, v49;
	v55 =	vperm.xlane v53, v4  }
0x11b: {  	v52 =	vld [tilespmem:s23+$0x7720];
	v5 =	vmul.f32 v46, v5;
	[tilespmem:s24+$0xD730] =	vst v11  }
0x11c: {  	v54 =	vld [tilespmem:s23+$0x7710];
	v7 =	vmul.f32 v7, v50;
	[tilespmem:s24+$0xD700] =	vst v9;
	v6 =	vmul.f32 v6, v55  }
0x11d: {  	[tilespmem:s24+$0xD720] =	vst v5;
	v56 =	vperm.xlane v53, v1  }
0x11e: {  	v5 =	vld [tilespmem:s22+$0x7730];
	[tilespmem:s24+$0xD710] =	vst v7;
	v7 =	vperm.xlane v53, v3  }
0x11f: {  	v58 =	vld [tilespmem:s22+$0x7700];
	v57 =	vperm.xlane v53, v2;
	[tilespmem:s23+$0xD740] =	vst v53;
	v8 =	vmul.f32 v51, v56  }
0x120: {  	v59 =	vld [tilespmem:s22+$0x7720];
	v7 =	vmul.f32 v52, v7;
	[tilespmem:s23+$0xD730] =	vst v6;
	v6 =	vpop (erf)  }
0x121: {  	v60 =	vld [tilespmem:s22+$0x7710];
	v12 =	vmul.f32 v54, v57;
	[tilespmem:s23+$0xD700] =	vst v8;
	v61 =	vperm.xlane v6, v4  }
0x122: {  	[tilespmem:s23+$0xD720] =	vst v7;
	v62 =	vperm.xlane v6, v1  }
0x123: {  	[tilespmem:s23+$0xD710] =	vst v12;
	v7 =	vperm.xlane v6, v3;
	v5 =	vmul.f32 v5, v61  }
0x124: {  	v63 =	vperm.xlane v6, v2;
	[tilespmem:s22+$0xD740] =	vst v6;
	v6 =	vmul.f32 v58, v62  }
0x125: {  	[tilespmem:s22+$0xD730] =	vst v5;
	v5 =	vmul.f32 v59, v7  }
0x126: {  	s6 =	sshll.u32 s21, $0x7;
	v7 =	vmul.f32 v60, v63;
	[tilespmem:s22+$0xD700] =	vst v6  }
0x127: {  	s6 =	sand.u32 $0x3FFFFF80, s6;
	[tilespmem:s22+$0xD720] =	vst v5  }
0x128: {  	s6 =	sadd.s32 $0x2780, s6;
	[tilespmem:s22+$0xD710] =	vst v7  }
0x129: {  	[spmem:s2] =	stream.indirect.scatter.add.f32 [tilespmem:s11], [sflag:$0x4], $0x50, s6, s8, $0xb8;
	[tilespmem:$0x1C700] =	vst v63  }
0x12a: {  	s6 =	sadd.s32 $0x3, s20  }
.Ltmp8:
0x12b: {  	p0 =	sge.u32 s6, s15;
	(pc) =	sbr.rel .LBB2_10-.Ltmp8, $4  }
0x12c: {  	s6 =	sshll.u32 @!p0 s6, $0x7;
	s20 =	simm.s32 @!p0 $0x80;
	s21 =	simm.s32 @!p0 $0x7700  }
0x12d: {  	[tilespmem:s21], [sflag:$0x2] =	stream.indirect.gather @!p0 [hbm4b:s13+s20], $0x50, s6, s20, $0xb8;
	[tilespmem:$0x1C700] =	vst v63  }
0x12e: {  	s6 =	sadd.s32 @!p0 $0x2780, s6;
	s21 =	simm.s32 @!p0 $0xA700  }
0x12f: {  	[tilespmem:s21], [sflag:$0x2] =	stream.indirect.gather @!p0 [hbm4b:s14+s20], $0x10, s6, s20, $0xb8;
	[tilespmem:$0x1C700] =	vst v63  }
.LBB2_12:
0x130: {  	_ =	sfence.sel $0x180000  }
0x131: {  	[bflag:$0x0] =	sbarrier.arrive $0xFFFF  }
0x132: {  	_ =	strace $0x90000047  }
0x133: {  	s0 =	stileid.u32;
	[bflag:$0x2] =	sbarrier.arrive $0xFFFF  }
0x134: {  	p0 =	sne.s32 s0, $0x0;
	s0 =	rddreg [dreg:$0x3]  }
0x135: {  	s0 =	sadd.s32 @!p0 $0x100000, s0  }
0x136: {  	[sflag:s0] =	ssyncadd.tile.s32 @!p0 $0x1;
	_ =	shalt  }
.Lfunc_end2:
_tile_overlayer_lowered:
.L_overlay_start_2:
0x137: {  	(tag) =	ssettag $0x2  }
0x138: {  	s0 =	rddreg [dreg:$0x0];
	s2 =	stileid.u32  }
0x139: {  	s1 =	rddreg [dreg:$0x1];
	p0 =	sne.s32 s2, $0x0  }
0x13a: {  	s3 =	rddreg [dreg:$0x2];
	[bflag:$0x3] =	sbarrier.arrive $0xFFFF;
	s2 =	simm.s32 @!p0 $0x1C05  }
0x13b: {  	[timem:s3], [sflag:s2] =	dma.local @!p0 [hbm:s0], s1  }
0x13c: {  	s0 =	simm.s32 @!p0 $0x5  }
0x13d: {  	_ =	swait.ge @!p0 [sflag:s0], s1  }
0x13e: {  	s1 =	ssub.s32 @!p0 $0x0, s1;
	[sflag:s0] =	ssyncset.done @!p0 $0x0  }
0x13f: {  	[sflag:s0] =	ssyncadd.s32 @!p0 s1  }
0x140: {  	[bflag:$0x3] =	sbarrier.arrive $0xFFFF  }
0x141: {  	_ =	shalt  }

</sc_bundles>
